<compile_context>
chip_gen: v7x
topology: tpu7x:2x2x1
jax: 0.10.2.dev20260603
libtpu: 0.0.44.dev20260713+nightly
codegen_flags: <defaults>
</compile_context>

<pallas_src>
import functools

import jax
import jax.numpy as jnp
from jax import lax
from jax.experimental import pallas as pl
from jax.experimental.pallas import tpu as pltpu
from jax.experimental.pallas import tpu_sc as plsc

N = 10000
E = 320000
NFEAT = 128
NHID = 128
NCLASS = 64

NC = 2
NS = 16
CHUNK = 128
CHUNKS_PER_TILE = 160
E_PAD = NS * CHUNK * CHUNKS_PER_TILE
HALF_CHUNKS = CHUNKS_PER_TILE // 2
NPAD = 10240
ROWS_PER_TILE = NPAD // NS
ZROWS = 32


def _sc_aggregate(cw, mul, coff, with_degree):
    mesh = plsc.VectorSubcoreMesh(core_axis_name="c", subcore_axis_name="s")
    out_type = [jax.ShapeDtypeStruct((NC, NPAD, cw), jnp.float32)]
    scratch = [
        pltpu.VMEM_SHARED((NPAD, cw), jnp.float32),
        pltpu.VMEM((CHUNKS_PER_TILE, CHUNK), jnp.int32),
        pltpu.VMEM((CHUNKS_PER_TILE, CHUNK), jnp.int32),
        *[pltpu.VMEM((CHUNK, cw), jnp.float32) for _ in range(4)],
        pltpu.VMEM((ZROWS, cw), jnp.float32),
        *[pltpu.SemaphoreType.DMA for _ in range(4)],
        *[pltpu.SemaphoreType.DMA for _ in range(4)],
        pltpu.SemaphoreType.DMA,
    ]
    if with_degree:
        out_type.append(jax.ShapeDtypeStruct((NC, NPAD, 16), jnp.float32))
        scratch += [
            pltpu.VMEM_SHARED((NPAD, 16), jnp.float32),
            pltpu.VMEM((CHUNK, 16), jnp.float32),
            pltpu.VMEM((ZROWS, 16), jnp.float32),
            pltpu.SemaphoreType.DMA,
        ]

    @functools.partial(
        pl.kernel,
        out_type=tuple(out_type),
        mesh=mesh,
        scratch_types=tuple(scratch),
        compiler_params=pltpu.CompilerParams(use_tc_tiling_on_sc=False),
    )
    def k(table_hbm, src3_hbm, dst3_hbm, *refs):
        if with_degree:
            (out_hbm, deg_hbm, acc_sh, src_v, dst_v, r0, r1, r2, r3, zbuf,
             g0, g1, g2, g3, s0, s1, s2, s3, zsem,
             deg_sh, ones_v, zbufd, dsem) = refs
        else:
            (out_hbm, acc_sh, src_v, dst_v, r0, r1, r2, r3, zbuf,
             g0, g1, g2, g3, s0, s1, s2, s3, zsem) = refs
        rows = [r0, r1, r2, r3]
        gsem = [g0, g1, g2, g3]
        ssem = [s0, s1, s2, s3]

        cid = lax.axis_index("c")
        sid = lax.axis_index("s")

        z = jnp.zeros((16,), jnp.float32)

        def fill_z(i, _):
            for j in range(cw // 16):
                zbuf[i, pl.ds(j * 16, 16)] = z
            if with_degree:
                zbufd[i, :] = z
            return 0

        lax.fori_loop(0, ZROWS, fill_z, 0)

        if with_degree:
            one = jnp.ones((16,), jnp.float32)

            def fill_ones(i, _):
                ones_v[i, :] = one
                return 0

            lax.fori_loop(0, CHUNK, fill_ones, 0)

        row0 = sid * ROWS_PER_TILE
        nz = ROWS_PER_TILE // ZROWS

        def zero_body(i, _):
            pltpu.async_copy(zbuf, acc_sh.at[pl.ds(row0 + i * ZROWS, ZROWS)],
                             zsem)
            if with_degree:
                pltpu.async_copy(
                    zbufd, deg_sh.at[pl.ds(row0 + i * ZROWS, ZROWS)], zsem)
            return 0

        lax.fori_loop(0, nz, zero_body, 0)

        pltpu.sync_copy(src3_hbm.at[sid], src_v)
        pltpu.sync_copy(dst3_hbm.at[sid], dst_v)

        def zero_drain(i, _):
            pltpu.make_async_copy(
                zbuf, acc_sh.at[pl.ds(row0, ZROWS)], zsem).wait()
            if with_degree:
                pltpu.make_async_copy(
                    zbufd, deg_sh.at[pl.ds(row0, ZROWS)], zsem).wait()
            return 0

        lax.fori_loop(0, nz, zero_drain, 0)

        cadd = cid * coff

        def xform(i, _):
            for j in range(CHUNK // 16):
                sl = src_v[i, pl.ds(j * 16, 16)]
                src_v[i, pl.ds(j * 16, 16)] = sl * mul + cadd
            return 0

        lax.fori_loop(0, CHUNKS_PER_TILE, xform, 0)

        plsc.subcore_barrier()

        def fire_g(c, k):
            pltpu.async_copy(table_hbm.at[src_v.at[c]], rows[k], gsem[k])

        def wait_g(k):
            pltpu.make_async_copy(
                table_hbm.at[src_v.at[0]], rows[k], gsem[k]).wait()

        def fire_s(c, k):
            pltpu.async_copy(rows[k], acc_sh.at[dst_v.at[c]], ssem[k],
                             add=True)
            if with_degree:
                do = jnp.logical_or(
                    jnp.logical_and(cid == 0, c < HALF_CHUNKS),
                    jnp.logical_and(cid != 0, c >= HALF_CHUNKS))

                @pl.when(do)
                def _():
                    pltpu.async_copy(ones_v, deg_sh.at[dst_v.at[c]], dsem,
                                     add=True)

        def wait_s(k):
            pltpu.make_async_copy(
                rows[k], acc_sh.at[dst_v.at[0]], ssem[k]).wait()

        fire_g(0, 0)
        fire_g(1, 1)
        NGRP = CHUNKS_PER_TILE // 4

        def grp_body(g, _):
            for k in range(4):
                c = 4 * g + k
                wait_g(k)
                fire_s(c, k)
                k2 = (k + 2) % 4
                if k < 2:
                    @pl.when(g > 0)
                    def _():
                        wait_s(k2)

                    fire_g(c + 2, k2)
                else:
                    wait_s(k2)

                    @pl.when(g < NGRP - 1)
                    def _():
                        fire_g(c + 2, k2)
            return 0

        lax.fori_loop(0, NGRP, grp_body, 0)

        wait_s((CHUNKS_PER_TILE - 2) % 4)
        wait_s((CHUNKS_PER_TILE - 1) % 4)

        if with_degree:
            def deg_drain(i, _):
                pltpu.make_async_copy(
                    ones_v, deg_sh.at[dst_v.at[0]], dsem).wait()
                return 0

            lax.fori_loop(0, HALF_CHUNKS, deg_drain, 0)

        plsc.subcore_barrier()

        pltpu.async_copy(
            acc_sh.at[pl.ds(row0, ROWS_PER_TILE)],
            out_hbm.at[cid, pl.ds(row0, ROWS_PER_TILE)],
            zsem)
        if with_degree:
            pltpu.async_copy(
                deg_sh.at[pl.ds(row0, ROWS_PER_TILE)],
                deg_hbm.at[cid, pl.ds(row0, ROWS_PER_TILE)],
                zsem)
            pltpu.make_async_copy(
                deg_sh.at[pl.ds(row0, ROWS_PER_TILE)],
                deg_hbm.at[cid, pl.ds(row0, ROWS_PER_TILE)],
                zsem).wait()
        pltpu.make_async_copy(
            acc_sh.at[pl.ds(row0, ROWS_PER_TILE)],
            out_hbm.at[cid, pl.ds(row0, ROWS_PER_TILE)],
            zsem).wait()

    return k


_sc_agg_l1 = _sc_aggregate(NFEAT // NC, 2, 1, with_degree=True)
_sc_agg_l2 = _sc_aggregate(NCLASS // NC, 1, N, with_degree=False)

BR = 1000
NBLK = N // BR
CW1 = NFEAT // NC
CW2 = NCLASS // NC

_DN = (((1,), (1,)), ((), ()))


def _tc_self_body(x_ref, w1r_ref, b1_ref, xr_ref):
    xr_ref[...] = lax.dot_general(
        x_ref[...], w1r_ref[...], _DN,
        preferred_element_type=jnp.float32) + b1_ref[...]


def _tc_main_body(agg_ref, deg_ref, xr_ref, w1l_ref, w2l_ref, w2r_ref,
                  hl_ref, hr_ref):
    agg = jnp.concatenate([agg_ref[0], agg_ref[1]], axis=1)
    deg = deg_ref[0, :, :1] + deg_ref[1, :, :1]
    inv = 1.0 / jnp.maximum(deg, 1.0)
    mean = agg * inv
    h = lax.dot_general(mean, w1l_ref[...], _DN,
                        preferred_element_type=jnp.float32) + xr_ref[...]
    hl = lax.dot_general(h, w2l_ref[...], _DN,
                         preferred_element_type=jnp.float32)
    hl_ref[0] = hl[:, :CW2]
    hl_ref[1] = hl[:, CW2:]
    hr_ref[...] = lax.dot_general(h, w2r_ref[...], _DN,
                                  preferred_element_type=jnp.float32)


def _tc_final_body(agg_ref, deg_ref, hr_ref, b2_ref, out_ref):
    agg = jnp.concatenate([agg_ref[0], agg_ref[1]], axis=1)
    deg = deg_ref[0, :, :1] + deg_ref[1, :, :1]
    inv = 1.0 / jnp.maximum(deg, 1.0)
    z = agg * inv + b2_ref[...] + hr_ref[...]
    m = jnp.max(z, axis=1, keepdims=True)
    lse = m + jnp.log(jnp.sum(jnp.exp(z - m), axis=1, keepdims=True))
    out_ref[...] = z - lse


def _tc_self(x, W1r, b1):
    return pl.pallas_call(
        _tc_self_body,
        grid=(NBLK,),
        in_specs=[
            pl.BlockSpec((BR, NFEAT), lambda r: (r, 0)),
            pl.BlockSpec((NHID, NFEAT), lambda r: (0, 0)),
            pl.BlockSpec((1, NHID), lambda r: (0, 0)),
        ],
        out_specs=pl.BlockSpec((BR, NHID), lambda r: (r, 0)),
        out_shape=jax.ShapeDtypeStruct((N, NHID), jnp.float32),
    )(x, W1r, b1)


def _tc_main(agg1, deg, xr, W1l, W2l, W2r):
    return pl.pallas_call(
        _tc_main_body,
        grid=(NBLK,),
        in_specs=[
            pl.BlockSpec((NC, BR, CW1), lambda r: (0, r, 0)),
            pl.BlockSpec((NC, BR, 16), lambda r: (0, r, 0)),
            pl.BlockSpec((BR, NHID), lambda r: (r, 0)),
            pl.BlockSpec((NHID, NFEAT), lambda r: (0, 0)),
            pl.BlockSpec((NCLASS, NHID), lambda r: (0, 0)),
            pl.BlockSpec((NCLASS, NHID), lambda r: (0, 0)),
        ],
        out_specs=[
            pl.BlockSpec((NC, BR, CW2), lambda r: (0, r, 0)),
            pl.BlockSpec((BR, NCLASS), lambda r: (r, 0)),
        ],
        out_shape=[
            jax.ShapeDtypeStruct((NC, N, CW2), jnp.float32),
            jax.ShapeDtypeStruct((N, NCLASS), jnp.float32),
        ],
    )(agg1, deg, xr, W1l, W2l, W2r)


def _tc_final(agg2, deg, hr, b2):
    return pl.pallas_call(
        _tc_final_body,
        grid=(NBLK,),
        in_specs=[
            pl.BlockSpec((NC, BR, CW2), lambda r: (0, r, 0)),
            pl.BlockSpec((NC, BR, 16), lambda r: (0, r, 0)),
            pl.BlockSpec((BR, NCLASS), lambda r: (r, 0)),
            pl.BlockSpec((1, NCLASS), lambda r: (0, 0)),
        ],
        out_specs=pl.BlockSpec((BR, NCLASS), lambda r: (r, 0)),
        out_shape=jax.ShapeDtypeStruct((N, NCLASS), jnp.float32),
    )(agg2, deg, hr, b2)


@jax.jit
def kernel(x, edge_index, W1l, b1, W1r, W2l, b2, W2r):
    src = edge_index[0]
    dst = edge_index[1]
    pad = E_PAD - E
    srcp = jnp.concatenate([src, jnp.arange(pad, dtype=jnp.int32) % N])
    dummy = N + jnp.arange(pad, dtype=jnp.int32) % (NPAD - N)
    dstp = jnp.concatenate([dst, dummy])
    src3 = srcp.reshape(NS, CHUNKS_PER_TILE, CHUNK)
    dst3 = dstp.reshape(NS, CHUNKS_PER_TILE, CHUNK)

    agg1, deg = _sc_agg_l1(x.reshape(2 * N, CW1), src3, dst3)

    xr = _tc_self(x, W1r, b1.reshape(1, NHID))
    hl, hr = _tc_main(agg1, deg, xr, W1l, W2l, W2r)

    (agg2,) = _sc_agg_l2(hl.reshape(NC * N, CW2), src3, dst3)

    out = _tc_final(agg2, deg, hr, b2.reshape(1, NCLASS))
    return out

# --- scband reference (transcript-rebuilt; emitter-appended) ---
"""Pipeline reference for scband-graph-sage-18640158065248 (READ-ONLY COPY).

The authoritative reference and input builder live on the scoring server;
editing this copy changes nothing except your own understanding.
"""

import jax, jax.numpy as jnp
import numpy as np

N, E, NFEAT, NHID, NCLASS = 10000, 320000, 128, 128, 64


def setup_inputs(seed: int = 0) -> dict:
    key = jax.random.key(seed)
    ks = jax.random.split(key, 8)
    x = jax.random.normal(ks[0], (N, NFEAT), dtype=jnp.float32)
    edge_index = jax.random.randint(ks[1], (2, E), 0, N, dtype=jnp.int32)
    s1 = 1.0 / np.sqrt(NFEAT)
    s2 = 1.0 / np.sqrt(NHID)
    W1l = jax.random.normal(ks[2], (NHID, NFEAT), dtype=jnp.float32) * s1
    b1 = jnp.zeros((NHID,), dtype=jnp.float32)
    W1r = jax.random.normal(ks[3], (NHID, NFEAT), dtype=jnp.float32) * s1
    W2l = jax.random.normal(ks[4], (NCLASS, NHID), dtype=jnp.float32) * s2
    b2 = jnp.zeros((NCLASS,), dtype=jnp.float32)
    W2r = jax.random.normal(ks[5], (NCLASS, NHID), dtype=jnp.float32) * s2
    return {"x": x, "edge_index": edge_index, "W1l": W1l, "b1": b1, "W1r": W1r, "W2l": W2l, "b2": b2, "W2r": W2r}


def _sage_conv(x, edge_index, Wl, bl, Wr):
    # PyG-style SAGEConv: out = lin_l(mean_{j in N(i)} x_j) + lin_r(x_i)
    src = edge_index[0]
    dst = edge_index[1]
    n = x.shape[0]
    msgs = jnp.take(x, src, axis=0)
    agg = jax.ops.segment_sum(msgs, dst, num_segments=n)
    deg = jax.ops.segment_sum(jnp.ones((edge_index.shape[1],), dtype=x.dtype), dst, num_segments=n)
    mean = agg / jnp.clip(deg, 1.0)[:, None]
    return mean @ Wl.T + bl + x @ Wr.T


def reference(x, edge_index, W1l, b1, W1r, W2l, b2, W2r):
    h = _sage_conv(x, edge_index, W1l, b1, W1r)
    out = _sage_conv(h, edge_index, W2l, b2, W2r)
    return jax.nn.log_softmax(out, axis=1)

if __name__ == "__main__":
    import jax
    _d = setup_inputs()
    print(jax.jit(kernel)(*tuple(_d.values())))

</pallas_src>

<mosaic_0001>
#map = affine_map<(d0, d1) -> (0, 0)>
#map1 = affine_map<(d0, d1) -> (0, 0, 0)>
module attributes {stable_mosaic.version = 14 : i64} {
  func.func @k(%arg0: i32, %arg1: i32, %arg2: memref<20000x64xf32, #tpu.memory_space<hbm>>, %arg3: memref<16x160x128xi32, #tpu.memory_space<hbm>>, %arg4: memref<16x160x128xi32, #tpu.memory_space<hbm>>, %arg5: memref<2x10240x64xf32, #tpu.memory_space<hbm>>, %arg6: memref<2x10240x16xf32, #tpu.memory_space<hbm>>, %arg7: memref<10240x64xf32, #tpu.memory_space<vmem_shared>>, %arg8: memref<160x128xi32, #tpu.memory_space<vmem>>, %arg9: memref<160x128xi32, #tpu.memory_space<vmem>>, %arg10: memref<128x64xf32, #tpu.memory_space<vmem>>, %arg11: memref<128x64xf32, #tpu.memory_space<vmem>>, %arg12: memref<128x64xf32, #tpu.memory_space<vmem>>, %arg13: memref<128x64xf32, #tpu.memory_space<vmem>>, %arg14: memref<32x64xf32, #tpu.memory_space<vmem>>, %arg15: memref<!tpu.dma_semaphore, #tpu.memory_space<semaphore_mem>>, %arg16: memref<!tpu.dma_semaphore, #tpu.memory_space<semaphore_mem>>, %arg17: memref<!tpu.dma_semaphore, #tpu.memory_space<semaphore_mem>>, %arg18: memref<!tpu.dma_semaphore, #tpu.memory_space<semaphore_mem>>, %arg19: memref<!tpu.dma_semaphore, #tpu.memory_space<semaphore_mem>>, %arg20: memref<!tpu.dma_semaphore, #tpu.memory_space<semaphore_mem>>, %arg21: memref<!tpu.dma_semaphore, #tpu.memory_space<semaphore_mem>>, %arg22: memref<!tpu.dma_semaphore, #tpu.memory_space<semaphore_mem>>, %arg23: memref<!tpu.dma_semaphore, #tpu.memory_space<semaphore_mem>>, %arg24: memref<10240x16xf32, #tpu.memory_space<vmem_shared>>, %arg25: memref<128x16xf32, #tpu.memory_space<vmem>>, %arg26: memref<32x16xf32, #tpu.memory_space<vmem>>, %arg27: memref<!tpu.dma_semaphore, #tpu.memory_space<semaphore_mem>>) attributes {dimension_semantics = [#tpu.dimension_semantics<core_parallel>, #tpu.dimension_semantics<subcore_parallel>], iteration_bounds = array<i64: 2, 16>, scalar_prefetch = 0 : i64, scratch_operands = 21 : i64, tpu.core_type = #tpu.core_type<sc_vector_subcore>, window_params = [{transform_indices = #map}, {transform_indices = #map1}, {transform_indices = #map1}, {transform_indices = #map1}, {transform_indices = #map1}]} {
    %broadcast_in_dim3A = arith.constant 0.000000e+00 : f32
    %broadcast_in_dim3A_0 = vector.broadcast %broadcast_in_dim3A : f32 to vector<16xf32>
    %scan3A = arith.constant 0 : i32
    %scan3A_1 = arith.constant 0 : i32
    %scan3A_2 = arith.constant 32 : i32
    %scan3A_3 = arith.addi %scan3A_1, %scan3A_2 : i32
    %scan3A_4 = arith.constant 1 : i32
    %scan3A_5 = scf.for %scan3A_101 = %scan3A_1 to %scan3A_3 step %scan3A_4 iter_args(%scan3A_102 = %scan3A) -> (i32)  : i32 {
      %swap3A = arith.index_cast %scan3A_101 : i32 to index
      %swap3A_103 = arith.constant 0 : index
      %swap3A_104 = tpu.vector_load %arg14[%swap3A, %swap3A_103] {strides = array<i32>} : memref<32x64xf32, #tpu.memory_space<vmem>>, vector<1x16xf32>,
      %swap3A_105 = vector.shape_cast %swap3A_104 : vector<1x16xf32> to vector<16xf32>
      %swap3A_106 = vector.shape_cast %broadcast_in_dim3A_0 : vector<16xf32> to vector<1x16xf32>
      tpu.vector_store %arg14[%swap3A, %swap3A_103], %swap3A_106 {strides = array<i32>} : memref<32x64xf32, #tpu.memory_space<vmem>>, vector<1x16xf32>,
      %swap3A_107 = arith.index_cast %scan3A_101 : i32 to index
      %swap3A_108 = arith.constant 16 : index
      %swap3A_109 = tpu.vector_load %arg14[%swap3A_107, %swap3A_108] {strides = array<i32>} : memref<32x64xf32, #tpu.memory_space<vmem>>, vector<1x16xf32>,
      %swap3A_110 = vector.shape_cast %swap3A_109 : vector<1x16xf32> to vector<16xf32>
      %swap3A_111 = vector.shape_cast %broadcast_in_dim3A_0 : vector<16xf32> to vector<1x16xf32>
      tpu.vector_store %arg14[%swap3A_107, %swap3A_108], %swap3A_111 {strides = array<i32>} : memref<32x64xf32, #tpu.memory_space<vmem>>, vector<1x16xf32>,
      %swap3A_112 = arith.index_cast %scan3A_101 : i32 to index
      %swap3A_113 = arith.constant 32 : index
      %swap3A_114 = tpu.vector_load %arg14[%swap3A_112, %swap3A_113] {strides = array<i32>} : memref<32x64xf32, #tpu.memory_space<vmem>>, vector<1x16xf32>,
      %swap3A_115 = vector.shape_cast %swap3A_114 : vector<1x16xf32> to vector<16xf32>
      %swap3A_116 = vector.shape_cast %broadcast_in_dim3A_0 : vector<16xf32> to vector<1x16xf32>
      tpu.vector_store %arg14[%swap3A_112, %swap3A_113], %swap3A_116 {strides = array<i32>} : memref<32x64xf32, #tpu.memory_space<vmem>>, vector<1x16xf32>,
      %swap3A_117 = arith.index_cast %scan3A_101 : i32 to index
      %swap3A_118 = arith.constant 48 : index
      %swap3A_119 = tpu.vector_load %arg14[%swap3A_117, %swap3A_118] {strides = array<i32>} : memref<32x64xf32, #tpu.memory_space<vmem>>, vector<1x16xf32>,
      %swap3A_120 = vector.shape_cast %swap3A_119 : vector<1x16xf32> to vector<16xf32>
      %swap3A_121 = vector.shape_cast %broadcast_in_dim3A_0 : vector<16xf32> to vector<1x16xf32>
      tpu.vector_store %arg14[%swap3A_117, %swap3A_118], %swap3A_121 {strides = array<i32>} : memref<32x64xf32, #tpu.memory_space<vmem>>, vector<1x16xf32>,
      %swap3A_122 = arith.index_cast %scan3A_101 : i32 to index
      %swap3A_123 = arith.constant 0 : index
      %swap3A_124 = tpu.vector_load %arg26[%swap3A_122, %swap3A_123] {strides = array<i32>} : memref<32x16xf32, #tpu.memory_space<vmem>>, vector<1x16xf32>,
      %swap3A_125 = vector.shape_cast %swap3A_124 : vector<1x16xf32> to vector<16xf32>
      %swap3A_126 = vector.shape_cast %broadcast_in_dim3A_0 : vector<16xf32> to vector<1x16xf32>
      tpu.vector_store %arg26[%swap3A_122, %swap3A_123], %swap3A_126 {strides = array<i32>} : memref<32x16xf32, #tpu.memory_space<vmem>>, vector<1x16xf32>,
      %scan3A_127 = arith.constant 0 : i32
      scf.yield %scan3A_127 : i32
    }
    %scan3A_6 = arith.constant 32 : i32
    %broadcast_in_dim3A_7 = arith.constant 1.000000e+00 : f32
    %broadcast_in_dim3A_8 = vector.broadcast %broadcast_in_dim3A_7 : f32 to vector<16xf32>
    %scan3A_9 = arith.constant 0 : i32
    %scan3A_10 = arith.constant 0 : i32
    %scan3A_11 = arith.constant 128 : i32
    %scan3A_12 = arith.addi %scan3A_10, %scan3A_11 : i32
    %scan3A_13 = arith.constant 1 : i32
    %scan3A_14 = scf.for %scan3A_101 = %scan3A_10 to %scan3A_12 step %scan3A_13 iter_args(%scan3A_102 = %scan3A_9) -> (i32)  : i32 {
      %swap3A = arith.index_cast %scan3A_101 : i32 to index
      %swap3A_103 = arith.constant 0 : index
      %swap3A_104 = tpu.vector_load %arg25[%swap3A, %swap3A_103] {strides = array<i32>} : memref<128x16xf32, #tpu.memory_space<vmem>>, vector<1x16xf32>,
      %swap3A_105 = vector.shape_cast %swap3A_104 : vector<1x16xf32> to vector<16xf32>
      %swap3A_106 = vector.shape_cast %broadcast_in_dim3A_8 : vector<16xf32> to vector<1x16xf32>
      tpu.vector_store %arg25[%swap3A, %swap3A_103], %swap3A_106 {strides = array<i32>} : memref<128x16xf32, #tpu.memory_space<vmem>>, vector<1x16xf32>,
      %scan3A_107 = arith.constant 0 : i32
      scf.yield %scan3A_107 : i32
    }
    %scan3A_15 = arith.constant 128 : i32
    %mul3A = arith.constant 640 : i32
    %mul3A_16 = arith.muli %arg1, %mul3A : i32
    %scan3A_17 = arith.constant 0 : i32
    %scan3A_18 = arith.constant 0 : i32
    %scan3A_19 = arith.constant 20 : i32
    %scan3A_20 = arith.addi %scan3A_18, %scan3A_19 : i32
    %scan3A_21 = arith.constant 1 : i32
    %scan3A_22 = scf.for %scan3A_101 = %scan3A_18 to %scan3A_20 step %scan3A_21 iter_args(%scan3A_102 = %scan3A_17) -> (i32)  : i32 {
      %mul3A_103 = arith.constant 32 : i32
      %mul3A_104 = arith.muli %scan3A_101, %mul3A_103 : i32
      %add3A = arith.addi %mul3A_16, %mul3A_104 : i32
      %dma_start3A_105 = arith.constant 0 : i32
      %dma_start3A_106 = tpu.memref_slice %arg7[%add3A, %dma_start3A_105] : memref<10240x64xf32, #tpu.memory_space<vmem_shared>> -> memref<32x64xf32, #tpu.memory_space<vmem_shared>>
      %dma_start3A_107 = arith.constant 0 : i32
      %dma_start3A_108 = tpu.memref_slice %arg7[%add3A, %dma_start3A_107] : memref<10240x64xf32, #tpu.memory_space<vmem_shared>> -> memref<32x64xf32, #tpu.memory_space<vmem_shared>>
      tpu.enqueue_dma source(%arg14 : memref<32x64xf32, #tpu.memory_space<vmem>>) target(%dma_start3A_108 : memref<32x64xf32, #tpu.memory_space<vmem_shared>>) target_semaphore(%arg23 : memref<!tpu.dma_semaphore, #tpu.memory_space<semaphore_mem>>)
      %mul3A_109 = arith.constant 32 : i32
      %mul3A_110 = arith.muli %scan3A_101, %mul3A_109 : i32
      %add3A_111 = arith.addi %mul3A_16, %mul3A_110 : i32
      %dma_start3A_112 = arith.constant 0 : i32
      %dma_start3A_113 = tpu.memref_slice %arg24[%add3A_111, %dma_start3A_112] : memref<10240x16xf32, #tpu.memory_space<vmem_shared>> -> memref<32x16xf32, #tpu.memory_space<vmem_shared>>
      %dma_start3A_114 = arith.constant 0 : i32
      %dma_start3A_115 = tpu.memref_slice %arg24[%add3A_111, %dma_start3A_114] : memref<10240x16xf32, #tpu.memory_space<vmem_shared>> -> memref<32x16xf32, #tpu.memory_space<vmem_shared>>
      tpu.enqueue_dma source(%arg26 : memref<32x16xf32, #tpu.memory_space<vmem>>) target(%dma_start3A_115 : memref<32x16xf32, #tpu.memory_space<vmem_shared>>) target_semaphore(%arg23 : memref<!tpu.dma_semaphore, #tpu.memory_space<semaphore_mem>>)
      %scan3A_116 = arith.constant 0 : i32
      scf.yield %scan3A_116 : i32
    }
    %scan3A_23 = arith.constant 20 : i32
    "tpu.region"() ({
      %run_scoped3A = tpu.sem_alloc : memref<!tpu.dma_semaphore, #tpu.memory_space<semaphore_mem>>
      %dma_start3A_101 = arith.constant 0 : i32
      %dma_start3A_102 = arith.constant 0 : i32
      %dma_start3A_103 = tpu.memref_slice %arg3[%arg1, %dma_start3A_101, %dma_start3A_102] : memref<16x160x128xi32, #tpu.memory_space<hbm>> -> memref<1x160x128xi32, #tpu.memory_space<hbm>>
      %dma_start3A_104 = tpu.memref_squeeze %dma_start3A_103 : memref<1x160x128xi32, #tpu.memory_space<hbm>> -> memref<160x128xi32, #tpu.memory_space<hbm>>
      %dma_start3A_105 = arith.constant 0 : i32
      %dma_start3A_106 = arith.constant 0 : i32
      %dma_start3A_107 = tpu.memref_slice %arg3[%arg1, %dma_start3A_105, %dma_start3A_106] : memref<16x160x128xi32, #tpu.memory_space<hbm>> -> memref<1x160x128xi32, #tpu.memory_space<hbm>>
      %dma_start3A_108 = tpu.memref_squeeze %dma_start3A_107 : memref<1x160x128xi32, #tpu.memory_space<hbm>> -> memref<160x128xi32, #tpu.memory_space<hbm>>
      tpu.enqueue_dma source(%dma_start3A_108 : memref<160x128xi32, #tpu.memory_space<hbm>>) target(%arg8 : memref<160x128xi32, #tpu.memory_space<vmem>>) target_semaphore(%run_scoped3A : memref<!tpu.dma_semaphore, #tpu.memory_space<semaphore_mem>>)
      %dma_wait3A_109 = arith.constant 0 : i32
      %dma_wait3A_110 = arith.constant 0 : i32
      %dma_wait3A_111 = tpu.memref_slice %arg3[%arg1, %dma_wait3A_109, %dma_wait3A_110] : memref<16x160x128xi32, #tpu.memory_space<hbm>> -> memref<1x160x128xi32, #tpu.memory_space<hbm>>
      %dma_wait3A_112 = tpu.memref_squeeze %dma_wait3A_111 : memref<1x160x128xi32, #tpu.memory_space<hbm>> -> memref<160x128xi32, #tpu.memory_space<hbm>>
      %dma_wait3A_113 = arith.constant 0 : i32
      %dma_wait3A_114 = arith.constant 0 : i32
      %dma_wait3A_115 = tpu.memref_slice %arg3[%arg1, %dma_wait3A_113, %dma_wait3A_114] : memref<16x160x128xi32, #tpu.memory_space<hbm>> -> memref<1x160x128xi32, #tpu.memory_space<hbm>>
      %dma_wait3A_116 = tpu.memref_squeeze %dma_wait3A_115 : memref<1x160x128xi32, #tpu.memory_space<hbm>> -> memref<160x128xi32, #tpu.memory_space<hbm>>
      tpu.wait_dma2 semaphore(%run_scoped3A : memref<!tpu.dma_semaphore, #tpu.memory_space<semaphore_mem>>) src(%dma_wait3A_116 : memref<160x128xi32, #tpu.memory_space<hbm>>) dst(%arg8 : memref<160x128xi32, #tpu.memory_space<vmem>>)
      tpu.yield
    }) : () -> ()
    "tpu.region"() ({
      %run_scoped3A = tpu.sem_alloc : memref<!tpu.dma_semaphore, #tpu.memory_space<semaphore_mem>>
      %dma_start3A_101 = arith.constant 0 : i32
      %dma_start3A_102 = arith.constant 0 : i32
      %dma_start3A_103 = tpu.memref_slice %arg4[%arg1, %dma_start3A_101, %dma_start3A_102] : memref<16x160x128xi32, #tpu.memory_space<hbm>> -> memref<1x160x128xi32, #tpu.memory_space<hbm>>
      %dma_start3A_104 = tpu.memref_squeeze %dma_start3A_103 : memref<1x160x128xi32, #tpu.memory_space<hbm>> -> memref<160x128xi32, #tpu.memory_space<hbm>>
      %dma_start3A_105 = arith.constant 0 : i32
      %dma_start3A_106 = arith.constant 0 : i32
      %dma_start3A_107 = tpu.memref_slice %arg4[%arg1, %dma_start3A_105, %dma_start3A_106] : memref<16x160x128xi32, #tpu.memory_space<hbm>> -> memref<1x160x128xi32, #tpu.memory_space<hbm>>
      %dma_start3A_108 = tpu.memref_squeeze %dma_start3A_107 : memref<1x160x128xi32, #tpu.memory_space<hbm>> -> memref<160x128xi32, #tpu.memory_space<hbm>>
      tpu.enqueue_dma source(%dma_start3A_108 : memref<160x128xi32, #tpu.memory_space<hbm>>) target(%arg9 : memref<160x128xi32, #tpu.memory_space<vmem>>) target_semaphore(%run_scoped3A : memref<!tpu.dma_semaphore, #tpu.memory_space<semaphore_mem>>)
      %dma_wait3A_109 = arith.constant 0 : i32
      %dma_wait3A_110 = arith.constant 0 : i32
      %dma_wait3A_111 = tpu.memref_slice %arg4[%arg1, %dma_wait3A_109, %dma_wait3A_110] : memref<16x160x128xi32, #tpu.memory_space<hbm>> -> memref<1x160x128xi32, #tpu.memory_space<hbm>>
      %dma_wait3A_112 = tpu.memref_squeeze %dma_wait3A_111 : memref<1x160x128xi32, #tpu.memory_space<hbm>> -> memref<160x128xi32, #tpu.memory_space<hbm>>
      %dma_wait3A_113 = arith.constant 0 : i32
      %dma_wait3A_114 = arith.constant 0 : i32
      %dma_wait3A_115 = tpu.memref_slice %arg4[%arg1, %dma_wait3A_113, %dma_wait3A_114] : memref<16x160x128xi32, #tpu.memory_space<hbm>> -> memref<1x160x128xi32, #tpu.memory_space<hbm>>
      %dma_wait3A_116 = tpu.memref_squeeze %dma_wait3A_115 : memref<1x160x128xi32, #tpu.memory_space<hbm>> -> memref<160x128xi32, #tpu.memory_space<hbm>>
      tpu.wait_dma2 semaphore(%run_scoped3A : memref<!tpu.dma_semaphore, #tpu.memory_space<semaphore_mem>>) src(%dma_wait3A_116 : memref<160x128xi32, #tpu.memory_space<hbm>>) dst(%arg9 : memref<160x128xi32, #tpu.memory_space<vmem>>)
      tpu.yield
    }) : () -> ()
    %scan3A_24 = arith.constant 0 : i32
    %scan3A_25 = arith.constant 0 : i32
    %scan3A_26 = arith.constant 20 : i32
    %scan3A_27 = arith.addi %scan3A_25, %scan3A_26 : i32
    %scan3A_28 = arith.constant 1 : i32
    %scan3A_29 = scf.for %scan3A_101 = %scan3A_25 to %scan3A_27 step %scan3A_28 iter_args(%scan3A_102 = %scan3A_24) -> (i32)  : i32 {
      %dma_wait3A_103 = arith.constant 0 : i32
      %dma_wait3A_104 = tpu.memref_slice %arg7[%mul3A_16, %dma_wait3A_103] : memref<10240x64xf32, #tpu.memory_space<vmem_shared>> -> memref<32x64xf32, #tpu.memory_space<vmem_shared>>
      %dma_wait3A_105 = arith.constant 0 : i32
      %dma_wait3A_106 = tpu.memref_slice %arg7[%mul3A_16, %dma_wait3A_105] : memref<10240x64xf32, #tpu.memory_space<vmem_shared>> -> memref<32x64xf32, #tpu.memory_space<vmem_shared>>
      tpu.wait_dma2 semaphore(%arg23 : memref<!tpu.dma_semaphore, #tpu.memory_space<semaphore_mem>>) src(%arg14 : memref<32x64xf32, #tpu.memory_space<vmem>>) dst(%dma_wait3A_106 : memref<32x64xf32, #tpu.memory_space<vmem_shared>>)
      %dma_wait3A_107 = arith.constant 0 : i32
      %dma_wait3A_108 = tpu.memref_slice %arg24[%mul3A_16, %dma_wait3A_107] : memref<10240x16xf32, #tpu.memory_space<vmem_shared>> -> memref<32x16xf32, #tpu.memory_space<vmem_shared>>
      %dma_wait3A_109 = arith.constant 0 : i32
      %dma_wait3A_110 = tpu.memref_slice %arg24[%mul3A_16, %dma_wait3A_109] : memref<10240x16xf32, #tpu.memory_space<vmem_shared>> -> memref<32x16xf32, #tpu.memory_space<vmem_shared>>
      tpu.wait_dma2 semaphore(%arg23 : memref<!tpu.dma_semaphore, #tpu.memory_space<semaphore_mem>>) src(%arg26 : memref<32x16xf32, #tpu.memory_space<vmem>>) dst(%dma_wait3A_110 : memref<32x16xf32, #tpu.memory_space<vmem_shared>>)
      %scan3A_111 = arith.constant 0 : i32
      scf.yield %scan3A_111 : i32
    }
    %scan3A_30 = arith.constant 20 : i32
    %mul3A_31 = arith.constant 1 : i32
    %mul3A_32 = arith.muli %arg0, %mul3A_31 : i32
    %scan3A_33 = arith.constant 0 : i32
    %scan3A_34 = arith.constant 0 : i32
    %scan3A_35 = arith.constant 160 : i32
    %scan3A_36 = arith.addi %scan3A_34, %scan3A_35 : i32
    %scan3A_37 = arith.constant 1 : i32
    %scan3A_38 = scf.for %scan3A_101 = %scan3A_34 to %scan3A_36 step %scan3A_37 iter_args(%scan3A_102 = %scan3A_33) -> (i32)  : i32 {
      %get3A = arith.index_cast %scan3A_101 : i32 to index
      %get3A_103 = arith.constant 0 : index
      %get3A_104 = tpu.vector_load %arg8[%get3A, %get3A_103] {strides = array<i32>} : memref<160x128xi32, #tpu.memory_space<vmem>>, vector<1x16xi32>,
      %get3A_105 = vector.shape_cast %get3A_104 : vector<1x16xi32> to vector<16xi32>
      %mul3A_106 = arith.constant 2 : i32
      %mul3A_107 = vector.broadcast %mul3A_106 : i32 to vector<16xi32>
      %mul3A_108 = arith.muli %get3A_105, %mul3A_107 : vector<16xi32>
      %add3A = vector.broadcast %mul3A_32 : i32 to vector<16xi32>
      %add3A_109 = arith.addi %mul3A_108, %add3A : vector<16xi32>
      %swap3A = arith.index_cast %scan3A_101 : i32 to index
      %swap3A_110 = arith.constant 0 : index
      %swap3A_111 = tpu.vector_load %arg8[%swap3A, %swap3A_110] {strides = array<i32>} : memref<160x128xi32, #tpu.memory_space<vmem>>, vector<1x16xi32>,
      %swap3A_112 = vector.shape_cast %swap3A_111 : vector<1x16xi32> to vector<16xi32>
      %swap3A_113 = vector.shape_cast %add3A_109 : vector<16xi32> to vector<1x16xi32>
      tpu.vector_store %arg8[%swap3A, %swap3A_110], %swap3A_113 {strides = array<i32>} : memref<160x128xi32, #tpu.memory_space<vmem>>, vector<1x16xi32>,
      %get3A_114 = arith.index_cast %scan3A_101 : i32 to index
      %get3A_115 = arith.constant 16 : index
      %get3A_116 = tpu.vector_load %arg8[%get3A_114, %get3A_115] {strides = array<i32>} : memref<160x128xi32, #tpu.memory_space<vmem>>, vector<1x16xi32>,
      %get3A_117 = vector.shape_cast %get3A_116 : vector<1x16xi32> to vector<16xi32>
      %mul3A_118 = arith.constant 2 : i32
      %mul3A_119 = vector.broadcast %mul3A_118 : i32 to vector<16xi32>
      %mul3A_120 = arith.muli %get3A_117, %mul3A_119 : vector<16xi32>
      %add3A_121 = vector.broadcast %mul3A_32 : i32 to vector<16xi32>
      %add3A_122 = arith.addi %mul3A_120, %add3A_121 : vector<16xi32>
      %swap3A_123 = arith.index_cast %scan3A_101 : i32 to index
      %swap3A_124 = arith.constant 16 : index
      %swap3A_125 = tpu.vector_load %arg8[%swap3A_123, %swap3A_124] {strides = array<i32>} : memref<160x128xi32, #tpu.memory_space<vmem>>, vector<1x16xi32>,
      %swap3A_126 = vector.shape_cast %swap3A_125 : vector<1x16xi32> to vector<16xi32>
      %swap3A_127 = vector.shape_cast %add3A_122 : vector<16xi32> to vector<1x16xi32>
      tpu.vector_store %arg8[%swap3A_123, %swap3A_124], %swap3A_127 {strides = array<i32>} : memref<160x128xi32, #tpu.memory_space<vmem>>, vector<1x16xi32>,
      %get3A_128 = arith.index_cast %scan3A_101 : i32 to index
      %get3A_129 = arith.constant 32 : index
      %get3A_130 = tpu.vector_load %arg8[%get3A_128, %get3A_129] {strides = array<i32>} : memref<160x128xi32, #tpu.memory_space<vmem>>, vector<1x16xi32>,
      %get3A_131 = vector.shape_cast %get3A_130 : vector<1x16xi32> to vector<16xi32>
      %mul3A_132 = arith.constant 2 : i32
      %mul3A_133 = vector.broadcast %mul3A_132 : i32 to vector<16xi32>
      %mul3A_134 = arith.muli %get3A_131, %mul3A_133 : vector<16xi32>
      %add3A_135 = vector.broadcast %mul3A_32 : i32 to vector<16xi32>
      %add3A_136 = arith.addi %mul3A_134, %add3A_135 : vector<16xi32>
      %swap3A_137 = arith.index_cast %scan3A_101 : i32 to index
      %swap3A_138 = arith.constant 32 : index
      %swap3A_139 = tpu.vector_load %arg8[%swap3A_137, %swap3A_138] {strides = array<i32>} : memref<160x128xi32, #tpu.memory_space<vmem>>, vector<1x16xi32>,
      %swap3A_140 = vector.shape_cast %swap3A_139 : vector<1x16xi32> to vector<16xi32>
      %swap3A_141 = vector.shape_cast %add3A_136 : vector<16xi32> to vector<1x16xi32>
      tpu.vector_store %arg8[%swap3A_137, %swap3A_138], %swap3A_141 {strides = array<i32>} : memref<160x128xi32, #tpu.memory_space<vmem>>, vector<1x16xi32>,
      %get3A_142 = arith.index_cast %scan3A_101 : i32 to index
      %get3A_143 = arith.constant 48 : index
      %get3A_144 = tpu.vector_load %arg8[%get3A_142, %get3A_143] {strides = array<i32>} : memref<160x128xi32, #tpu.memory_space<vmem>>, vector<1x16xi32>,
      %get3A_145 = vector.shape_cast %get3A_144 : vector<1x16xi32> to vector<16xi32>
      %mul3A_146 = arith.constant 2 : i32
      %mul3A_147 = vector.broadcast %mul3A_146 : i32 to vector<16xi32>
      %mul3A_148 = arith.muli %get3A_145, %mul3A_147 : vector<16xi32>
      %add3A_149 = vector.broadcast %mul3A_32 : i32 to vector<16xi32>
      %add3A_150 = arith.addi %mul3A_148, %add3A_149 : vector<16xi32>
      %swap3A_151 = arith.index_cast %scan3A_101 : i32 to index
      %swap3A_152 = arith.constant 48 : index
      %swap3A_153 = tpu.vector_load %arg8[%swap3A_151, %swap3A_152] {strides = array<i32>} : memref<160x128xi32, #tpu.memory_space<vmem>>, vector<1x16xi32>,
      %swap3A_154 = vector.shape_cast %swap3A_153 : vector<1x16xi32> to vector<16xi32>
      %swap3A_155 = vector.shape_cast %add3A_150 : vector<16xi32> to vector<1x16xi32>
      tpu.vector_store %arg8[%swap3A_151, %swap3A_152], %swap3A_155 {strides = array<i32>} : memref<160x128xi32, #tpu.memory_space<vmem>>, vector<1x16xi32>,
      %get3A_156 = arith.index_cast %scan3A_101 : i32 to index
      %get3A_157 = arith.constant 64 : index
      %get3A_158 = tpu.vector_load %arg8[%get3A_156, %get3A_157] {strides = array<i32>} : memref<160x128xi32, #tpu.memory_space<vmem>>, vector<1x16xi32>,
      %get3A_159 = vector.shape_cast %get3A_158 : vector<1x16xi32> to vector<16xi32>
      %mul3A_160 = arith.constant 2 : i32
      %mul3A_161 = vector.broadcast %mul3A_160 : i32 to vector<16xi32>
      %mul3A_162 = arith.muli %get3A_159, %mul3A_161 : vector<16xi32>
      %add3A_163 = vector.broadcast %mul3A_32 : i32 to vector<16xi32>
      %add3A_164 = arith.addi %mul3A_162, %add3A_163 : vector<16xi32>
      %swap3A_165 = arith.index_cast %scan3A_101 : i32 to index
      %swap3A_166 = arith.constant 64 : index
      %swap3A_167 = tpu.vector_load %arg8[%swap3A_165, %swap3A_166] {strides = array<i32>} : memref<160x128xi32, #tpu.memory_space<vmem>>, vector<1x16xi32>,
      %swap3A_168 = vector.shape_cast %swap3A_167 : vector<1x16xi32> to vector<16xi32>
      %swap3A_169 = vector.shape_cast %add3A_164 : vector<16xi32> to vector<1x16xi32>
      tpu.vector_store %arg8[%swap3A_165, %swap3A_166], %swap3A_169 {strides = array<i32>} : memref<160x128xi32, #tpu.memory_space<vmem>>, vector<1x16xi32>,
      %get3A_170 = arith.index_cast %scan3A_101 : i32 to index
      %get3A_171 = arith.constant 80 : index
      %get3A_172 = tpu.vector_load %arg8[%get3A_170, %get3A_171] {strides = array<i32>} : memref<160x128xi32, #tpu.memory_space<vmem>>, vector<1x16xi32>,
      %get3A_173 = vector.shape_cast %get3A_172 : vector<1x16xi32> to vector<16xi32>
      %mul3A_174 = arith.constant 2 : i32
      %mul3A_175 = vector.broadcast %mul3A_174 : i32 to vector<16xi32>
      %mul3A_176 = arith.muli %get3A_173, %mul3A_175 : vector<16xi32>
      %add3A_177 = vector.broadcast %mul3A_32 : i32 to vector<16xi32>
      %add3A_178 = arith.addi %mul3A_176, %add3A_177 : vector<16xi32>
      %swap3A_179 = arith.index_cast %scan3A_101 : i32 to index
      %swap3A_180 = arith.constant 80 : index
      %swap3A_181 = tpu.vector_load %arg8[%swap3A_179, %swap3A_180] {strides = array<i32>} : memref<160x128xi32, #tpu.memory_space<vmem>>, vector<1x16xi32>,
      %swap3A_182 = vector.shape_cast %swap3A_181 : vector<1x16xi32> to vector<16xi32>
      %swap3A_183 = vector.shape_cast %add3A_178 : vector<16xi32> to vector<1x16xi32>
      tpu.vector_store %arg8[%swap3A_179, %swap3A_180], %swap3A_183 {strides = array<i32>} : memref<160x128xi32, #tpu.memory_space<vmem>>, vector<1x16xi32>,
      %get3A_184 = arith.index_cast %scan3A_101 : i32 to index
      %get3A_185 = arith.constant 96 : index
      %get3A_186 = tpu.vector_load %arg8[%get3A_184, %get3A_185] {strides = array<i32>} : memref<160x128xi32, #tpu.memory_space<vmem>>, vector<1x16xi32>,
      %get3A_187 = vector.shape_cast %get3A_186 : vector<1x16xi32> to vector<16xi32>
      %mul3A_188 = arith.constant 2 : i32
      %mul3A_189 = vector.broadcast %mul3A_188 : i32 to vector<16xi32>
      %mul3A_190 = arith.muli %get3A_187, %mul3A_189 : vector<16xi32>
      %add3A_191 = vector.broadcast %mul3A_32 : i32 to vector<16xi32>
      %add3A_192 = arith.addi %mul3A_190, %add3A_191 : vector<16xi32>
      %swap3A_193 = arith.index_cast %scan3A_101 : i32 to index
      %swap3A_194 = arith.constant 96 : index
      %swap3A_195 = tpu.vector_load %arg8[%swap3A_193, %swap3A_194] {strides = array<i32>} : memref<160x128xi32, #tpu.memory_space<vmem>>, vector<1x16xi32>,
      %swap3A_196 = vector.shape_cast %swap3A_195 : vector<1x16xi32> to vector<16xi32>
      %swap3A_197 = vector.shape_cast %add3A_192 : vector<16xi32> to vector<1x16xi32>
      tpu.vector_store %arg8[%swap3A_193, %swap3A_194], %swap3A_197 {strides = array<i32>} : memref<160x128xi32, #tpu.memory_space<vmem>>, vector<1x16xi32>,
      %get3A_198 = arith.index_cast %scan3A_101 : i32 to index
      %get3A_199 = arith.constant 112 : index
      %get3A_200 = tpu.vector_load %arg8[%get3A_198, %get3A_199] {strides = array<i32>} : memref<160x128xi32, #tpu.memory_space<vmem>>, vector<1x16xi32>,
      %get3A_201 = vector.shape_cast %get3A_200 : vector<1x16xi32> to vector<16xi32>
      %mul3A_202 = arith.constant 2 : i32
      %mul3A_203 = vector.broadcast %mul3A_202 : i32 to vector<16xi32>
      %mul3A_204 = arith.muli %get3A_201, %mul3A_203 : vector<16xi32>
      %add3A_205 = vector.broadcast %mul3A_32 : i32 to vector<16xi32>
      %add3A_206 = arith.addi %mul3A_204, %add3A_205 : vector<16xi32>
      %swap3A_207 = arith.index_cast %scan3A_101 : i32 to index
      %swap3A_208 = arith.constant 112 : index
      %swap3A_209 = tpu.vector_load %arg8[%swap3A_207, %swap3A_208] {strides = array<i32>} : memref<160x128xi32, #tpu.memory_space<vmem>>, vector<1x16xi32>,
      %swap3A_210 = vector.shape_cast %swap3A_209 : vector<1x16xi32> to vector<16xi32>
      %swap3A_211 = vector.shape_cast %add3A_206 : vector<16xi32> to vector<1x16xi32>
      tpu.vector_store %arg8[%swap3A_207, %swap3A_208], %swap3A_211 {strides = array<i32>} : memref<160x128xi32, #tpu.memory_space<vmem>>, vector<1x16xi32>,
      %scan3A_212 = arith.constant 0 : i32
      scf.yield %scan3A_212 : i32
    }
    %scan3A_39 = arith.constant 160 : i32
    %barrier3A = arith.constant 0 : index
    tpu.barrier barrier_id(%barrier3A)
    %dma_start3A = arith.constant 0 : i32
    %dma_start3A_40 = arith.constant 0 : i32
    %dma_start3A_41 = tpu.memref_slice %arg8[%dma_start3A, %dma_start3A_40] : memref<160x128xi32, #tpu.memory_space<vmem>> -> memref<1x128xi32, #tpu.memory_space<vmem>>
    %dma_start3A_42 = tpu.memref_squeeze %dma_start3A_41 : memref<1x128xi32, #tpu.memory_space<vmem>> -> memref<128xi32, #tpu.memory_space<vmem>>
    %dma_start3A_43 = arith.constant 0 : i32
    %dma_start3A_44 = arith.constant 0 : i32
    %dma_start3A_45 = tpu.memref_slice %arg2[%dma_start3A_43, %dma_start3A_44] : memref<20000x64xf32, #tpu.memory_space<hbm>> -> memref<20000x64xf32, #tpu.memory_space<hbm>>
    tpu.enqueue_indirect_dma source(%dma_start3A_45 : memref<20000x64xf32, #tpu.memory_space<hbm>>) target(%arg10 : memref<128x64xf32, #tpu.memory_space<vmem>>) offsets(%dma_start3A_42 : memref<128xi32, #tpu.memory_space<vmem>>) semaphore(%arg15 : memref<!tpu.dma_semaphore, #tpu.memory_space<semaphore_mem>>)
    %dma_start3A_46 = arith.constant 1 : i32
    %dma_start3A_47 = arith.constant 0 : i32
    %dma_start3A_48 = tpu.memref_slice %arg8[%dma_start3A_46, %dma_start3A_47] : memref<160x128xi32, #tpu.memory_space<vmem>> -> memref<1x128xi32, #tpu.memory_space<vmem>>
    %dma_start3A_49 = tpu.memref_squeeze %dma_start3A_48 : memref<1x128xi32, #tpu.memory_space<vmem>> -> memref<128xi32, #tpu.memory_space<vmem>>
    %dma_start3A_50 = arith.constant 0 : i32
    %dma_start3A_51 = arith.constant 0 : i32
    %dma_start3A_52 = tpu.memref_slice %arg2[%dma_start3A_50, %dma_start3A_51] : memref<20000x64xf32, #tpu.memory_space<hbm>> -> memref<20000x64xf32, #tpu.memory_space<hbm>>
    tpu.enqueue_indirect_dma source(%dma_start3A_52 : memref<20000x64xf32, #tpu.memory_space<hbm>>) target(%arg11 : memref<128x64xf32, #tpu.memory_space<vmem>>) offsets(%dma_start3A_49 : memref<128xi32, #tpu.memory_space<vmem>>) semaphore(%arg16 : memref<!tpu.dma_semaphore, #tpu.memory_space<semaphore_mem>>)
    %scan3A_53 = arith.constant 0 : i32
    %scan3A_54 = arith.constant 0 : i32
    %scan3A_55 = arith.constant 40 : i32
    %scan3A_56 = arith.addi %scan3A_54, %scan3A_55 : i32
    %scan3A_57 = arith.constant 1 : i32
    %scan3A_58 = scf.for %scan3A_101 = %scan3A_54 to %scan3A_56 step %scan3A_57 iter_args(%scan3A_102 = %scan3A_53) -> (i32)  : i32 {
      %mul3A_103 = arith.constant 4 : i32
      %mul3A_104 = arith.muli %mul3A_103, %scan3A_101 : i32
      %add3A = arith.constant 0 : i32
      %add3A_105 = arith.addi %mul3A_104, %add3A : i32
      %dma_wait3A_106 = arith.constant 0 : i32
      %dma_wait3A_107 = arith.constant 0 : i32
      %dma_wait3A_108 = tpu.memref_slice %arg8[%dma_wait3A_106, %dma_wait3A_107] : memref<160x128xi32, #tpu.memory_space<vmem>> -> memref<1x128xi32, #tpu.memory_space<vmem>>
      %dma_wait3A_109 = tpu.memref_squeeze %dma_wait3A_108 : memref<1x128xi32, #tpu.memory_space<vmem>> -> memref<128xi32, #tpu.memory_space<vmem>>
      %dma_wait3A_110 = arith.constant 0 : i32
      %dma_wait3A_111 = arith.constant 0 : i32
      %dma_wait3A_112 = tpu.memref_slice %arg2[%dma_wait3A_110, %dma_wait3A_111] : memref<20000x64xf32, #tpu.memory_space<hbm>> -> memref<20000x64xf32, #tpu.memory_space<hbm>>
      tpu.wait_indirect_dma semaphore(%arg15 : memref<!tpu.dma_semaphore, #tpu.memory_space<semaphore_mem>>) src(%dma_wait3A_112 : memref<20000x64xf32, #tpu.memory_space<hbm>>) dst(%arg10 : memref<128x64xf32, #tpu.memory_space<vmem>>)
      %dma_start3A_113 = arith.constant 0 : i32
      %dma_start3A_114 = tpu.memref_slice %arg9[%add3A_105, %dma_start3A_113] : memref<160x128xi32, #tpu.memory_space<vmem>> -> memref<1x128xi32, #tpu.memory_space<vmem>>
      %dma_start3A_115 = tpu.memref_squeeze %dma_start3A_114 : memref<1x128xi32, #tpu.memory_space<vmem>> -> memref<128xi32, #tpu.memory_space<vmem>>
      %dma_start3A_116 = arith.constant 0 : i32
      %dma_start3A_117 = arith.constant 0 : i32
      %dma_start3A_118 = tpu.memref_slice %arg7[%dma_start3A_116, %dma_start3A_117] : memref<10240x64xf32, #tpu.memory_space<vmem_shared>> -> memref<10240x64xf32, #tpu.memory_space<vmem_shared>>
      tpu.enqueue_indirect_dma source(%arg10 : memref<128x64xf32, #tpu.memory_space<vmem>>) target(%dma_start3A_118 : memref<10240x64xf32, #tpu.memory_space<vmem_shared>>) offsets(%dma_start3A_115 : memref<128xi32, #tpu.memory_space<vmem>>) semaphore(%arg19 : memref<!tpu.dma_semaphore, #tpu.memory_space<semaphore_mem>>) {add = true}
      %eq3A = arith.constant 0 : i32
      %eq3A_119 = arith.cmpi eq, %arg0, %eq3A : i32
      %lt3A = arith.constant 80 : i32
      %lt3A_120 = arith.cmpi slt, %add3A_105, %lt3A : i32
      %and3A = arith.andi %eq3A_119, %lt3A_120 : i1
      %ne3A = arith.constant 0 : i32
      %ne3A_121 = arith.cmpi ne, %arg0, %ne3A : i32
      %ge3A = arith.constant 80 : i32
      %ge3A_122 = arith.cmpi sge, %add3A_105, %ge3A : i32
      %and3A_123 = arith.andi %ne3A_121, %ge3A_122 : i1
      %or3A = arith.ori %and3A, %and3A_123 : i1
      %convert_element_type3A = arith.extui %or3A : i1 to i32
      %cond3A = arith.constant 0 : i32
      %cond3A_124 = arith.cmpi ne, %convert_element_type3A, %cond3A : i32
      scf.if %cond3A_124 {
        %dma_start3A_268 = arith.constant 0 : i32
        %dma_start3A_269 = tpu.memref_slice %arg9[%add3A_105, %dma_start3A_268] : memref<160x128xi32, #tpu.memory_space<vmem>> -> memref<1x128xi32, #tpu.memory_space<vmem>>
        %dma_start3A_270 = tpu.memref_squeeze %dma_start3A_269 : memref<1x128xi32, #tpu.memory_space<vmem>> -> memref<128xi32, #tpu.memory_space<vmem>>
        %dma_start3A_271 = arith.constant 0 : i32
        %dma_start3A_272 = arith.constant 0 : i32
        %dma_start3A_273 = tpu.memref_slice %arg24[%dma_start3A_271, %dma_start3A_272] : memref<10240x16xf32, #tpu.memory_space<vmem_shared>> -> memref<10240x16xf32, #tpu.memory_space<vmem_shared>>
        tpu.enqueue_indirect_dma source(%arg25 : memref<128x16xf32, #tpu.memory_space<vmem>>) target(%dma_start3A_273 : memref<10240x16xf32, #tpu.memory_space<vmem_shared>>) offsets(%dma_start3A_270 : memref<128xi32, #tpu.memory_space<vmem>>) semaphore(%arg27 : memref<!tpu.dma_semaphore, #tpu.memory_space<semaphore_mem>>) {add = true}
      } else {
      }
      %gt3A = arith.constant 0 : i32
      %gt3A_125 = arith.cmpi sgt, %scan3A_101, %gt3A : i32
      %convert_element_type3A_126 = arith.extui %gt3A_125 : i1 to i32
      %cond3A_127 = arith.constant 0 : i32
      %cond3A_128 = arith.cmpi ne, %convert_element_type3A_126, %cond3A_127 : i32
      scf.if %cond3A_128 {
        %dma_wait3A_268 = arith.constant 0 : i32
        %dma_wait3A_269 = arith.constant 0 : i32
        %dma_wait3A_270 = tpu.memref_slice %arg9[%dma_wait3A_268, %dma_wait3A_269] : memref<160x128xi32, #tpu.memory_space<vmem>> -> memref<1x128xi32, #tpu.memory_space<vmem>>
        %dma_wait3A_271 = tpu.memref_squeeze %dma_wait3A_270 : memref<1x128xi32, #tpu.memory_space<vmem>> -> memref<128xi32, #tpu.memory_space<vmem>>
        %dma_wait3A_272 = arith.constant 0 : i32
        %dma_wait3A_273 = arith.constant 0 : i32
        %dma_wait3A_274 = tpu.memref_slice %arg7[%dma_wait3A_272, %dma_wait3A_273] : memref<10240x64xf32, #tpu.memory_space<vmem_shared>> -> memref<10240x64xf32, #tpu.memory_space<vmem_shared>>
        tpu.wait_indirect_dma semaphore(%arg21 : memref<!tpu.dma_semaphore, #tpu.memory_space<semaphore_mem>>) src(%arg12 : memref<128x64xf32, #tpu.memory_space<vmem>>) dst(%dma_wait3A_274 : memref<10240x64xf32, #tpu.memory_space<vmem_shared>>)
      } else {
      }
      %add3A_129 = arith.constant 2 : i32
      %add3A_130 = arith.addi %add3A_105, %add3A_129 : i32
      %dma_start3A_131 = arith.constant 0 : i32
      %dma_start3A_132 = tpu.memref_slice %arg8[%add3A_130, %dma_start3A_131] : memref<160x128xi32, #tpu.memory_space<vmem>> -> memref<1x128xi32, #tpu.memory_space<vmem>>
      %dma_start3A_133 = tpu.memref_squeeze %dma_start3A_132 : memref<1x128xi32, #tpu.memory_space<vmem>> -> memref<128xi32, #tpu.memory_space<vmem>>
      %dma_start3A_134 = arith.constant 0 : i32
      %dma_start3A_135 = arith.constant 0 : i32
      %dma_start3A_136 = tpu.memref_slice %arg2[%dma_start3A_134, %dma_start3A_135] : memref<20000x64xf32, #tpu.memory_space<hbm>> -> memref<20000x64xf32, #tpu.memory_space<hbm>>
      tpu.enqueue_indirect_dma source(%dma_start3A_136 : memref<20000x64xf32, #tpu.memory_space<hbm>>) target(%arg12 : memref<128x64xf32, #tpu.memory_space<vmem>>) offsets(%dma_start3A_133 : memref<128xi32, #tpu.memory_space<vmem>>) semaphore(%arg17 : memref<!tpu.dma_semaphore, #tpu.memory_space<semaphore_mem>>)
      %mul3A_137 = arith.constant 4 : i32
      %mul3A_138 = arith.muli %mul3A_137, %scan3A_101 : i32
      %add3A_139 = arith.constant 1 : i32
      %add3A_140 = arith.addi %mul3A_138, %add3A_139 : i32
      %dma_wait3A_141 = arith.constant 0 : i32
      %dma_wait3A_142 = arith.constant 0 : i32
      %dma_wait3A_143 = tpu.memref_slice %arg8[%dma_wait3A_141, %dma_wait3A_142] : memref<160x128xi32, #tpu.memory_space<vmem>> -> memref<1x128xi32, #tpu.memory_space<vmem>>
      %dma_wait3A_144 = tpu.memref_squeeze %dma_wait3A_143 : memref<1x128xi32, #tpu.memory_space<vmem>> -> memref<128xi32, #tpu.memory_space<vmem>>
      %dma_wait3A_145 = arith.constant 0 : i32
      %dma_wait3A_146 = arith.constant 0 : i32
      %dma_wait3A_147 = tpu.memref_slice %arg2[%dma_wait3A_145, %dma_wait3A_146] : memref<20000x64xf32, #tpu.memory_space<hbm>> -> memref<20000x64xf32, #tpu.memory_space<hbm>>
      tpu.wait_indirect_dma semaphore(%arg16 : memref<!tpu.dma_semaphore, #tpu.memory_space<semaphore_mem>>) src(%dma_wait3A_147 : memref<20000x64xf32, #tpu.memory_space<hbm>>) dst(%arg11 : memref<128x64xf32, #tpu.memory_space<vmem>>)
      %dma_start3A_148 = arith.constant 0 : i32
      %dma_start3A_149 = tpu.memref_slice %arg9[%add3A_140, %dma_start3A_148] : memref<160x128xi32, #tpu.memory_space<vmem>> -> memref<1x128xi32, #tpu.memory_space<vmem>>
      %dma_start3A_150 = tpu.memref_squeeze %dma_start3A_149 : memref<1x128xi32, #tpu.memory_space<vmem>> -> memref<128xi32, #tpu.memory_space<vmem>>
      %dma_start3A_151 = arith.constant 0 : i32
      %dma_start3A_152 = arith.constant 0 : i32
      %dma_start3A_153 = tpu.memref_slice %arg7[%dma_start3A_151, %dma_start3A_152] : memref<10240x64xf32, #tpu.memory_space<vmem_shared>> -> memref<10240x64xf32, #tpu.memory_space<vmem_shared>>
      tpu.enqueue_indirect_dma source(%arg11 : memref<128x64xf32, #tpu.memory_space<vmem>>) target(%dma_start3A_153 : memref<10240x64xf32, #tpu.memory_space<vmem_shared>>) offsets(%dma_start3A_150 : memref<128xi32, #tpu.memory_space<vmem>>) semaphore(%arg20 : memref<!tpu.dma_semaphore, #tpu.memory_space<semaphore_mem>>) {add = true}
      %eq3A_154 = arith.constant 0 : i32
      %eq3A_155 = arith.cmpi eq, %arg0, %eq3A_154 : i32
      %lt3A_156 = arith.constant 80 : i32
      %lt3A_157 = arith.cmpi slt, %add3A_140, %lt3A_156 : i32
      %and3A_158 = arith.andi %eq3A_155, %lt3A_157 : i1
      %ne3A_159 = arith.constant 0 : i32
      %ne3A_160 = arith.cmpi ne, %arg0, %ne3A_159 : i32
      %ge3A_161 = arith.constant 80 : i32
      %ge3A_162 = arith.cmpi sge, %add3A_140, %ge3A_161 : i32
      %and3A_163 = arith.andi %ne3A_160, %ge3A_162 : i1
      %or3A_164 = arith.ori %and3A_158, %and3A_163 : i1
      %convert_element_type3A_165 = arith.extui %or3A_164 : i1 to i32
      %cond3A_166 = arith.constant 0 : i32
      %cond3A_167 = arith.cmpi ne, %convert_element_type3A_165, %cond3A_166 : i32
      scf.if %cond3A_167 {
        %dma_start3A_268 = arith.constant 0 : i32
        %dma_start3A_269 = tpu.memref_slice %arg9[%add3A_140, %dma_start3A_268] : memref<160x128xi32, #tpu.memory_space<vmem>> -> memref<1x128xi32, #tpu.memory_space<vmem>>
        %dma_start3A_270 = tpu.memref_squeeze %dma_start3A_269 : memref<1x128xi32, #tpu.memory_space<vmem>> -> memref<128xi32, #tpu.memory_space<vmem>>
        %dma_start3A_271 = arith.constant 0 : i32
        %dma_start3A_272 = arith.constant 0 : i32
        %dma_start3A_273 = tpu.memref_slice %arg24[%dma_start3A_271, %dma_start3A_272] : memref<10240x16xf32, #tpu.memory_space<vmem_shared>> -> memref<10240x16xf32, #tpu.memory_space<vmem_shared>>
        tpu.enqueue_indirect_dma source(%arg25 : memref<128x16xf32, #tpu.memory_space<vmem>>) target(%dma_start3A_273 : memref<10240x16xf32, #tpu.memory_space<vmem_shared>>) offsets(%dma_start3A_270 : memref<128xi32, #tpu.memory_space<vmem>>) semaphore(%arg27 : memref<!tpu.dma_semaphore, #tpu.memory_space<semaphore_mem>>) {add = true}
      } else {
      }
      %gt3A_168 = arith.constant 0 : i32
      %gt3A_169 = arith.cmpi sgt, %scan3A_101, %gt3A_168 : i32
      %convert_element_type3A_170 = arith.extui %gt3A_169 : i1 to i32
      %cond3A_171 = arith.constant 0 : i32
      %cond3A_172 = arith.cmpi ne, %convert_element_type3A_170, %cond3A_171 : i32
      scf.if %cond3A_172 {
        %dma_wait3A_268 = arith.constant 0 : i32
        %dma_wait3A_269 = arith.constant 0 : i32
        %dma_wait3A_270 = tpu.memref_slice %arg9[%dma_wait3A_268, %dma_wait3A_269] : memref<160x128xi32, #tpu.memory_space<vmem>> -> memref<1x128xi32, #tpu.memory_space<vmem>>
        %dma_wait3A_271 = tpu.memref_squeeze %dma_wait3A_270 : memref<1x128xi32, #tpu.memory_space<vmem>> -> memref<128xi32, #tpu.memory_space<vmem>>
        %dma_wait3A_272 = arith.constant 0 : i32
        %dma_wait3A_273 = arith.constant 0 : i32
        %dma_wait3A_274 = tpu.memref_slice %arg7[%dma_wait3A_272, %dma_wait3A_273] : memref<10240x64xf32, #tpu.memory_space<vmem_shared>> -> memref<10240x64xf32, #tpu.memory_space<vmem_shared>>
        tpu.wait_indirect_dma semaphore(%arg22 : memref<!tpu.dma_semaphore, #tpu.memory_space<semaphore_mem>>) src(%arg13 : memref<128x64xf32, #tpu.memory_space<vmem>>) dst(%dma_wait3A_274 : memref<10240x64xf32, #tpu.memory_space<vmem_shared>>)
      } else {
      }
      %add3A_173 = arith.constant 2 : i32
      %add3A_174 = arith.addi %add3A_140, %add3A_173 : i32
      %dma_start3A_175 = arith.constant 0 : i32
      %dma_start3A_176 = tpu.memref_slice %arg8[%add3A_174, %dma_start3A_175] : memref<160x128xi32, #tpu.memory_space<vmem>> -> memref<1x128xi32, #tpu.memory_space<vmem>>
      %dma_start3A_177 = tpu.memref_squeeze %dma_start3A_176 : memref<1x128xi32, #tpu.memory_space<vmem>> -> memref<128xi32, #tpu.memory_space<vmem>>
      %dma_start3A_178 = arith.constant 0 : i32
      %dma_start3A_179 = arith.constant 0 : i32
      %dma_start3A_180 = tpu.memref_slice %arg2[%dma_start3A_178, %dma_start3A_179] : memref<20000x64xf32, #tpu.memory_space<hbm>> -> memref<20000x64xf32, #tpu.memory_space<hbm>>
      tpu.enqueue_indirect_dma source(%dma_start3A_180 : memref<20000x64xf32, #tpu.memory_space<hbm>>) target(%arg13 : memref<128x64xf32, #tpu.memory_space<vmem>>) offsets(%dma_start3A_177 : memref<128xi32, #tpu.memory_space<vmem>>) semaphore(%arg18 : memref<!tpu.dma_semaphore, #tpu.memory_space<semaphore_mem>>)
      %mul3A_181 = arith.constant 4 : i32
      %mul3A_182 = arith.muli %mul3A_181, %scan3A_101 : i32
      %add3A_183 = arith.constant 2 : i32
      %add3A_184 = arith.addi %mul3A_182, %add3A_183 : i32
      %dma_wait3A_185 = arith.constant 0 : i32
      %dma_wait3A_186 = arith.constant 0 : i32
      %dma_wait3A_187 = tpu.memref_slice %arg8[%dma_wait3A_185, %dma_wait3A_186] : memref<160x128xi32, #tpu.memory_space<vmem>> -> memref<1x128xi32, #tpu.memory_space<vmem>>
      %dma_wait3A_188 = tpu.memref_squeeze %dma_wait3A_187 : memref<1x128xi32, #tpu.memory_space<vmem>> -> memref<128xi32, #tpu.memory_space<vmem>>
      %dma_wait3A_189 = arith.constant 0 : i32
      %dma_wait3A_190 = arith.constant 0 : i32
      %dma_wait3A_191 = tpu.memref_slice %arg2[%dma_wait3A_189, %dma_wait3A_190] : memref<20000x64xf32, #tpu.memory_space<hbm>> -> memref<20000x64xf32, #tpu.memory_space<hbm>>
      tpu.wait_indirect_dma semaphore(%arg17 : memref<!tpu.dma_semaphore, #tpu.memory_space<semaphore_mem>>) src(%dma_wait3A_191 : memref<20000x64xf32, #tpu.memory_space<hbm>>) dst(%arg12 : memref<128x64xf32, #tpu.memory_space<vmem>>)
      %dma_start3A_192 = arith.constant 0 : i32
      %dma_start3A_193 = tpu.memref_slice %arg9[%add3A_184, %dma_start3A_192] : memref<160x128xi32, #tpu.memory_space<vmem>> -> memref<1x128xi32, #tpu.memory_space<vmem>>
      %dma_start3A_194 = tpu.memref_squeeze %dma_start3A_193 : memref<1x128xi32, #tpu.memory_space<vmem>> -> memref<128xi32, #tpu.memory_space<vmem>>
      %dma_start3A_195 = arith.constant 0 : i32
      %dma_start3A_196 = arith.constant 0 : i32
      %dma_start3A_197 = tpu.memref_slice %arg7[%dma_start3A_195, %dma_start3A_196] : memref<10240x64xf32, #tpu.memory_space<vmem_shared>> -> memref<10240x64xf32, #tpu.memory_space<vmem_shared>>
      tpu.enqueue_indirect_dma source(%arg12 : memref<128x64xf32, #tpu.memory_space<vmem>>) target(%dma_start3A_197 : memref<10240x64xf32, #tpu.memory_space<vmem_shared>>) offsets(%dma_start3A_194 : memref<128xi32, #tpu.memory_space<vmem>>) semaphore(%arg21 : memref<!tpu.dma_semaphore, #tpu.memory_space<semaphore_mem>>) {add = true}
      %eq3A_198 = arith.constant 0 : i32
      %eq3A_199 = arith.cmpi eq, %arg0, %eq3A_198 : i32
      %lt3A_200 = arith.constant 80 : i32
      %lt3A_201 = arith.cmpi slt, %add3A_184, %lt3A_200 : i32
      %and3A_202 = arith.andi %eq3A_199, %lt3A_201 : i1
      %ne3A_203 = arith.constant 0 : i32
      %ne3A_204 = arith.cmpi ne, %arg0, %ne3A_203 : i32
      %ge3A_205 = arith.constant 80 : i32
      %ge3A_206 = arith.cmpi sge, %add3A_184, %ge3A_205 : i32
      %and3A_207 = arith.andi %ne3A_204, %ge3A_206 : i1
      %or3A_208 = arith.ori %and3A_202, %and3A_207 : i1
      %convert_element_type3A_209 = arith.extui %or3A_208 : i1 to i32
      %cond3A_210 = arith.constant 0 : i32
      %cond3A_211 = arith.cmpi ne, %convert_element_type3A_209, %cond3A_210 : i32
      scf.if %cond3A_211 {
        %dma_start3A_268 = arith.constant 0 : i32
        %dma_start3A_269 = tpu.memref_slice %arg9[%add3A_184, %dma_start3A_268] : memref<160x128xi32, #tpu.memory_space<vmem>> -> memref<1x128xi32, #tpu.memory_space<vmem>>
        %dma_start3A_270 = tpu.memref_squeeze %dma_start3A_269 : memref<1x128xi32, #tpu.memory_space<vmem>> -> memref<128xi32, #tpu.memory_space<vmem>>
        %dma_start3A_271 = arith.constant 0 : i32
        %dma_start3A_272 = arith.constant 0 : i32
        %dma_start3A_273 = tpu.memref_slice %arg24[%dma_start3A_271, %dma_start3A_272] : memref<10240x16xf32, #tpu.memory_space<vmem_shared>> -> memref<10240x16xf32, #tpu.memory_space<vmem_shared>>
        tpu.enqueue_indirect_dma source(%arg25 : memref<128x16xf32, #tpu.memory_space<vmem>>) target(%dma_start3A_273 : memref<10240x16xf32, #tpu.memory_space<vmem_shared>>) offsets(%dma_start3A_270 : memref<128xi32, #tpu.memory_space<vmem>>) semaphore(%arg27 : memref<!tpu.dma_semaphore, #tpu.memory_space<semaphore_mem>>) {add = true}
      } else {
      }
      %dma_wait3A_212 = arith.constant 0 : i32
      %dma_wait3A_213 = arith.constant 0 : i32
      %dma_wait3A_214 = tpu.memref_slice %arg9[%dma_wait3A_212, %dma_wait3A_213] : memref<160x128xi32, #tpu.memory_space<vmem>> -> memref<1x128xi32, #tpu.memory_space<vmem>>
      %dma_wait3A_215 = tpu.memref_squeeze %dma_wait3A_214 : memref<1x128xi32, #tpu.memory_space<vmem>> -> memref<128xi32, #tpu.memory_space<vmem>>
      %dma_wait3A_216 = arith.constant 0 : i32
      %dma_wait3A_217 = arith.constant 0 : i32
      %dma_wait3A_218 = tpu.memref_slice %arg7[%dma_wait3A_216, %dma_wait3A_217] : memref<10240x64xf32, #tpu.memory_space<vmem_shared>> -> memref<10240x64xf32, #tpu.memory_space<vmem_shared>>
      tpu.wait_indirect_dma semaphore(%arg19 : memref<!tpu.dma_semaphore, #tpu.memory_space<semaphore_mem>>) src(%arg10 : memref<128x64xf32, #tpu.memory_space<vmem>>) dst(%dma_wait3A_218 : memref<10240x64xf32, #tpu.memory_space<vmem_shared>>)
      %lt3A_219 = arith.constant 39 : i32
      %lt3A_220 = arith.cmpi slt, %scan3A_101, %lt3A_219 : i32
      %convert_element_type3A_221 = arith.extui %lt3A_220 : i1 to i32
      %cond3A_222 = arith.constant 0 : i32
      %cond3A_223 = arith.cmpi ne, %convert_element_type3A_221, %cond3A_222 : i32
      scf.if %cond3A_223 {
        %add3A_268 = arith.constant 2 : i32
        %add3A_269 = arith.addi %add3A_184, %add3A_268 : i32
        %dma_start3A_270 = arith.constant 0 : i32
        %dma_start3A_271 = tpu.memref_slice %arg8[%add3A_269, %dma_start3A_270] : memref<160x128xi32, #tpu.memory_space<vmem>> -> memref<1x128xi32, #tpu.memory_space<vmem>>
        %dma_start3A_272 = tpu.memref_squeeze %dma_start3A_271 : memref<1x128xi32, #tpu.memory_space<vmem>> -> memref<128xi32, #tpu.memory_space<vmem>>
        %dma_start3A_273 = arith.constant 0 : i32
        %dma_start3A_274 = arith.constant 0 : i32
        %dma_start3A_275 = tpu.memref_slice %arg2[%dma_start3A_273, %dma_start3A_274] : memref<20000x64xf32, #tpu.memory_space<hbm>> -> memref<20000x64xf32, #tpu.memory_space<hbm>>
        tpu.enqueue_indirect_dma source(%dma_start3A_275 : memref<20000x64xf32, #tpu.memory_space<hbm>>) target(%arg10 : memref<128x64xf32, #tpu.memory_space<vmem>>) offsets(%dma_start3A_272 : memref<128xi32, #tpu.memory_space<vmem>>) semaphore(%arg15 : memref<!tpu.dma_semaphore, #tpu.memory_space<semaphore_mem>>)
      } else {
      }
      %mul3A_224 = arith.constant 4 : i32
      %mul3A_225 = arith.muli %mul3A_224, %scan3A_101 : i32
      %add3A_226 = arith.constant 3 : i32
      %add3A_227 = arith.addi %mul3A_225, %add3A_226 : i32
      %dma_wait3A_228 = arith.constant 0 : i32
      %dma_wait3A_229 = arith.constant 0 : i32
      %dma_wait3A_230 = tpu.memref_slice %arg8[%dma_wait3A_228, %dma_wait3A_229] : memref<160x128xi32, #tpu.memory_space<vmem>> -> memref<1x128xi32, #tpu.memory_space<vmem>>
      %dma_wait3A_231 = tpu.memref_squeeze %dma_wait3A_230 : memref<1x128xi32, #tpu.memory_space<vmem>> -> memref<128xi32, #tpu.memory_space<vmem>>
      %dma_wait3A_232 = arith.constant 0 : i32
      %dma_wait3A_233 = arith.constant 0 : i32
      %dma_wait3A_234 = tpu.memref_slice %arg2[%dma_wait3A_232, %dma_wait3A_233] : memref<20000x64xf32, #tpu.memory_space<hbm>> -> memref<20000x64xf32, #tpu.memory_space<hbm>>
      tpu.wait_indirect_dma semaphore(%arg18 : memref<!tpu.dma_semaphore, #tpu.memory_space<semaphore_mem>>) src(%dma_wait3A_234 : memref<20000x64xf32, #tpu.memory_space<hbm>>) dst(%arg13 : memref<128x64xf32, #tpu.memory_space<vmem>>)
      %dma_start3A_235 = arith.constant 0 : i32
      %dma_start3A_236 = tpu.memref_slice %arg9[%add3A_227, %dma_start3A_235] : memref<160x128xi32, #tpu.memory_space<vmem>> -> memref<1x128xi32, #tpu.memory_space<vmem>>
      %dma_start3A_237 = tpu.memref_squeeze %dma_start3A_236 : memref<1x128xi32, #tpu.memory_space<vmem>> -> memref<128xi32, #tpu.memory_space<vmem>>
      %dma_start3A_238 = arith.constant 0 : i32
      %dma_start3A_239 = arith.constant 0 : i32
      %dma_start3A_240 = tpu.memref_slice %arg7[%dma_start3A_238, %dma_start3A_239] : memref<10240x64xf32, #tpu.memory_space<vmem_shared>> -> memref<10240x64xf32, #tpu.memory_space<vmem_shared>>
      tpu.enqueue_indirect_dma source(%arg13 : memref<128x64xf32, #tpu.memory_space<vmem>>) target(%dma_start3A_240 : memref<10240x64xf32, #tpu.memory_space<vmem_shared>>) offsets(%dma_start3A_237 : memref<128xi32, #tpu.memory_space<vmem>>) semaphore(%arg22 : memref<!tpu.dma_semaphore, #tpu.memory_space<semaphore_mem>>) {add = true}
      %eq3A_241 = arith.constant 0 : i32
      %eq3A_242 = arith.cmpi eq, %arg0, %eq3A_241 : i32
      %lt3A_243 = arith.constant 80 : i32
      %lt3A_244 = arith.cmpi slt, %add3A_227, %lt3A_243 : i32
      %and3A_245 = arith.andi %eq3A_242, %lt3A_244 : i1
      %ne3A_246 = arith.constant 0 : i32
      %ne3A_247 = arith.cmpi ne, %arg0, %ne3A_246 : i32
      %ge3A_248 = arith.constant 80 : i32
      %ge3A_249 = arith.cmpi sge, %add3A_227, %ge3A_248 : i32
      %and3A_250 = arith.andi %ne3A_247, %ge3A_249 : i1
      %or3A_251 = arith.ori %and3A_245, %and3A_250 : i1
      %convert_element_type3A_252 = arith.extui %or3A_251 : i1 to i32
      %cond3A_253 = arith.constant 0 : i32
      %cond3A_254 = arith.cmpi ne, %convert_element_type3A_252, %cond3A_253 : i32
      scf.if %cond3A_254 {
        %dma_start3A_268 = arith.constant 0 : i32
        %dma_start3A_269 = tpu.memref_slice %arg9[%add3A_227, %dma_start3A_268] : memref<160x128xi32, #tpu.memory_space<vmem>> -> memref<1x128xi32, #tpu.memory_space<vmem>>
        %dma_start3A_270 = tpu.memref_squeeze %dma_start3A_269 : memref<1x128xi32, #tpu.memory_space<vmem>> -> memref<128xi32, #tpu.memory_space<vmem>>
        %dma_start3A_271 = arith.constant 0 : i32
        %dma_start3A_272 = arith.constant 0 : i32
        %dma_start3A_273 = tpu.memref_slice %arg24[%dma_start3A_271, %dma_start3A_272] : memref<10240x16xf32, #tpu.memory_space<vmem_shared>> -> memref<10240x16xf32, #tpu.memory_space<vmem_shared>>
        tpu.enqueue_indirect_dma source(%arg25 : memref<128x16xf32, #tpu.memory_space<vmem>>) target(%dma_start3A_273 : memref<10240x16xf32, #tpu.memory_space<vmem_shared>>) offsets(%dma_start3A_270 : memref<128xi32, #tpu.memory_space<vmem>>) semaphore(%arg27 : memref<!tpu.dma_semaphore, #tpu.memory_space<semaphore_mem>>) {add = true}
      } else {
      }
      %dma_wait3A_255 = arith.constant 0 : i32
      %dma_wait3A_256 = arith.constant 0 : i32
      %dma_wait3A_257 = tpu.memref_slice %arg9[%dma_wait3A_255, %dma_wait3A_256] : memref<160x128xi32, #tpu.memory_space<vmem>> -> memref<1x128xi32, #tpu.memory_space<vmem>>
      %dma_wait3A_258 = tpu.memref_squeeze %dma_wait3A_257 : memref<1x128xi32, #tpu.memory_space<vmem>> -> memref<128xi32, #tpu.memory_space<vmem>>
      %dma_wait3A_259 = arith.constant 0 : i32
      %dma_wait3A_260 = arith.constant 0 : i32
      %dma_wait3A_261 = tpu.memref_slice %arg7[%dma_wait3A_259, %dma_wait3A_260] : memref<10240x64xf32, #tpu.memory_space<vmem_shared>> -> memref<10240x64xf32, #tpu.memory_space<vmem_shared>>
      tpu.wait_indirect_dma semaphore(%arg20 : memref<!tpu.dma_semaphore, #tpu.memory_space<semaphore_mem>>) src(%arg11 : memref<128x64xf32, #tpu.memory_space<vmem>>) dst(%dma_wait3A_261 : memref<10240x64xf32, #tpu.memory_space<vmem_shared>>)
      %lt3A_262 = arith.constant 39 : i32
      %lt3A_263 = arith.cmpi slt, %scan3A_101, %lt3A_262 : i32
      %convert_element_type3A_264 = arith.extui %lt3A_263 : i1 to i32
      %cond3A_265 = arith.constant 0 : i32
      %cond3A_266 = arith.cmpi ne, %convert_element_type3A_264, %cond3A_265 : i32
      scf.if %cond3A_266 {
        %add3A_268 = arith.constant 2 : i32
        %add3A_269 = arith.addi %add3A_227, %add3A_268 : i32
        %dma_start3A_270 = arith.constant 0 : i32
        %dma_start3A_271 = tpu.memref_slice %arg8[%add3A_269, %dma_start3A_270] : memref<160x128xi32, #tpu.memory_space<vmem>> -> memref<1x128xi32, #tpu.memory_space<vmem>>
        %dma_start3A_272 = tpu.memref_squeeze %dma_start3A_271 : memref<1x128xi32, #tpu.memory_space<vmem>> -> memref<128xi32, #tpu.memory_space<vmem>>
        %dma_start3A_273 = arith.constant 0 : i32
        %dma_start3A_274 = arith.constant 0 : i32
        %dma_start3A_275 = tpu.memref_slice %arg2[%dma_start3A_273, %dma_start3A_274] : memref<20000x64xf32, #tpu.memory_space<hbm>> -> memref<20000x64xf32, #tpu.memory_space<hbm>>
        tpu.enqueue_indirect_dma source(%dma_start3A_275 : memref<20000x64xf32, #tpu.memory_space<hbm>>) target(%arg11 : memref<128x64xf32, #tpu.memory_space<vmem>>) offsets(%dma_start3A_272 : memref<128xi32, #tpu.memory_space<vmem>>) semaphore(%arg16 : memref<!tpu.dma_semaphore, #tpu.memory_space<semaphore_mem>>)
      } else {
      }
      %scan3A_267 = arith.constant 0 : i32
      scf.yield %scan3A_267 : i32
    }
    %scan3A_59 = arith.constant 40 : i32
    %dma_wait3A = arith.constant 0 : i32
    %dma_wait3A_60 = arith.constant 0 : i32
    %dma_wait3A_61 = tpu.memref_slice %arg9[%dma_wait3A, %dma_wait3A_60] : memref<160x128xi32, #tpu.memory_space<vmem>> -> memref<1x128xi32, #tpu.memory_space<vmem>>
    %dma_wait3A_62 = tpu.memref_squeeze %dma_wait3A_61 : memref<1x128xi32, #tpu.memory_space<vmem>> -> memref<128xi32, #tpu.memory_space<vmem>>
    %dma_wait3A_63 = arith.constant 0 : i32
    %dma_wait3A_64 = arith.constant 0 : i32
    %dma_wait3A_65 = tpu.memref_slice %arg7[%dma_wait3A_63, %dma_wait3A_64] : memref<10240x64xf32, #tpu.memory_space<vmem_shared>> -> memref<10240x64xf32, #tpu.memory_space<vmem_shared>>
    tpu.wait_indirect_dma semaphore(%arg21 : memref<!tpu.dma_semaphore, #tpu.memory_space<semaphore_mem>>) src(%arg12 : memref<128x64xf32, #tpu.memory_space<vmem>>) dst(%dma_wait3A_65 : memref<10240x64xf32, #tpu.memory_space<vmem_shared>>)
    %dma_wait3A_66 = arith.constant 0 : i32
    %dma_wait3A_67 = arith.constant 0 : i32
    %dma_wait3A_68 = tpu.memref_slice %arg9[%dma_wait3A_66, %dma_wait3A_67] : memref<160x128xi32, #tpu.memory_space<vmem>> -> memref<1x128xi32, #tpu.memory_space<vmem>>
    %dma_wait3A_69 = tpu.memref_squeeze %dma_wait3A_68 : memref<1x128xi32, #tpu.memory_space<vmem>> -> memref<128xi32, #tpu.memory_space<vmem>>
    %dma_wait3A_70 = arith.constant 0 : i32
    %dma_wait3A_71 = arith.constant 0 : i32
    %dma_wait3A_72 = tpu.memref_slice %arg7[%dma_wait3A_70, %dma_wait3A_71] : memref<10240x64xf32, #tpu.memory_space<vmem_shared>> -> memref<10240x64xf32, #tpu.memory_space<vmem_shared>>
    tpu.wait_indirect_dma semaphore(%arg22 : memref<!tpu.dma_semaphore, #tpu.memory_space<semaphore_mem>>) src(%arg13 : memref<128x64xf32, #tpu.memory_space<vmem>>) dst(%dma_wait3A_72 : memref<10240x64xf32, #tpu.memory_space<vmem_shared>>)
    %scan3A_73 = arith.constant 0 : i32
    %scan3A_74 = arith.constant 0 : i32
    %scan3A_75 = arith.constant 80 : i32
    %scan3A_76 = arith.addi %scan3A_74, %scan3A_75 : i32
    %scan3A_77 = arith.constant 1 : i32
    %scan3A_78 = scf.for %scan3A_101 = %scan3A_74 to %scan3A_76 step %scan3A_77 iter_args(%scan3A_102 = %scan3A_73) -> (i32)  : i32 {
      %dma_wait3A_103 = arith.constant 0 : i32
      %dma_wait3A_104 = arith.constant 0 : i32
      %dma_wait3A_105 = tpu.memref_slice %arg9[%dma_wait3A_103, %dma_wait3A_104] : memref<160x128xi32, #tpu.memory_space<vmem>> -> memref<1x128xi32, #tpu.memory_space<vmem>>
      %dma_wait3A_106 = tpu.memref_squeeze %dma_wait3A_105 : memref<1x128xi32, #tpu.memory_space<vmem>> -> memref<128xi32, #tpu.memory_space<vmem>>
      %dma_wait3A_107 = arith.constant 0 : i32
      %dma_wait3A_108 = arith.constant 0 : i32
      %dma_wait3A_109 = tpu.memref_slice %arg24[%dma_wait3A_107, %dma_wait3A_108] : memref<10240x16xf32, #tpu.memory_space<vmem_shared>> -> memref<10240x16xf32, #tpu.memory_space<vmem_shared>>
      tpu.wait_indirect_dma semaphore(%arg27 : memref<!tpu.dma_semaphore, #tpu.memory_space<semaphore_mem>>) src(%arg25 : memref<128x16xf32, #tpu.memory_space<vmem>>) dst(%dma_wait3A_109 : memref<10240x16xf32, #tpu.memory_space<vmem_shared>>)
      %scan3A_110 = arith.constant 0 : i32
      scf.yield %scan3A_110 : i32
    }
    %scan3A_79 = arith.constant 80 : i32
    %barrier3A_80 = arith.constant 0 : index
    tpu.barrier barrier_id(%barrier3A_80)
    %dma_start3A_81 = arith.constant 0 : i32
    %dma_start3A_82 = tpu.memref_slice %arg5[%arg0, %mul3A_16, %dma_start3A_81] : memref<2x10240x64xf32, #tpu.memory_space<hbm>> -> memref<1x640x64xf32, #tpu.memory_space<hbm>>
    %dma_start3A_83 = tpu.memref_squeeze %dma_start3A_82 : memref<1x640x64xf32, #tpu.memory_space<hbm>> -> memref<640x64xf32, #tpu.memory_space<hbm>>
    %dma_start3A_84 = arith.constant 0 : i32
    %dma_start3A_85 = tpu.memref_slice %arg7[%mul3A_16, %dma_start3A_84] : memref<10240x64xf32, #tpu.memory_space<vmem_shared>> -> memref<640x64xf32, #tpu.memory_space<vmem_shared>>
    tpu.enqueue_dma source(%dma_start3A_85 : memref<640x64xf32, #tpu.memory_space<vmem_shared>>) target(%dma_start3A_83 : memref<640x64xf32, #tpu.memory_space<hbm>>) target_semaphore(%arg23 : memref<!tpu.dma_semaphore, #tpu.memory_space<semaphore_mem>>)
    %dma_start3A_86 = arith.constant 0 : i32
    %dma_start3A_87 = tpu.memref_slice %arg6[%arg0, %mul3A_16, %dma_start3A_86] : memref<2x10240x16xf32, #tpu.memory_space<hbm>> -> memref<1x640x16xf32, #tpu.memory_space<hbm>>
    %dma_start3A_88 = tpu.memref_squeeze %dma_start3A_87 : memref<1x640x16xf32, #tpu.memory_space<hbm>> -> memref<640x16xf32, #tpu.memory_space<hbm>>
    %dma_start3A_89 = arith.constant 0 : i32
    %dma_start3A_90 = tpu.memref_slice %arg24[%mul3A_16, %dma_start3A_89] : memref<10240x16xf32, #tpu.memory_space<vmem_shared>> -> memref<640x16xf32, #tpu.memory_space<vmem_shared>>
    tpu.enqueue_dma source(%dma_start3A_90 : memref<640x16xf32, #tpu.memory_space<vmem_shared>>) target(%dma_start3A_88 : memref<640x16xf32, #tpu.memory_space<hbm>>) target_semaphore(%arg23 : memref<!tpu.dma_semaphore, #tpu.memory_space<semaphore_mem>>)
    %dma_wait3A_91 = arith.constant 0 : i32
    %dma_wait3A_92 = tpu.memref_slice %arg6[%arg0, %mul3A_16, %dma_wait3A_91] : memref<2x10240x16xf32, #tpu.memory_space<hbm>> -> memref<1x640x16xf32, #tpu.memory_space<hbm>>
    %dma_wait3A_93 = tpu.memref_squeeze %dma_wait3A_92 : memref<1x640x16xf32, #tpu.memory_space<hbm>> -> memref<640x16xf32, #tpu.memory_space<hbm>>
    %dma_wait3A_94 = arith.constant 0 : i32
    %dma_wait3A_95 = tpu.memref_slice %arg24[%mul3A_16, %dma_wait3A_94] : memref<10240x16xf32, #tpu.memory_space<vmem_shared>> -> memref<640x16xf32, #tpu.memory_space<vmem_shared>>
    tpu.wait_dma2 semaphore(%arg23 : memref<!tpu.dma_semaphore, #tpu.memory_space<semaphore_mem>>) src(%dma_wait3A_95 : memref<640x16xf32, #tpu.memory_space<vmem_shared>>) dst(%dma_wait3A_93 : memref<640x16xf32, #tpu.memory_space<hbm>>)
    %dma_wait3A_96 = arith.constant 0 : i32
    %dma_wait3A_97 = tpu.memref_slice %arg5[%arg0, %mul3A_16, %dma_wait3A_96] : memref<2x10240x64xf32, #tpu.memory_space<hbm>> -> memref<1x640x64xf32, #tpu.memory_space<hbm>>
    %dma_wait3A_98 = tpu.memref_squeeze %dma_wait3A_97 : memref<1x640x64xf32, #tpu.memory_space<hbm>> -> memref<640x64xf32, #tpu.memory_space<hbm>>
    %dma_wait3A_99 = arith.constant 0 : i32
    %dma_wait3A_100 = tpu.memref_slice %arg7[%mul3A_16, %dma_wait3A_99] : memref<10240x64xf32, #tpu.memory_space<vmem_shared>> -> memref<640x64xf32, #tpu.memory_space<vmem_shared>>
    tpu.wait_dma2 semaphore(%arg23 : memref<!tpu.dma_semaphore, #tpu.memory_space<semaphore_mem>>) src(%dma_wait3A_100 : memref<640x64xf32, #tpu.memory_space<vmem_shared>>) dst(%dma_wait3A_98 : memref<640x64xf32, #tpu.memory_space<hbm>>)
    return
  }
}

#map = affine_map<(d0, d1) -> (0, 0)>
#map1 = affine_map<(d0, d1) -> (0, 0, 0)>
module attributes {stable_mosaic.version = 14 : i64} {
  func.func @k(%arg0: i32, %arg1: i32, %arg2: memref<20000x32xf32, #tpu.memory_space<hbm>>, %arg3: memref<16x160x128xi32, #tpu.memory_space<hbm>>, %arg4: memref<16x160x128xi32, #tpu.memory_space<hbm>>, %arg5: memref<2x10240x32xf32, #tpu.memory_space<hbm>>, %arg6: memref<10240x32xf32, #tpu.memory_space<vmem_shared>>, %arg7: memref<160x128xi32, #tpu.memory_space<vmem>>, %arg8: memref<160x128xi32, #tpu.memory_space<vmem>>, %arg9: memref<128x32xf32, #tpu.memory_space<vmem>>, %arg10: memref<128x32xf32, #tpu.memory_space<vmem>>, %arg11: memref<128x32xf32, #tpu.memory_space<vmem>>, %arg12: memref<128x32xf32, #tpu.memory_space<vmem>>, %arg13: memref<32x32xf32, #tpu.memory_space<vmem>>, %arg14: memref<!tpu.dma_semaphore, #tpu.memory_space<semaphore_mem>>, %arg15: memref<!tpu.dma_semaphore, #tpu.memory_space<semaphore_mem>>, %arg16: memref<!tpu.dma_semaphore, #tpu.memory_space<semaphore_mem>>, %arg17: memref<!tpu.dma_semaphore, #tpu.memory_space<semaphore_mem>>, %arg18: memref<!tpu.dma_semaphore, #tpu.memory_space<semaphore_mem>>, %arg19: memref<!tpu.dma_semaphore, #tpu.memory_space<semaphore_mem>>, %arg20: memref<!tpu.dma_semaphore, #tpu.memory_space<semaphore_mem>>, %arg21: memref<!tpu.dma_semaphore, #tpu.memory_space<semaphore_mem>>, %arg22: memref<!tpu.dma_semaphore, #tpu.memory_space<semaphore_mem>>) attributes {dimension_semantics = [#tpu.dimension_semantics<core_parallel>, #tpu.dimension_semantics<subcore_parallel>], iteration_bounds = array<i64: 2, 16>, scalar_prefetch = 0 : i64, scratch_operands = 17 : i64, tpu.core_type = #tpu.core_type<sc_vector_subcore>, window_params = [{transform_indices = #map}, {transform_indices = #map1}, {transform_indices = #map1}, {transform_indices = #map1}]} {
    %broadcast_in_dim3A = arith.constant 0.000000e+00 : f32
    %broadcast_in_dim3A_0 = vector.broadcast %broadcast_in_dim3A : f32 to vector<16xf32>
    %scan3A = arith.constant 0 : i32
    %scan3A_1 = arith.constant 0 : i32
    %scan3A_2 = arith.constant 32 : i32
    %scan3A_3 = arith.addi %scan3A_1, %scan3A_2 : i32
    %scan3A_4 = arith.constant 1 : i32
    %scan3A_5 = scf.for %scan3A_75 = %scan3A_1 to %scan3A_3 step %scan3A_4 iter_args(%scan3A_76 = %scan3A) -> (i32)  : i32 {
      %swap3A = arith.index_cast %scan3A_75 : i32 to index
      %swap3A_77 = arith.constant 0 : index
      %swap3A_78 = tpu.vector_load %arg13[%swap3A, %swap3A_77] {strides = array<i32>} : memref<32x32xf32, #tpu.memory_space<vmem>>, vector<1x16xf32>,
      %swap3A_79 = vector.shape_cast %swap3A_78 : vector<1x16xf32> to vector<16xf32>
      %swap3A_80 = vector.shape_cast %broadcast_in_dim3A_0 : vector<16xf32> to vector<1x16xf32>
      tpu.vector_store %arg13[%swap3A, %swap3A_77], %swap3A_80 {strides = array<i32>} : memref<32x32xf32, #tpu.memory_space<vmem>>, vector<1x16xf32>,
      %swap3A_81 = arith.index_cast %scan3A_75 : i32 to index
      %swap3A_82 = arith.constant 16 : index
      %swap3A_83 = tpu.vector_load %arg13[%swap3A_81, %swap3A_82] {strides = array<i32>} : memref<32x32xf32, #tpu.memory_space<vmem>>, vector<1x16xf32>,
      %swap3A_84 = vector.shape_cast %swap3A_83 : vector<1x16xf32> to vector<16xf32>
      %swap3A_85 = vector.shape_cast %broadcast_in_dim3A_0 : vector<16xf32> to vector<1x16xf32>
      tpu.vector_store %arg13[%swap3A_81, %swap3A_82], %swap3A_85 {strides = array<i32>} : memref<32x32xf32, #tpu.memory_space<vmem>>, vector<1x16xf32>,
      %scan3A_86 = arith.constant 0 : i32
      scf.yield %scan3A_86 : i32
    }
    %scan3A_6 = arith.constant 32 : i32
    %mul3A = arith.constant 640 : i32
    %mul3A_7 = arith.muli %arg1, %mul3A : i32
    %scan3A_8 = arith.constant 0 : i32
    %scan3A_9 = arith.constant 0 : i32
    %scan3A_10 = arith.constant 20 : i32
    %scan3A_11 = arith.addi %scan3A_9, %scan3A_10 : i32
    %scan3A_12 = arith.constant 1 : i32
    %scan3A_13 = scf.for %scan3A_75 = %scan3A_9 to %scan3A_11 step %scan3A_12 iter_args(%scan3A_76 = %scan3A_8) -> (i32)  : i32 {
      %mul3A_77 = arith.constant 32 : i32
      %mul3A_78 = arith.muli %scan3A_75, %mul3A_77 : i32
      %add3A = arith.addi %mul3A_7, %mul3A_78 : i32
      %dma_start3A_79 = arith.constant 0 : i32
      %dma_start3A_80 = tpu.memref_slice %arg6[%add3A, %dma_start3A_79] : memref<10240x32xf32, #tpu.memory_space<vmem_shared>> -> memref<32x32xf32, #tpu.memory_space<vmem_shared>>
      %dma_start3A_81 = arith.constant 0 : i32
      %dma_start3A_82 = tpu.memref_slice %arg6[%add3A, %dma_start3A_81] : memref<10240x32xf32, #tpu.memory_space<vmem_shared>> -> memref<32x32xf32, #tpu.memory_space<vmem_shared>>
      tpu.enqueue_dma source(%arg13 : memref<32x32xf32, #tpu.memory_space<vmem>>) target(%dma_start3A_82 : memref<32x32xf32, #tpu.memory_space<vmem_shared>>) target_semaphore(%arg22 : memref<!tpu.dma_semaphore, #tpu.memory_space<semaphore_mem>>)
      %scan3A_83 = arith.constant 0 : i32
      scf.yield %scan3A_83 : i32
    }
    %scan3A_14 = arith.constant 20 : i32
    "tpu.region"() ({
      %run_scoped3A = tpu.sem_alloc : memref<!tpu.dma_semaphore, #tpu.memory_space<semaphore_mem>>
      %dma_start3A_75 = arith.constant 0 : i32
      %dma_start3A_76 = arith.constant 0 : i32
      %dma_start3A_77 = tpu.memref_slice %arg3[%arg1, %dma_start3A_75, %dma_start3A_76] : memref<16x160x128xi32, #tpu.memory_space<hbm>> -> memref<1x160x128xi32, #tpu.memory_space<hbm>>
      %dma_start3A_78 = tpu.memref_squeeze %dma_start3A_77 : memref<1x160x128xi32, #tpu.memory_space<hbm>> -> memref<160x128xi32, #tpu.memory_space<hbm>>
      %dma_start3A_79 = arith.constant 0 : i32
      %dma_start3A_80 = arith.constant 0 : i32
      %dma_start3A_81 = tpu.memref_slice %arg3[%arg1, %dma_start3A_79, %dma_start3A_80] : memref<16x160x128xi32, #tpu.memory_space<hbm>> -> memref<1x160x128xi32, #tpu.memory_space<hbm>>
      %dma_start3A_82 = tpu.memref_squeeze %dma_start3A_81 : memref<1x160x128xi32, #tpu.memory_space<hbm>> -> memref<160x128xi32, #tpu.memory_space<hbm>>
      tpu.enqueue_dma source(%dma_start3A_82 : memref<160x128xi32, #tpu.memory_space<hbm>>) target(%arg7 : memref<160x128xi32, #tpu.memory_space<vmem>>) target_semaphore(%run_scoped3A : memref<!tpu.dma_semaphore, #tpu.memory_space<semaphore_mem>>)
      %dma_wait3A_83 = arith.constant 0 : i32
      %dma_wait3A_84 = arith.constant 0 : i32
      %dma_wait3A_85 = tpu.memref_slice %arg3[%arg1, %dma_wait3A_83, %dma_wait3A_84] : memref<16x160x128xi32, #tpu.memory_space<hbm>> -> memref<1x160x128xi32, #tpu.memory_space<hbm>>
      %dma_wait3A_86 = tpu.memref_squeeze %dma_wait3A_85 : memref<1x160x128xi32, #tpu.memory_space<hbm>> -> memref<160x128xi32, #tpu.memory_space<hbm>>
      %dma_wait3A_87 = arith.constant 0 : i32
      %dma_wait3A_88 = arith.constant 0 : i32
      %dma_wait3A_89 = tpu.memref_slice %arg3[%arg1, %dma_wait3A_87, %dma_wait3A_88] : memref<16x160x128xi32, #tpu.memory_space<hbm>> -> memref<1x160x128xi32, #tpu.memory_space<hbm>>
      %dma_wait3A_90 = tpu.memref_squeeze %dma_wait3A_89 : memref<1x160x128xi32, #tpu.memory_space<hbm>> -> memref<160x128xi32, #tpu.memory_space<hbm>>
      tpu.wait_dma2 semaphore(%run_scoped3A : memref<!tpu.dma_semaphore, #tpu.memory_space<semaphore_mem>>) src(%dma_wait3A_90 : memref<160x128xi32, #tpu.memory_space<hbm>>) dst(%arg7 : memref<160x128xi32, #tpu.memory_space<vmem>>)
      tpu.yield
    }) : () -> ()
    "tpu.region"() ({
      %run_scoped3A = tpu.sem_alloc : memref<!tpu.dma_semaphore, #tpu.memory_space<semaphore_mem>>
      %dma_start3A_75 = arith.constant 0 : i32
      %dma_start3A_76 = arith.constant 0 : i32
      %dma_start3A_77 = tpu.memref_slice %arg4[%arg1, %dma_start3A_75, %dma_start3A_76] : memref<16x160x128xi32, #tpu.memory_space<hbm>> -> memref<1x160x128xi32, #tpu.memory_space<hbm>>
      %dma_start3A_78 = tpu.memref_squeeze %dma_start3A_77 : memref<1x160x128xi32, #tpu.memory_space<hbm>> -> memref<160x128xi32, #tpu.memory_space<hbm>>
      %dma_start3A_79 = arith.constant 0 : i32
      %dma_start3A_80 = arith.constant 0 : i32
      %dma_start3A_81 = tpu.memref_slice %arg4[%arg1, %dma_start3A_79, %dma_start3A_80] : memref<16x160x128xi32, #tpu.memory_space<hbm>> -> memref<1x160x128xi32, #tpu.memory_space<hbm>>
      %dma_start3A_82 = tpu.memref_squeeze %dma_start3A_81 : memref<1x160x128xi32, #tpu.memory_space<hbm>> -> memref<160x128xi32, #tpu.memory_space<hbm>>
      tpu.enqueue_dma source(%dma_start3A_82 : memref<160x128xi32, #tpu.memory_space<hbm>>) target(%arg8 : memref<160x128xi32, #tpu.memory_space<vmem>>) target_semaphore(%run_scoped3A : memref<!tpu.dma_semaphore, #tpu.memory_space<semaphore_mem>>)
      %dma_wait3A_83 = arith.constant 0 : i32
      %dma_wait3A_84 = arith.constant 0 : i32
      %dma_wait3A_85 = tpu.memref_slice %arg4[%arg1, %dma_wait3A_83, %dma_wait3A_84] : memref<16x160x128xi32, #tpu.memory_space<hbm>> -> memref<1x160x128xi32, #tpu.memory_space<hbm>>
      %dma_wait3A_86 = tpu.memref_squeeze %dma_wait3A_85 : memref<1x160x128xi32, #tpu.memory_space<hbm>> -> memref<160x128xi32, #tpu.memory_space<hbm>>
      %dma_wait3A_87 = arith.constant 0 : i32
      %dma_wait3A_88 = arith.constant 0 : i32
      %dma_wait3A_89 = tpu.memref_slice %arg4[%arg1, %dma_wait3A_87, %dma_wait3A_88] : memref<16x160x128xi32, #tpu.memory_space<hbm>> -> memref<1x160x128xi32, #tpu.memory_space<hbm>>
      %dma_wait3A_90 = tpu.memref_squeeze %dma_wait3A_89 : memref<1x160x128xi32, #tpu.memory_space<hbm>> -> memref<160x128xi32, #tpu.memory_space<hbm>>
      tpu.wait_dma2 semaphore(%run_scoped3A : memref<!tpu.dma_semaphore, #tpu.memory_space<semaphore_mem>>) src(%dma_wait3A_90 : memref<160x128xi32, #tpu.memory_space<hbm>>) dst(%arg8 : memref<160x128xi32, #tpu.memory_space<vmem>>)
      tpu.yield
    }) : () -> ()
    %scan3A_15 = arith.constant 0 : i32
    %scan3A_16 = arith.constant 0 : i32
    %scan3A_17 = arith.constant 20 : i32
    %scan3A_18 = arith.addi %scan3A_16, %scan3A_17 : i32
    %scan3A_19 = arith.constant 1 : i32
    %scan3A_20 = scf.for %scan3A_75 = %scan3A_16 to %scan3A_18 step %scan3A_19 iter_args(%scan3A_76 = %scan3A_15) -> (i32)  : i32 {
      %dma_wait3A_77 = arith.constant 0 : i32
      %dma_wait3A_78 = tpu.memref_slice %arg6[%mul3A_7, %dma_wait3A_77] : memref<10240x32xf32, #tpu.memory_space<vmem_shared>> -> memref<32x32xf32, #tpu.memory_space<vmem_shared>>
      %dma_wait3A_79 = arith.constant 0 : i32
      %dma_wait3A_80 = tpu.memref_slice %arg6[%mul3A_7, %dma_wait3A_79] : memref<10240x32xf32, #tpu.memory_space<vmem_shared>> -> memref<32x32xf32, #tpu.memory_space<vmem_shared>>
      tpu.wait_dma2 semaphore(%arg22 : memref<!tpu.dma_semaphore, #tpu.memory_space<semaphore_mem>>) src(%arg13 : memref<32x32xf32, #tpu.memory_space<vmem>>) dst(%dma_wait3A_80 : memref<32x32xf32, #tpu.memory_space<vmem_shared>>)
      %scan3A_81 = arith.constant 0 : i32
      scf.yield %scan3A_81 : i32
    }
    %scan3A_21 = arith.constant 20 : i32
    %mul3A_22 = arith.constant 10000 : i32
    %mul3A_23 = arith.muli %arg0, %mul3A_22 : i32
    %scan3A_24 = arith.constant 0 : i32
    %scan3A_25 = arith.constant 0 : i32
    %scan3A_26 = arith.constant 160 : i32
    %scan3A_27 = arith.addi %scan3A_25, %scan3A_26 : i32
    %scan3A_28 = arith.constant 1 : i32
    %scan3A_29 = scf.for %scan3A_75 = %scan3A_25 to %scan3A_27 step %scan3A_28 iter_args(%scan3A_76 = %scan3A_24) -> (i32)  : i32 {
      %get3A = arith.index_cast %scan3A_75 : i32 to index
      %get3A_77 = arith.constant 0 : index
      %get3A_78 = tpu.vector_load %arg7[%get3A, %get3A_77] {strides = array<i32>} : memref<160x128xi32, #tpu.memory_space<vmem>>, vector<1x16xi32>,
      %get3A_79 = vector.shape_cast %get3A_78 : vector<1x16xi32> to vector<16xi32>
      %mul3A_80 = arith.constant 1 : i32
      %mul3A_81 = vector.broadcast %mul3A_80 : i32 to vector<16xi32>
      %mul3A_82 = arith.muli %get3A_79, %mul3A_81 : vector<16xi32>
      %add3A = vector.broadcast %mul3A_23 : i32 to vector<16xi32>
      %add3A_83 = arith.addi %mul3A_82, %add3A : vector<16xi32>
      %swap3A = arith.index_cast %scan3A_75 : i32 to index
      %swap3A_84 = arith.constant 0 : index
      %swap3A_85 = tpu.vector_load %arg7[%swap3A, %swap3A_84] {strides = array<i32>} : memref<160x128xi32, #tpu.memory_space<vmem>>, vector<1x16xi32>,
      %swap3A_86 = vector.shape_cast %swap3A_85 : vector<1x16xi32> to vector<16xi32>
      %swap3A_87 = vector.shape_cast %add3A_83 : vector<16xi32> to vector<1x16xi32>
      tpu.vector_store %arg7[%swap3A, %swap3A_84], %swap3A_87 {strides = array<i32>} : memref<160x128xi32, #tpu.memory_space<vmem>>, vector<1x16xi32>,
      %get3A_88 = arith.index_cast %scan3A_75 : i32 to index
      %get3A_89 = arith.constant 16 : index
      %get3A_90 = tpu.vector_load %arg7[%get3A_88, %get3A_89] {strides = array<i32>} : memref<160x128xi32, #tpu.memory_space<vmem>>, vector<1x16xi32>,
      %get3A_91 = vector.shape_cast %get3A_90 : vector<1x16xi32> to vector<16xi32>
      %mul3A_92 = arith.constant 1 : i32
      %mul3A_93 = vector.broadcast %mul3A_92 : i32 to vector<16xi32>
      %mul3A_94 = arith.muli %get3A_91, %mul3A_93 : vector<16xi32>
      %add3A_95 = vector.broadcast %mul3A_23 : i32 to vector<16xi32>
      %add3A_96 = arith.addi %mul3A_94, %add3A_95 : vector<16xi32>
      %swap3A_97 = arith.index_cast %scan3A_75 : i32 to index
      %swap3A_98 = arith.constant 16 : index
      %swap3A_99 = tpu.vector_load %arg7[%swap3A_97, %swap3A_98] {strides = array<i32>} : memref<160x128xi32, #tpu.memory_space<vmem>>, vector<1x16xi32>,
      %swap3A_100 = vector.shape_cast %swap3A_99 : vector<1x16xi32> to vector<16xi32>
      %swap3A_101 = vector.shape_cast %add3A_96 : vector<16xi32> to vector<1x16xi32>
      tpu.vector_store %arg7[%swap3A_97, %swap3A_98], %swap3A_101 {strides = array<i32>} : memref<160x128xi32, #tpu.memory_space<vmem>>, vector<1x16xi32>,
      %get3A_102 = arith.index_cast %scan3A_75 : i32 to index
      %get3A_103 = arith.constant 32 : index
      %get3A_104 = tpu.vector_load %arg7[%get3A_102, %get3A_103] {strides = array<i32>} : memref<160x128xi32, #tpu.memory_space<vmem>>, vector<1x16xi32>,
      %get3A_105 = vector.shape_cast %get3A_104 : vector<1x16xi32> to vector<16xi32>
      %mul3A_106 = arith.constant 1 : i32
      %mul3A_107 = vector.broadcast %mul3A_106 : i32 to vector<16xi32>
      %mul3A_108 = arith.muli %get3A_105, %mul3A_107 : vector<16xi32>
      %add3A_109 = vector.broadcast %mul3A_23 : i32 to vector<16xi32>
      %add3A_110 = arith.addi %mul3A_108, %add3A_109 : vector<16xi32>
      %swap3A_111 = arith.index_cast %scan3A_75 : i32 to index
      %swap3A_112 = arith.constant 32 : index
      %swap3A_113 = tpu.vector_load %arg7[%swap3A_111, %swap3A_112] {strides = array<i32>} : memref<160x128xi32, #tpu.memory_space<vmem>>, vector<1x16xi32>,
      %swap3A_114 = vector.shape_cast %swap3A_113 : vector<1x16xi32> to vector<16xi32>
      %swap3A_115 = vector.shape_cast %add3A_110 : vector<16xi32> to vector<1x16xi32>
      tpu.vector_store %arg7[%swap3A_111, %swap3A_112], %swap3A_115 {strides = array<i32>} : memref<160x128xi32, #tpu.memory_space<vmem>>, vector<1x16xi32>,
      %get3A_116 = arith.index_cast %scan3A_75 : i32 to index
      %get3A_117 = arith.constant 48 : index
      %get3A_118 = tpu.vector_load %arg7[%get3A_116, %get3A_117] {strides = array<i32>} : memref<160x128xi32, #tpu.memory_space<vmem>>, vector<1x16xi32>,
      %get3A_119 = vector.shape_cast %get3A_118 : vector<1x16xi32> to vector<16xi32>
      %mul3A_120 = arith.constant 1 : i32
      %mul3A_121 = vector.broadcast %mul3A_120 : i32 to vector<16xi32>
      %mul3A_122 = arith.muli %get3A_119, %mul3A_121 : vector<16xi32>
      %add3A_123 = vector.broadcast %mul3A_23 : i32 to vector<16xi32>
      %add3A_124 = arith.addi %mul3A_122, %add3A_123 : vector<16xi32>
      %swap3A_125 = arith.index_cast %scan3A_75 : i32 to index
      %swap3A_126 = arith.constant 48 : index
      %swap3A_127 = tpu.vector_load %arg7[%swap3A_125, %swap3A_126] {strides = array<i32>} : memref<160x128xi32, #tpu.memory_space<vmem>>, vector<1x16xi32>,
      %swap3A_128 = vector.shape_cast %swap3A_127 : vector<1x16xi32> to vector<16xi32>
      %swap3A_129 = vector.shape_cast %add3A_124 : vector<16xi32> to vector<1x16xi32>
      tpu.vector_store %arg7[%swap3A_125, %swap3A_126], %swap3A_129 {strides = array<i32>} : memref<160x128xi32, #tpu.memory_space<vmem>>, vector<1x16xi32>,
      %get3A_130 = arith.index_cast %scan3A_75 : i32 to index
      %get3A_131 = arith.constant 64 : index
      %get3A_132 = tpu.vector_load %arg7[%get3A_130, %get3A_131] {strides = array<i32>} : memref<160x128xi32, #tpu.memory_space<vmem>>, vector<1x16xi32>,
      %get3A_133 = vector.shape_cast %get3A_132 : vector<1x16xi32> to vector<16xi32>
      %mul3A_134 = arith.constant 1 : i32
      %mul3A_135 = vector.broadcast %mul3A_134 : i32 to vector<16xi32>
      %mul3A_136 = arith.muli %get3A_133, %mul3A_135 : vector<16xi32>
      %add3A_137 = vector.broadcast %mul3A_23 : i32 to vector<16xi32>
      %add3A_138 = arith.addi %mul3A_136, %add3A_137 : vector<16xi32>
      %swap3A_139 = arith.index_cast %scan3A_75 : i32 to index
      %swap3A_140 = arith.constant 64 : index
      %swap3A_141 = tpu.vector_load %arg7[%swap3A_139, %swap3A_140] {strides = array<i32>} : memref<160x128xi32, #tpu.memory_space<vmem>>, vector<1x16xi32>,
      %swap3A_142 = vector.shape_cast %swap3A_141 : vector<1x16xi32> to vector<16xi32>
      %swap3A_143 = vector.shape_cast %add3A_138 : vector<16xi32> to vector<1x16xi32>
      tpu.vector_store %arg7[%swap3A_139, %swap3A_140], %swap3A_143 {strides = array<i32>} : memref<160x128xi32, #tpu.memory_space<vmem>>, vector<1x16xi32>,
      %get3A_144 = arith.index_cast %scan3A_75 : i32 to index
      %get3A_145 = arith.constant 80 : index
      %get3A_146 = tpu.vector_load %arg7[%get3A_144, %get3A_145] {strides = array<i32>} : memref<160x128xi32, #tpu.memory_space<vmem>>, vector<1x16xi32>,
      %get3A_147 = vector.shape_cast %get3A_146 : vector<1x16xi32> to vector<16xi32>
      %mul3A_148 = arith.constant 1 : i32
      %mul3A_149 = vector.broadcast %mul3A_148 : i32 to vector<16xi32>
      %mul3A_150 = arith.muli %get3A_147, %mul3A_149 : vector<16xi32>
      %add3A_151 = vector.broadcast %mul3A_23 : i32 to vector<16xi32>
      %add3A_152 = arith.addi %mul3A_150, %add3A_151 : vector<16xi32>
      %swap3A_153 = arith.index_cast %scan3A_75 : i32 to index
      %swap3A_154 = arith.constant 80 : index
      %swap3A_155 = tpu.vector_load %arg7[%swap3A_153, %swap3A_154] {strides = array<i32>} : memref<160x128xi32, #tpu.memory_space<vmem>>, vector<1x16xi32>,
      %swap3A_156 = vector.shape_cast %swap3A_155 : vector<1x16xi32> to vector<16xi32>
      %swap3A_157 = vector.shape_cast %add3A_152 : vector<16xi32> to vector<1x16xi32>
      tpu.vector_store %arg7[%swap3A_153, %swap3A_154], %swap3A_157 {strides = array<i32>} : memref<160x128xi32, #tpu.memory_space<vmem>>, vector<1x16xi32>,
      %get3A_158 = arith.index_cast %scan3A_75 : i32 to index
      %get3A_159 = arith.constant 96 : index
      %get3A_160 = tpu.vector_load %arg7[%get3A_158, %get3A_159] {strides = array<i32>} : memref<160x128xi32, #tpu.memory_space<vmem>>, vector<1x16xi32>,
      %get3A_161 = vector.shape_cast %get3A_160 : vector<1x16xi32> to vector<16xi32>
      %mul3A_162 = arith.constant 1 : i32
      %mul3A_163 = vector.broadcast %mul3A_162 : i32 to vector<16xi32>
      %mul3A_164 = arith.muli %get3A_161, %mul3A_163 : vector<16xi32>
      %add3A_165 = vector.broadcast %mul3A_23 : i32 to vector<16xi32>
      %add3A_166 = arith.addi %mul3A_164, %add3A_165 : vector<16xi32>
      %swap3A_167 = arith.index_cast %scan3A_75 : i32 to index
      %swap3A_168 = arith.constant 96 : index
      %swap3A_169 = tpu.vector_load %arg7[%swap3A_167, %swap3A_168] {strides = array<i32>} : memref<160x128xi32, #tpu.memory_space<vmem>>, vector<1x16xi32>,
      %swap3A_170 = vector.shape_cast %swap3A_169 : vector<1x16xi32> to vector<16xi32>
      %swap3A_171 = vector.shape_cast %add3A_166 : vector<16xi32> to vector<1x16xi32>
      tpu.vector_store %arg7[%swap3A_167, %swap3A_168], %swap3A_171 {strides = array<i32>} : memref<160x128xi32, #tpu.memory_space<vmem>>, vector<1x16xi32>,
      %get3A_172 = arith.index_cast %scan3A_75 : i32 to index
      %get3A_173 = arith.constant 112 : index
      %get3A_174 = tpu.vector_load %arg7[%get3A_172, %get3A_173] {strides = array<i32>} : memref<160x128xi32, #tpu.memory_space<vmem>>, vector<1x16xi32>,
      %get3A_175 = vector.shape_cast %get3A_174 : vector<1x16xi32> to vector<16xi32>
      %mul3A_176 = arith.constant 1 : i32
      %mul3A_177 = vector.broadcast %mul3A_176 : i32 to vector<16xi32>
      %mul3A_178 = arith.muli %get3A_175, %mul3A_177 : vector<16xi32>
      %add3A_179 = vector.broadcast %mul3A_23 : i32 to vector<16xi32>
      %add3A_180 = arith.addi %mul3A_178, %add3A_179 : vector<16xi32>
      %swap3A_181 = arith.index_cast %scan3A_75 : i32 to index
      %swap3A_182 = arith.constant 112 : index
      %swap3A_183 = tpu.vector_load %arg7[%swap3A_181, %swap3A_182] {strides = array<i32>} : memref<160x128xi32, #tpu.memory_space<vmem>>, vector<1x16xi32>,
      %swap3A_184 = vector.shape_cast %swap3A_183 : vector<1x16xi32> to vector<16xi32>
      %swap3A_185 = vector.shape_cast %add3A_180 : vector<16xi32> to vector<1x16xi32>
      tpu.vector_store %arg7[%swap3A_181, %swap3A_182], %swap3A_185 {strides = array<i32>} : memref<160x128xi32, #tpu.memory_space<vmem>>, vector<1x16xi32>,
      %scan3A_186 = arith.constant 0 : i32
      scf.yield %scan3A_186 : i32
    }
    %scan3A_30 = arith.constant 160 : i32
    %barrier3A = arith.constant 0 : index
    tpu.barrier barrier_id(%barrier3A)
    %dma_start3A = arith.constant 0 : i32
    %dma_start3A_31 = arith.constant 0 : i32
    %dma_start3A_32 = tpu.memref_slice %arg7[%dma_start3A, %dma_start3A_31] : memref<160x128xi32, #tpu.memory_space<vmem>> -> memref<1x128xi32, #tpu.memory_space<vmem>>
    %dma_start3A_33 = tpu.memref_squeeze %dma_start3A_32 : memref<1x128xi32, #tpu.memory_space<vmem>> -> memref<128xi32, #tpu.memory_space<vmem>>
    %dma_start3A_34 = arith.constant 0 : i32
    %dma_start3A_35 = arith.constant 0 : i32
    %dma_start3A_36 = tpu.memref_slice %arg2[%dma_start3A_34, %dma_start3A_35] : memref<20000x32xf32, #tpu.memory_space<hbm>> -> memref<20000x32xf32, #tpu.memory_space<hbm>>
    tpu.enqueue_indirect_dma source(%dma_start3A_36 : memref<20000x32xf32, #tpu.memory_space<hbm>>) target(%arg9 : memref<128x32xf32, #tpu.memory_space<vmem>>) offsets(%dma_start3A_33 : memref<128xi32, #tpu.memory_space<vmem>>) semaphore(%arg14 : memref<!tpu.dma_semaphore, #tpu.memory_space<semaphore_mem>>)
    %dma_start3A_37 = arith.constant 1 : i32
    %dma_start3A_38 = arith.constant 0 : i32
    %dma_start3A_39 = tpu.memref_slice %arg7[%dma_start3A_37, %dma_start3A_38] : memref<160x128xi32, #tpu.memory_space<vmem>> -> memref<1x128xi32, #tpu.memory_space<vmem>>
    %dma_start3A_40 = tpu.memref_squeeze %dma_start3A_39 : memref<1x128xi32, #tpu.memory_space<vmem>> -> memref<128xi32, #tpu.memory_space<vmem>>
    %dma_start3A_41 = arith.constant 0 : i32
    %dma_start3A_42 = arith.constant 0 : i32
    %dma_start3A_43 = tpu.memref_slice %arg2[%dma_start3A_41, %dma_start3A_42] : memref<20000x32xf32, #tpu.memory_space<hbm>> -> memref<20000x32xf32, #tpu.memory_space<hbm>>
    tpu.enqueue_indirect_dma source(%dma_start3A_43 : memref<20000x32xf32, #tpu.memory_space<hbm>>) target(%arg10 : memref<128x32xf32, #tpu.memory_space<vmem>>) offsets(%dma_start3A_40 : memref<128xi32, #tpu.memory_space<vmem>>) semaphore(%arg15 : memref<!tpu.dma_semaphore, #tpu.memory_space<semaphore_mem>>)
    %scan3A_44 = arith.constant 0 : i32
    %scan3A_45 = arith.constant 0 : i32
    %scan3A_46 = arith.constant 40 : i32
    %scan3A_47 = arith.addi %scan3A_45, %scan3A_46 : i32
    %scan3A_48 = arith.constant 1 : i32
    %scan3A_49 = scf.for %scan3A_75 = %scan3A_45 to %scan3A_47 step %scan3A_48 iter_args(%scan3A_76 = %scan3A_44) -> (i32)  : i32 {
      %mul3A_77 = arith.constant 4 : i32
      %mul3A_78 = arith.muli %mul3A_77, %scan3A_75 : i32
      %add3A = arith.constant 0 : i32
      %add3A_79 = arith.addi %mul3A_78, %add3A : i32
      %dma_wait3A_80 = arith.constant 0 : i32
      %dma_wait3A_81 = arith.constant 0 : i32
      %dma_wait3A_82 = tpu.memref_slice %arg7[%dma_wait3A_80, %dma_wait3A_81] : memref<160x128xi32, #tpu.memory_space<vmem>> -> memref<1x128xi32, #tpu.memory_space<vmem>>
      %dma_wait3A_83 = tpu.memref_squeeze %dma_wait3A_82 : memref<1x128xi32, #tpu.memory_space<vmem>> -> memref<128xi32, #tpu.memory_space<vmem>>
      %dma_wait3A_84 = arith.constant 0 : i32
      %dma_wait3A_85 = arith.constant 0 : i32
      %dma_wait3A_86 = tpu.memref_slice %arg2[%dma_wait3A_84, %dma_wait3A_85] : memref<20000x32xf32, #tpu.memory_space<hbm>> -> memref<20000x32xf32, #tpu.memory_space<hbm>>
      tpu.wait_indirect_dma semaphore(%arg14 : memref<!tpu.dma_semaphore, #tpu.memory_space<semaphore_mem>>) src(%dma_wait3A_86 : memref<20000x32xf32, #tpu.memory_space<hbm>>) dst(%arg9 : memref<128x32xf32, #tpu.memory_space<vmem>>)
      %dma_start3A_87 = arith.constant 0 : i32
      %dma_start3A_88 = tpu.memref_slice %arg8[%add3A_79, %dma_start3A_87] : memref<160x128xi32, #tpu.memory_space<vmem>> -> memref<1x128xi32, #tpu.memory_space<vmem>>
      %dma_start3A_89 = tpu.memref_squeeze %dma_start3A_88 : memref<1x128xi32, #tpu.memory_space<vmem>> -> memref<128xi32, #tpu.memory_space<vmem>>
      %dma_start3A_90 = arith.constant 0 : i32
      %dma_start3A_91 = arith.constant 0 : i32
      %dma_start3A_92 = tpu.memref_slice %arg6[%dma_start3A_90, %dma_start3A_91] : memref<10240x32xf32, #tpu.memory_space<vmem_shared>> -> memref<10240x32xf32, #tpu.memory_space<vmem_shared>>
      tpu.enqueue_indirect_dma source(%arg9 : memref<128x32xf32, #tpu.memory_space<vmem>>) target(%dma_start3A_92 : memref<10240x32xf32, #tpu.memory_space<vmem_shared>>) offsets(%dma_start3A_89 : memref<128xi32, #tpu.memory_space<vmem>>) semaphore(%arg18 : memref<!tpu.dma_semaphore, #tpu.memory_space<semaphore_mem>>) {add = true}
      %gt3A = arith.constant 0 : i32
      %gt3A_93 = arith.cmpi sgt, %scan3A_75, %gt3A : i32
      %convert_element_type3A = arith.extui %gt3A_93 : i1 to i32
      %cond3A = arith.constant 0 : i32
      %cond3A_94 = arith.cmpi ne, %convert_element_type3A, %cond3A : i32
      scf.if %cond3A_94 {
        %dma_wait3A_191 = arith.constant 0 : i32
        %dma_wait3A_192 = arith.constant 0 : i32
        %dma_wait3A_193 = tpu.memref_slice %arg8[%dma_wait3A_191, %dma_wait3A_192] : memref<160x128xi32, #tpu.memory_space<vmem>> -> memref<1x128xi32, #tpu.memory_space<vmem>>
        %dma_wait3A_194 = tpu.memref_squeeze %dma_wait3A_193 : memref<1x128xi32, #tpu.memory_space<vmem>> -> memref<128xi32, #tpu.memory_space<vmem>>
        %dma_wait3A_195 = arith.constant 0 : i32
        %dma_wait3A_196 = arith.constant 0 : i32
        %dma_wait3A_197 = tpu.memref_slice %arg6[%dma_wait3A_195, %dma_wait3A_196] : memref<10240x32xf32, #tpu.memory_space<vmem_shared>> -> memref<10240x32xf32, #tpu.memory_space<vmem_shared>>
        tpu.wait_indirect_dma semaphore(%arg20 : memref<!tpu.dma_semaphore, #tpu.memory_space<semaphore_mem>>) src(%arg11 : memref<128x32xf32, #tpu.memory_space<vmem>>) dst(%dma_wait3A_197 : memref<10240x32xf32, #tpu.memory_space<vmem_shared>>)
      } else {
      }
      %add3A_95 = arith.constant 2 : i32
      %add3A_96 = arith.addi %add3A_79, %add3A_95 : i32
      %dma_start3A_97 = arith.constant 0 : i32
      %dma_start3A_98 = tpu.memref_slice %arg7[%add3A_96, %dma_start3A_97] : memref<160x128xi32, #tpu.memory_space<vmem>> -> memref<1x128xi32, #tpu.memory_space<vmem>>
      %dma_start3A_99 = tpu.memref_squeeze %dma_start3A_98 : memref<1x128xi32, #tpu.memory_space<vmem>> -> memref<128xi32, #tpu.memory_space<vmem>>
      %dma_start3A_100 = arith.constant 0 : i32
      %dma_start3A_101 = arith.constant 0 : i32
      %dma_start3A_102 = tpu.memref_slice %arg2[%dma_start3A_100, %dma_start3A_101] : memref<20000x32xf32, #tpu.memory_space<hbm>> -> memref<20000x32xf32, #tpu.memory_space<hbm>>
      tpu.enqueue_indirect_dma source(%dma_start3A_102 : memref<20000x32xf32, #tpu.memory_space<hbm>>) target(%arg11 : memref<128x32xf32, #tpu.memory_space<vmem>>) offsets(%dma_start3A_99 : memref<128xi32, #tpu.memory_space<vmem>>) semaphore(%arg16 : memref<!tpu.dma_semaphore, #tpu.memory_space<semaphore_mem>>)
      %mul3A_103 = arith.constant 4 : i32
      %mul3A_104 = arith.muli %mul3A_103, %scan3A_75 : i32
      %add3A_105 = arith.constant 1 : i32
      %add3A_106 = arith.addi %mul3A_104, %add3A_105 : i32
      %dma_wait3A_107 = arith.constant 0 : i32
      %dma_wait3A_108 = arith.constant 0 : i32
      %dma_wait3A_109 = tpu.memref_slice %arg7[%dma_wait3A_107, %dma_wait3A_108] : memref<160x128xi32, #tpu.memory_space<vmem>> -> memref<1x128xi32, #tpu.memory_space<vmem>>
      %dma_wait3A_110 = tpu.memref_squeeze %dma_wait3A_109 : memref<1x128xi32, #tpu.memory_space<vmem>> -> memref<128xi32, #tpu.memory_space<vmem>>
      %dma_wait3A_111 = arith.constant 0 : i32
      %dma_wait3A_112 = arith.constant 0 : i32
      %dma_wait3A_113 = tpu.memref_slice %arg2[%dma_wait3A_111, %dma_wait3A_112] : memref<20000x32xf32, #tpu.memory_space<hbm>> -> memref<20000x32xf32, #tpu.memory_space<hbm>>
      tpu.wait_indirect_dma semaphore(%arg15 : memref<!tpu.dma_semaphore, #tpu.memory_space<semaphore_mem>>) src(%dma_wait3A_113 : memref<20000x32xf32, #tpu.memory_space<hbm>>) dst(%arg10 : memref<128x32xf32, #tpu.memory_space<vmem>>)
      %dma_start3A_114 = arith.constant 0 : i32
      %dma_start3A_115 = tpu.memref_slice %arg8[%add3A_106, %dma_start3A_114] : memref<160x128xi32, #tpu.memory_space<vmem>> -> memref<1x128xi32, #tpu.memory_space<vmem>>
      %dma_start3A_116 = tpu.memref_squeeze %dma_start3A_115 : memref<1x128xi32, #tpu.memory_space<vmem>> -> memref<128xi32, #tpu.memory_space<vmem>>
      %dma_start3A_117 = arith.constant 0 : i32
      %dma_start3A_118 = arith.constant 0 : i32
      %dma_start3A_119 = tpu.memref_slice %arg6[%dma_start3A_117, %dma_start3A_118] : memref<10240x32xf32, #tpu.memory_space<vmem_shared>> -> memref<10240x32xf32, #tpu.memory_space<vmem_shared>>
      tpu.enqueue_indirect_dma source(%arg10 : memref<128x32xf32, #tpu.memory_space<vmem>>) target(%dma_start3A_119 : memref<10240x32xf32, #tpu.memory_space<vmem_shared>>) offsets(%dma_start3A_116 : memref<128xi32, #tpu.memory_space<vmem>>) semaphore(%arg19 : memref<!tpu.dma_semaphore, #tpu.memory_space<semaphore_mem>>) {add = true}
      %gt3A_120 = arith.constant 0 : i32
      %gt3A_121 = arith.cmpi sgt, %scan3A_75, %gt3A_120 : i32
      %convert_element_type3A_122 = arith.extui %gt3A_121 : i1 to i32
      %cond3A_123 = arith.constant 0 : i32
      %cond3A_124 = arith.cmpi ne, %convert_element_type3A_122, %cond3A_123 : i32
      scf.if %cond3A_124 {
        %dma_wait3A_191 = arith.constant 0 : i32
        %dma_wait3A_192 = arith.constant 0 : i32
        %dma_wait3A_193 = tpu.memref_slice %arg8[%dma_wait3A_191, %dma_wait3A_192] : memref<160x128xi32, #tpu.memory_space<vmem>> -> memref<1x128xi32, #tpu.memory_space<vmem>>
        %dma_wait3A_194 = tpu.memref_squeeze %dma_wait3A_193 : memref<1x128xi32, #tpu.memory_space<vmem>> -> memref<128xi32, #tpu.memory_space<vmem>>
        %dma_wait3A_195 = arith.constant 0 : i32
        %dma_wait3A_196 = arith.constant 0 : i32
        %dma_wait3A_197 = tpu.memref_slice %arg6[%dma_wait3A_195, %dma_wait3A_196] : memref<10240x32xf32, #tpu.memory_space<vmem_shared>> -> memref<10240x32xf32, #tpu.memory_space<vmem_shared>>
        tpu.wait_indirect_dma semaphore(%arg21 : memref<!tpu.dma_semaphore, #tpu.memory_space<semaphore_mem>>) src(%arg12 : memref<128x32xf32, #tpu.memory_space<vmem>>) dst(%dma_wait3A_197 : memref<10240x32xf32, #tpu.memory_space<vmem_shared>>)
      } else {
      }
      %add3A_125 = arith.constant 2 : i32
      %add3A_126 = arith.addi %add3A_106, %add3A_125 : i32
      %dma_start3A_127 = arith.constant 0 : i32
      %dma_start3A_128 = tpu.memref_slice %arg7[%add3A_126, %dma_start3A_127] : memref<160x128xi32, #tpu.memory_space<vmem>> -> memref<1x128xi32, #tpu.memory_space<vmem>>
      %dma_start3A_129 = tpu.memref_squeeze %dma_start3A_128 : memref<1x128xi32, #tpu.memory_space<vmem>> -> memref<128xi32, #tpu.memory_space<vmem>>
      %dma_start3A_130 = arith.constant 0 : i32
      %dma_start3A_131 = arith.constant 0 : i32
      %dma_start3A_132 = tpu.memref_slice %arg2[%dma_start3A_130, %dma_start3A_131] : memref<20000x32xf32, #tpu.memory_space<hbm>> -> memref<20000x32xf32, #tpu.memory_space<hbm>>
      tpu.enqueue_indirect_dma source(%dma_start3A_132 : memref<20000x32xf32, #tpu.memory_space<hbm>>) target(%arg12 : memref<128x32xf32, #tpu.memory_space<vmem>>) offsets(%dma_start3A_129 : memref<128xi32, #tpu.memory_space<vmem>>) semaphore(%arg17 : memref<!tpu.dma_semaphore, #tpu.memory_space<semaphore_mem>>)
      %mul3A_133 = arith.constant 4 : i32
      %mul3A_134 = arith.muli %mul3A_133, %scan3A_75 : i32
      %add3A_135 = arith.constant 2 : i32
      %add3A_136 = arith.addi %mul3A_134, %add3A_135 : i32
      %dma_wait3A_137 = arith.constant 0 : i32
      %dma_wait3A_138 = arith.constant 0 : i32
      %dma_wait3A_139 = tpu.memref_slice %arg7[%dma_wait3A_137, %dma_wait3A_138] : memref<160x128xi32, #tpu.memory_space<vmem>> -> memref<1x128xi32, #tpu.memory_space<vmem>>
      %dma_wait3A_140 = tpu.memref_squeeze %dma_wait3A_139 : memref<1x128xi32, #tpu.memory_space<vmem>> -> memref<128xi32, #tpu.memory_space<vmem>>
      %dma_wait3A_141 = arith.constant 0 : i32
      %dma_wait3A_142 = arith.constant 0 : i32
      %dma_wait3A_143 = tpu.memref_slice %arg2[%dma_wait3A_141, %dma_wait3A_142] : memref<20000x32xf32, #tpu.memory_space<hbm>> -> memref<20000x32xf32, #tpu.memory_space<hbm>>
      tpu.wait_indirect_dma semaphore(%arg16 : memref<!tpu.dma_semaphore, #tpu.memory_space<semaphore_mem>>) src(%dma_wait3A_143 : memref<20000x32xf32, #tpu.memory_space<hbm>>) dst(%arg11 : memref<128x32xf32, #tpu.memory_space<vmem>>)
      %dma_start3A_144 = arith.constant 0 : i32
      %dma_start3A_145 = tpu.memref_slice %arg8[%add3A_136, %dma_start3A_144] : memref<160x128xi32, #tpu.memory_space<vmem>> -> memref<1x128xi32, #tpu.memory_space<vmem>>
      %dma_start3A_146 = tpu.memref_squeeze %dma_start3A_145 : memref<1x128xi32, #tpu.memory_space<vmem>> -> memref<128xi32, #tpu.memory_space<vmem>>
      %dma_start3A_147 = arith.constant 0 : i32
      %dma_start3A_148 = arith.constant 0 : i32
      %dma_start3A_149 = tpu.memref_slice %arg6[%dma_start3A_147, %dma_start3A_148] : memref<10240x32xf32, #tpu.memory_space<vmem_shared>> -> memref<10240x32xf32, #tpu.memory_space<vmem_shared>>
      tpu.enqueue_indirect_dma source(%arg11 : memref<128x32xf32, #tpu.memory_space<vmem>>) target(%dma_start3A_149 : memref<10240x32xf32, #tpu.memory_space<vmem_shared>>) offsets(%dma_start3A_146 : memref<128xi32, #tpu.memory_space<vmem>>) semaphore(%arg20 : memref<!tpu.dma_semaphore, #tpu.memory_space<semaphore_mem>>) {add = true}
      %dma_wait3A_150 = arith.constant 0 : i32
      %dma_wait3A_151 = arith.constant 0 : i32
      %dma_wait3A_152 = tpu.memref_slice %arg8[%dma_wait3A_150, %dma_wait3A_151] : memref<160x128xi32, #tpu.memory_space<vmem>> -> memref<1x128xi32, #tpu.memory_space<vmem>>
      %dma_wait3A_153 = tpu.memref_squeeze %dma_wait3A_152 : memref<1x128xi32, #tpu.memory_space<vmem>> -> memref<128xi32, #tpu.memory_space<vmem>>
      %dma_wait3A_154 = arith.constant 0 : i32
      %dma_wait3A_155 = arith.constant 0 : i32
      %dma_wait3A_156 = tpu.memref_slice %arg6[%dma_wait3A_154, %dma_wait3A_155] : memref<10240x32xf32, #tpu.memory_space<vmem_shared>> -> memref<10240x32xf32, #tpu.memory_space<vmem_shared>>
      tpu.wait_indirect_dma semaphore(%arg18 : memref<!tpu.dma_semaphore, #tpu.memory_space<semaphore_mem>>) src(%arg9 : memref<128x32xf32, #tpu.memory_space<vmem>>) dst(%dma_wait3A_156 : memref<10240x32xf32, #tpu.memory_space<vmem_shared>>)
      %lt3A = arith.constant 39 : i32
      %lt3A_157 = arith.cmpi slt, %scan3A_75, %lt3A : i32
      %convert_element_type3A_158 = arith.extui %lt3A_157 : i1 to i32
      %cond3A_159 = arith.constant 0 : i32
      %cond3A_160 = arith.cmpi ne, %convert_element_type3A_158, %cond3A_159 : i32
      scf.if %cond3A_160 {
        %add3A_191 = arith.constant 2 : i32
        %add3A_192 = arith.addi %add3A_136, %add3A_191 : i32
        %dma_start3A_193 = arith.constant 0 : i32
        %dma_start3A_194 = tpu.memref_slice %arg7[%add3A_192, %dma_start3A_193] : memref<160x128xi32, #tpu.memory_space<vmem>> -> memref<1x128xi32, #tpu.memory_space<vmem>>
        %dma_start3A_195 = tpu.memref_squeeze %dma_start3A_194 : memref<1x128xi32, #tpu.memory_space<vmem>> -> memref<128xi32, #tpu.memory_space<vmem>>
        %dma_start3A_196 = arith.constant 0 : i32
        %dma_start3A_197 = arith.constant 0 : i32
        %dma_start3A_198 = tpu.memref_slice %arg2[%dma_start3A_196, %dma_start3A_197] : memref<20000x32xf32, #tpu.memory_space<hbm>> -> memref<20000x32xf32, #tpu.memory_space<hbm>>
        tpu.enqueue_indirect_dma source(%dma_start3A_198 : memref<20000x32xf32, #tpu.memory_space<hbm>>) target(%arg9 : memref<128x32xf32, #tpu.memory_space<vmem>>) offsets(%dma_start3A_195 : memref<128xi32, #tpu.memory_space<vmem>>) semaphore(%arg14 : memref<!tpu.dma_semaphore, #tpu.memory_space<semaphore_mem>>)
      } else {
      }
      %mul3A_161 = arith.constant 4 : i32
      %mul3A_162 = arith.muli %mul3A_161, %scan3A_75 : i32
      %add3A_163 = arith.constant 3 : i32
      %add3A_164 = arith.addi %mul3A_162, %add3A_163 : i32
      %dma_wait3A_165 = arith.constant 0 : i32
      %dma_wait3A_166 = arith.constant 0 : i32
      %dma_wait3A_167 = tpu.memref_slice %arg7[%dma_wait3A_165, %dma_wait3A_166] : memref<160x128xi32, #tpu.memory_space<vmem>> -> memref<1x128xi32, #tpu.memory_space<vmem>>
      %dma_wait3A_168 = tpu.memref_squeeze %dma_wait3A_167 : memref<1x128xi32, #tpu.memory_space<vmem>> -> memref<128xi32, #tpu.memory_space<vmem>>
      %dma_wait3A_169 = arith.constant 0 : i32
      %dma_wait3A_170 = arith.constant 0 : i32
      %dma_wait3A_171 = tpu.memref_slice %arg2[%dma_wait3A_169, %dma_wait3A_170] : memref<20000x32xf32, #tpu.memory_space<hbm>> -> memref<20000x32xf32, #tpu.memory_space<hbm>>
      tpu.wait_indirect_dma semaphore(%arg17 : memref<!tpu.dma_semaphore, #tpu.memory_space<semaphore_mem>>) src(%dma_wait3A_171 : memref<20000x32xf32, #tpu.memory_space<hbm>>) dst(%arg12 : memref<128x32xf32, #tpu.memory_space<vmem>>)
      %dma_start3A_172 = arith.constant 0 : i32
      %dma_start3A_173 = tpu.memref_slice %arg8[%add3A_164, %dma_start3A_172] : memref<160x128xi32, #tpu.memory_space<vmem>> -> memref<1x128xi32, #tpu.memory_space<vmem>>
      %dma_start3A_174 = tpu.memref_squeeze %dma_start3A_173 : memref<1x128xi32, #tpu.memory_space<vmem>> -> memref<128xi32, #tpu.memory_space<vmem>>
      %dma_start3A_175 = arith.constant 0 : i32
      %dma_start3A_176 = arith.constant 0 : i32
      %dma_start3A_177 = tpu.memref_slice %arg6[%dma_start3A_175, %dma_start3A_176] : memref<10240x32xf32, #tpu.memory_space<vmem_shared>> -> memref<10240x32xf32, #tpu.memory_space<vmem_shared>>
      tpu.enqueue_indirect_dma source(%arg12 : memref<128x32xf32, #tpu.memory_space<vmem>>) target(%dma_start3A_177 : memref<10240x32xf32, #tpu.memory_space<vmem_shared>>) offsets(%dma_start3A_174 : memref<128xi32, #tpu.memory_space<vmem>>) semaphore(%arg21 : memref<!tpu.dma_semaphore, #tpu.memory_space<semaphore_mem>>) {add = true}
      %dma_wait3A_178 = arith.constant 0 : i32
      %dma_wait3A_179 = arith.constant 0 : i32
      %dma_wait3A_180 = tpu.memref_slice %arg8[%dma_wait3A_178, %dma_wait3A_179] : memref<160x128xi32, #tpu.memory_space<vmem>> -> memref<1x128xi32, #tpu.memory_space<vmem>>
      %dma_wait3A_181 = tpu.memref_squeeze %dma_wait3A_180 : memref<1x128xi32, #tpu.memory_space<vmem>> -> memref<128xi32, #tpu.memory_space<vmem>>
      %dma_wait3A_182 = arith.constant 0 : i32
      %dma_wait3A_183 = arith.constant 0 : i32
      %dma_wait3A_184 = tpu.memref_slice %arg6[%dma_wait3A_182, %dma_wait3A_183] : memref<10240x32xf32, #tpu.memory_space<vmem_shared>> -> memref<10240x32xf32, #tpu.memory_space<vmem_shared>>
      tpu.wait_indirect_dma semaphore(%arg19 : memref<!tpu.dma_semaphore, #tpu.memory_space<semaphore_mem>>) src(%arg10 : memref<128x32xf32, #tpu.memory_space<vmem>>) dst(%dma_wait3A_184 : memref<10240x32xf32, #tpu.memory_space<vmem_shared>>)
      %lt3A_185 = arith.constant 39 : i32
      %lt3A_186 = arith.cmpi slt, %scan3A_75, %lt3A_185 : i32
      %convert_element_type3A_187 = arith.extui %lt3A_186 : i1 to i32
      %cond3A_188 = arith.constant 0 : i32
      %cond3A_189 = arith.cmpi ne, %convert_element_type3A_187, %cond3A_188 : i32
      scf.if %cond3A_189 {
        %add3A_191 = arith.constant 2 : i32
        %add3A_192 = arith.addi %add3A_164, %add3A_191 : i32
        %dma_start3A_193 = arith.constant 0 : i32
        %dma_start3A_194 = tpu.memref_slice %arg7[%add3A_192, %dma_start3A_193] : memref<160x128xi32, #tpu.memory_space<vmem>> -> memref<1x128xi32, #tpu.memory_space<vmem>>
        %dma_start3A_195 = tpu.memref_squeeze %dma_start3A_194 : memref<1x128xi32, #tpu.memory_space<vmem>> -> memref<128xi32, #tpu.memory_space<vmem>>
        %dma_start3A_196 = arith.constant 0 : i32
        %dma_start3A_197 = arith.constant 0 : i32
        %dma_start3A_198 = tpu.memref_slice %arg2[%dma_start3A_196, %dma_start3A_197] : memref<20000x32xf32, #tpu.memory_space<hbm>> -> memref<20000x32xf32, #tpu.memory_space<hbm>>
        tpu.enqueue_indirect_dma source(%dma_start3A_198 : memref<20000x32xf32, #tpu.memory_space<hbm>>) target(%arg10 : memref<128x32xf32, #tpu.memory_space<vmem>>) offsets(%dma_start3A_195 : memref<128xi32, #tpu.memory_space<vmem>>) semaphore(%arg15 : memref<!tpu.dma_semaphore, #tpu.memory_space<semaphore_mem>>)
      } else {
      }
      %scan3A_190 = arith.constant 0 : i32
      scf.yield %scan3A_190 : i32
    }
    %scan3A_50 = arith.constant 40 : i32
    %dma_wait3A = arith.constant 0 : i32
    %dma_wait3A_51 = arith.constant 0 : i32
    %dma_wait3A_52 = tpu.memref_slice %arg8[%dma_wait3A, %dma_wait3A_51] : memref<160x128xi32, #tpu.memory_space<vmem>> -> memref<1x128xi32, #tpu.memory_space<vmem>>
    %dma_wait3A_53 = tpu.memref_squeeze %dma_wait3A_52 : memref<1x128xi32, #tpu.memory_space<vmem>> -> memref<128xi32, #tpu.memory_space<vmem>>
    %dma_wait3A_54 = arith.constant 0 : i32
    %dma_wait3A_55 = arith.constant 0 : i32
    %dma_wait3A_56 = tpu.memref_slice %arg6[%dma_wait3A_54, %dma_wait3A_55] : memref<10240x32xf32, #tpu.memory_space<vmem_shared>> -> memref<10240x32xf32, #tpu.memory_space<vmem_shared>>
    tpu.wait_indirect_dma semaphore(%arg20 : memref<!tpu.dma_semaphore, #tpu.memory_space<semaphore_mem>>) src(%arg11 : memref<128x32xf32, #tpu.memory_space<vmem>>) dst(%dma_wait3A_56 : memref<10240x32xf32, #tpu.memory_space<vmem_shared>>)
    %dma_wait3A_57 = arith.constant 0 : i32
    %dma_wait3A_58 = arith.constant 0 : i32
    %dma_wait3A_59 = tpu.memref_slice %arg8[%dma_wait3A_57, %dma_wait3A_58] : memref<160x128xi32, #tpu.memory_space<vmem>> -> memref<1x128xi32, #tpu.memory_space<vmem>>
    %dma_wait3A_60 = tpu.memref_squeeze %dma_wait3A_59 : memref<1x128xi32, #tpu.memory_space<vmem>> -> memref<128xi32, #tpu.memory_space<vmem>>
    %dma_wait3A_61 = arith.constant 0 : i32
    %dma_wait3A_62 = arith.constant 0 : i32
    %dma_wait3A_63 = tpu.memref_slice %arg6[%dma_wait3A_61, %dma_wait3A_62] : memref<10240x32xf32, #tpu.memory_space<vmem_shared>> -> memref<10240x32xf32, #tpu.memory_space<vmem_shared>>
    tpu.wait_indirect_dma semaphore(%arg21 : memref<!tpu.dma_semaphore, #tpu.memory_space<semaphore_mem>>) src(%arg12 : memref<128x32xf32, #tpu.memory_space<vmem>>) dst(%dma_wait3A_63 : memref<10240x32xf32, #tpu.memory_space<vmem_shared>>)
    %barrier3A_64 = arith.constant 0 : index
    tpu.barrier barrier_id(%barrier3A_64)
    %dma_start3A_65 = arith.constant 0 : i32
    %dma_start3A_66 = tpu.memref_slice %arg5[%arg0, %mul3A_7, %dma_start3A_65] : memref<2x10240x32xf32, #tpu.memory_space<hbm>> -> memref<1x640x32xf32, #tpu.memory_space<hbm>>
    %dma_start3A_67 = tpu.memref_squeeze %dma_start3A_66 : memref<1x640x32xf32, #tpu.memory_space<hbm>> -> memref<640x32xf32, #tpu.memory_space<hbm>>
    %dma_start3A_68 = arith.constant 0 : i32
    %dma_start3A_69 = tpu.memref_slice %arg6[%mul3A_7, %dma_start3A_68] : memref<10240x32xf32, #tpu.memory_space<vmem_shared>> -> memref<640x32xf32, #tpu.memory_space<vmem_shared>>
    tpu.enqueue_dma source(%dma_start3A_69 : memref<640x32xf32, #tpu.memory_space<vmem_shared>>) target(%dma_start3A_67 : memref<640x32xf32, #tpu.memory_space<hbm>>) target_semaphore(%arg22 : memref<!tpu.dma_semaphore, #tpu.memory_space<semaphore_mem>>)
    %dma_wait3A_70 = arith.constant 0 : i32
    %dma_wait3A_71 = tpu.memref_slice %arg5[%arg0, %mul3A_7, %dma_wait3A_70] : memref<2x10240x32xf32, #tpu.memory_space<hbm>> -> memref<1x640x32xf32, #tpu.memory_space<hbm>>
    %dma_wait3A_72 = tpu.memref_squeeze %dma_wait3A_71 : memref<1x640x32xf32, #tpu.memory_space<hbm>> -> memref<640x32xf32, #tpu.memory_space<hbm>>
    %dma_wait3A_73 = arith.constant 0 : i32
    %dma_wait3A_74 = tpu.memref_slice %arg6[%mul3A_7, %dma_wait3A_73] : memref<10240x32xf32, #tpu.memory_space<vmem_shared>> -> memref<640x32xf32, #tpu.memory_space<vmem_shared>>
    tpu.wait_dma2 semaphore(%arg22 : memref<!tpu.dma_semaphore, #tpu.memory_space<semaphore_mem>>) src(%dma_wait3A_74 : memref<640x32xf32, #tpu.memory_space<vmem_shared>>) dst(%dma_wait3A_72 : memref<640x32xf32, #tpu.memory_space<hbm>>)
    return
  }
}

module attributes {stable_mosaic.version = 14 : i64} {
  func.func @_tc_self_body(%arg0: i32, %arg1: memref<1000x128xf32, #tpu.memory_space<vmem>>, %arg2: memref<128x128xf32, #tpu.memory_space<vmem>>, %arg3: memref<1x128xf32, #tpu.memory_space<vmem>>, %arg4: memref<1000x128xf32, #tpu.memory_space<vmem>>) attributes {dimension_semantics = [#tpu.dimension_semantics<arbitrary>], iteration_bounds = array<i64: 10>, scalar_prefetch = 0 : i64, scratch_operands = 0 : i64, tpu.core_type = #tpu.core_type<tc>, window_params = [{transform_indices = @transform_0, window_bounds = array<i64: 1000, 128>}, {pipeline_mode = #tpu.pipeline_mode<synchronous>, transform_indices = @transform_1, window_bounds = array<i64: 128, 128>}, {pipeline_mode = #tpu.pipeline_mode<synchronous>, transform_indices = @transform_2, window_bounds = array<i64: 1, 128>}, {transform_indices = @transform_3, window_bounds = array<i64: 1000, 128>}]} {
    %get3A = arith.constant 0 : index
    %get3A_0 = arith.constant 0 : index
    %get3A_1 = vector.load %arg1[%get3A, %get3A_0] : memref<1000x128xf32, #tpu.memory_space<vmem>>, vector<1000x128xf32>
    %get3A_2 = arith.constant 0 : index
    %get3A_3 = arith.constant 0 : index
    %get3A_4 = vector.load %arg2[%get3A_2, %get3A_3] : memref<128x128xf32, #tpu.memory_space<vmem>>, vector<128x128xf32>
    %dot_general3A = arith.constant dense<0.000000e+00> : vector<1000x128xf32>
    %dot_general3A_5 = tpu.matmul %get3A_1, %get3A_4, %dot_general3A {dimension_numbers = #tpu.dot_dimension_numbers<[1], [1], [0], [0], [0, 0, 1, 0], [], []>, transpose_lhs_hint = false} : vector<1000x128xf32>, vector<128x128xf32>, vector<1000x128xf32> -> vector<1000x128xf32>
    %get3A_6 = arith.constant 0 : index
    %get3A_7 = arith.constant 0 : index
    %get3A_8 = vector.load %arg3[%get3A_6, %get3A_7] : memref<1x128xf32, #tpu.memory_space<vmem>>, vector<1x128xf32>
    %add3A = vector.broadcast %get3A_8 : vector<1x128xf32> to vector<1000x128xf32>
    %add3A_9 = arith.addf %dot_general3A_5, %add3A : vector<1000x128xf32>
    %swap3A = arith.constant 0 : index
    %swap3A_10 = arith.constant 0 : index
    %swap3A_11 = vector.load %arg4[%swap3A, %swap3A_10] : memref<1000x128xf32, #tpu.memory_space<vmem>>, vector<1000x128xf32>
    tpu.vector_store %arg4[%swap3A, %swap3A_10], %add3A_9 {strides = array<i32>} : memref<1000x128xf32, #tpu.memory_space<vmem>>, vector<1000x128xf32>,
    return
  }
  func.func @transform_0(%arg0: i32) -> (i32, i32) {
    %c0_i32 = arith.constant 0 : i32
    %c0_i32_0 = arith.constant 0 : i32
    return %arg0, %c0_i32 : i32, i32
  }
  func.func @transform_1(%arg0: i32) -> (i32, i32) {
    %c0_i32 = arith.constant 0 : i32
    %c0_i32_0 = arith.constant 0 : i32
    %c0_i32_1 = arith.constant 0 : i32
    return %c0_i32, %c0_i32_0 : i32, i32
  }
  func.func @transform_2(%arg0: i32) -> (i32, i32) {
    %c0_i32 = arith.constant 0 : i32
    %c0_i32_0 = arith.constant 0 : i32
    %c0_i32_1 = arith.constant 0 : i32
    return %c0_i32, %c0_i32_0 : i32, i32
  }
  func.func @transform_3(%arg0: i32) -> (i32, i32) {
    %c0_i32 = arith.constant 0 : i32
    %c0_i32_0 = arith.constant 0 : i32
    return %arg0, %c0_i32 : i32, i32
  }
}

module attributes {stable_mosaic.version = 14 : i64} {
  func.func @_tc_main_body(%arg0: i32, %arg1: memref<2x1000x64xf32, #tpu.memory_space<vmem>>, %arg2: memref<2x1000x16xf32, #tpu.memory_space<vmem>>, %arg3: memref<1000x128xf32, #tpu.memory_space<vmem>>, %arg4: memref<128x128xf32, #tpu.memory_space<vmem>>, %arg5: memref<64x128xf32, #tpu.memory_space<vmem>>, %arg6: memref<64x128xf32, #tpu.memory_space<vmem>>, %arg7: memref<2x1000x32xf32, #tpu.memory_space<vmem>>, %arg8: memref<1000x64xf32, #tpu.memory_space<vmem>>) attributes {dimension_semantics = [#tpu.dimension_semantics<arbitrary>], iteration_bounds = array<i64: 10>, scalar_prefetch = 0 : i64, scratch_operands = 0 : i64, tpu.core_type = #tpu.core_type<tc>, window_params = [{transform_indices = @transform_0, window_bounds = array<i64: 2, 1000, 64>}, {transform_indices = @transform_1, window_bounds = array<i64: 2, 1000, 16>}, {transform_indices = @transform_2, window_bounds = array<i64: 1000, 128>}, {pipeline_mode = #tpu.pipeline_mode<synchronous>, transform_indices = @transform_3, window_bounds = array<i64: 128, 128>}, {pipeline_mode = #tpu.pipeline_mode<synchronous>, transform_indices = @transform_4, window_bounds = array<i64: 64, 128>}, {pipeline_mode = #tpu.pipeline_mode<synchronous>, transform_indices = @transform_5, window_bounds = array<i64: 64, 128>}, {transform_indices = @transform_6, window_bounds = array<i64: 2, 1000, 32>}, {transform_indices = @transform_7, window_bounds = array<i64: 1000, 64>}]} {
    %get3A = arith.constant 0 : index
    %get3A_0 = arith.constant 0 : index
    %get3A_1 = arith.constant 0 : index
    %get3A_2 = vector.load %arg1[%get3A, %get3A_0, %get3A_1] : memref<2x1000x64xf32, #tpu.memory_space<vmem>>, vector<1x1000x64xf32>
    %get3A_3 = vector.shape_cast %get3A_2 : vector<1x1000x64xf32> to vector<1000x64xf32>
    %get3A_4 = arith.constant 1 : index
    %get3A_5 = arith.constant 0 : index
    %get3A_6 = arith.constant 0 : index
    %get3A_7 = vector.load %arg1[%get3A_4, %get3A_5, %get3A_6] : memref<2x1000x64xf32, #tpu.memory_space<vmem>>, vector<1x1000x64xf32>
    %get3A_8 = vector.shape_cast %get3A_7 : vector<1x1000x64xf32> to vector<1000x64xf32>
    %concatenate3A = tpu.concatenate %get3A_3, %get3A_8 in 1 : vector<1000x64xf32>, vector<1000x64xf32> -> vector<1000x128xf32>
    %get3A_9 = arith.constant 0 : index
    %get3A_10 = arith.constant 0 : index
    %get3A_11 = arith.constant 0 : index
    %get3A_12 = vector.load %arg2[%get3A_9, %get3A_10, %get3A_11] : memref<2x1000x16xf32, #tpu.memory_space<vmem>>, vector<1x1000x1xf32>
    %get3A_13 = vector.shape_cast %get3A_12 : vector<1x1000x1xf32> to vector<1000x1xf32>
    %get3A_14 = arith.constant 1 : index
    %get3A_15 = arith.constant 0 : index
    %get3A_16 = arith.constant 0 : index
    %get3A_17 = vector.load %arg2[%get3A_14, %get3A_15, %get3A_16] : memref<2x1000x16xf32, #tpu.memory_space<vmem>>, vector<1x1000x1xf32>
    %get3A_18 = vector.shape_cast %get3A_17 : vector<1x1000x1xf32> to vector<1000x1xf32>
    %add3A = arith.addf %get3A_13, %get3A_18 : vector<1000x1xf32>
    %max3A = arith.constant 1.000000e+00 : f32
    %max3A_19 = vector.broadcast %max3A : f32 to vector<1000x1xf32>
    %max3A_20 = arith.maximumf %add3A, %max3A_19 : vector<1000x1xf32>
    %div3A = arith.constant 1.000000e+00 : f32
    %div3A_21 = vector.broadcast %div3A : f32 to vector<1000x1xf32>
    %div3A_22 = arith.divf %div3A_21, %max3A_20 : vector<1000x1xf32>
    %mul3A = vector.broadcast %div3A_22 : vector<1000x1xf32> to vector<1000x128xf32>
    %mul3A_23 = arith.mulf %concatenate3A, %mul3A : vector<1000x128xf32>
    %get3A_24 = arith.constant 0 : index
    %get3A_25 = arith.constant 0 : index
    %get3A_26 = vector.load %arg4[%get3A_24, %get3A_25] : memref<128x128xf32, #tpu.memory_space<vmem>>, vector<128x128xf32>
    %dot_general3A = arith.constant dense<0.000000e+00> : vector<1000x128xf32>
    %dot_general3A_27 = tpu.matmul %mul3A_23, %get3A_26, %dot_general3A {dimension_numbers = #tpu.dot_dimension_numbers<[1], [1], [0], [0], [0, 0, 1, 0], [], []>, transpose_lhs_hint = false} : vector<1000x128xf32>, vector<128x128xf32>, vector<1000x128xf32> -> vector<1000x128xf32>
    %get3A_28 = arith.constant 0 : index
    %get3A_29 = arith.constant 0 : index
    %get3A_30 = vector.load %arg3[%get3A_28, %get3A_29] : memref<1000x128xf32, #tpu.memory_space<vmem>>, vector<1000x128xf32>
    %add3A_31 = arith.addf %dot_general3A_27, %get3A_30 : vector<1000x128xf32>
    %get3A_32 = arith.constant 0 : index
    %get3A_33 = arith.constant 0 : index
    %get3A_34 = vector.load %arg5[%get3A_32, %get3A_33] : memref<64x128xf32, #tpu.memory_space<vmem>>, vector<64x128xf32>
    %dot_general3A_35 = arith.constant dense<0.000000e+00> : vector<1000x64xf32>
    %dot_general3A_36 = tpu.matmul %add3A_31, %get3A_34, %dot_general3A_35 {dimension_numbers = #tpu.dot_dimension_numbers<[1], [1], [0], [0], [0, 0, 1, 0], [], []>, transpose_lhs_hint = false} : vector<1000x128xf32>, vector<64x128xf32>, vector<1000x64xf32> -> vector<1000x64xf32>
    %slice3A = vector.extract_strided_slice %dot_general3A_36 {offsets = [0, 0], sizes = [1000, 32], strides = [1, 1]} : vector<1000x64xf32> to vector<1000x32xf32>
    %swap3A = arith.constant 0 : index
    %swap3A_37 = arith.constant 0 : index
    %swap3A_38 = arith.constant 0 : index
    %swap3A_39 = vector.load %arg7[%swap3A, %swap3A_37, %swap3A_38] : memref<2x1000x32xf32, #tpu.memory_space<vmem>>, vector<1x1000x32xf32>
    %swap3A_40 = vector.shape_cast %swap3A_39 : vector<1x1000x32xf32> to vector<1000x32xf32>
    %swap3A_41 = vector.shape_cast %slice3A : vector<1000x32xf32> to vector<1x1000x32xf32>
    tpu.vector_store %arg7[%swap3A, %swap3A_37, %swap3A_38], %swap3A_41 {strides = array<i32>} : memref<2x1000x32xf32, #tpu.memory_space<vmem>>, vector<1x1000x32xf32>,
    %slice3A_42 = vector.extract_strided_slice %dot_general3A_36 {offsets = [0, 32], sizes = [1000, 32], strides = [1, 1]} : vector<1000x64xf32> to vector<1000x32xf32>
    %swap3A_43 = arith.constant 1 : index
    %swap3A_44 = arith.constant 0 : index
    %swap3A_45 = arith.constant 0 : index
    %swap3A_46 = vector.load %arg7[%swap3A_43, %swap3A_44, %swap3A_45] : memref<2x1000x32xf32, #tpu.memory_space<vmem>>, vector<1x1000x32xf32>
    %swap3A_47 = vector.shape_cast %swap3A_46 : vector<1x1000x32xf32> to vector<1000x32xf32>
    %swap3A_48 = vector.shape_cast %slice3A_42 : vector<1000x32xf32> to vector<1x1000x32xf32>
    tpu.vector_store %arg7[%swap3A_43, %swap3A_44, %swap3A_45], %swap3A_48 {strides = array<i32>} : memref<2x1000x32xf32, #tpu.memory_space<vmem>>, vector<1x1000x32xf32>,
    %get3A_49 = arith.constant 0 : index
    %get3A_50 = arith.constant 0 : index
    %get3A_51 = vector.load %arg6[%get3A_49, %get3A_50] : memref<64x128xf32, #tpu.memory_space<vmem>>, vector<64x128xf32>
    %dot_general3A_52 = arith.constant dense<0.000000e+00> : vector<1000x64xf32>
    %dot_general3A_53 = tpu.matmul %add3A_31, %get3A_51, %dot_general3A_52 {dimension_numbers = #tpu.dot_dimension_numbers<[1], [1], [0], [0], [0, 0, 1, 0], [], []>, transpose_lhs_hint = false} : vector<1000x128xf32>, vector<64x128xf32>, vector<1000x64xf32> -> vector<1000x64xf32>
    %swap3A_54 = arith.constant 0 : index
    %swap3A_55 = arith.constant 0 : index
    %swap3A_56 = vector.load %arg8[%swap3A_54, %swap3A_55] : memref<1000x64xf32, #tpu.memory_space<vmem>>, vector<1000x64xf32>
    tpu.vector_store %arg8[%swap3A_54, %swap3A_55], %dot_general3A_53 {strides = array<i32>} : memref<1000x64xf32, #tpu.memory_space<vmem>>, vector<1000x64xf32>,
    return
  }
  func.func @transform_0(%arg0: i32) -> (i32, i32, i32) {
    %c0_i32 = arith.constant 0 : i32
    %c0_i32_0 = arith.constant 0 : i32
    %c0_i32_1 = arith.constant 0 : i32
    return %c0_i32, %arg0, %c0_i32_0 : i32, i32, i32
  }
  func.func @transform_1(%arg0: i32) -> (i32, i32, i32) {
    %c0_i32 = arith.constant 0 : i32
    %c0_i32_0 = arith.constant 0 : i32
    %c0_i32_1 = arith.constant 0 : i32
    return %c0_i32, %arg0, %c0_i32_0 : i32, i32, i32
  }
  func.func @transform_2(%arg0: i32) -> (i32, i32) {
    %c0_i32 = arith.constant 0 : i32
    %c0_i32_0 = arith.constant 0 : i32
    return %arg0, %c0_i32 : i32, i32
  }
  func.func @transform_3(%arg0: i32) -> (i32, i32) {
    %c0_i32 = arith.constant 0 : i32
    %c0_i32_0 = arith.constant 0 : i32
    %c0_i32_1 = arith.constant 0 : i32
    return %c0_i32, %c0_i32_0 : i32, i32
  }
  func.func @transform_4(%arg0: i32) -> (i32, i32) {
    %c0_i32 = arith.constant 0 : i32
    %c0_i32_0 = arith.constant 0 : i32
    %c0_i32_1 = arith.constant 0 : i32
    return %c0_i32, %c0_i32_0 : i32, i32
  }
  func.func @transform_5(%arg0: i32) -> (i32, i32) {
    %c0_i32 = arith.constant 0 : i32
    %c0_i32_0 = arith.constant 0 : i32
    %c0_i32_1 = arith.constant 0 : i32
    return %c0_i32, %c0_i32_0 : i32, i32
  }
  func.func @transform_6(%arg0: i32) -> (i32, i32, i32) {
    %c0_i32 = arith.constant 0 : i32
    %c0_i32_0 = arith.constant 0 : i32
    %c0_i32_1 = arith.constant 0 : i32
    return %c0_i32, %arg0, %c0_i32_0 : i32, i32, i32
  }
  func.func @transform_7(%arg0: i32) -> (i32, i32) {
    %c0_i32 = arith.constant 0 : i32
    %c0_i32_0 = arith.constant 0 : i32
    return %arg0, %c0_i32 : i32, i32
  }
}

module attributes {stable_mosaic.version = 14 : i64} {
  func.func @_tc_final_body(%arg0: i32, %arg1: memref<2x1000x32xf32, #tpu.memory_space<vmem>>, %arg2: memref<2x1000x16xf32, #tpu.memory_space<vmem>>, %arg3: memref<1000x64xf32, #tpu.memory_space<vmem>>, %arg4: memref<1x64xf32, #tpu.memory_space<vmem>>, %arg5: memref<1000x64xf32, #tpu.memory_space<vmem>>) attributes {dimension_semantics = [#tpu.dimension_semantics<arbitrary>], iteration_bounds = array<i64: 10>, scalar_prefetch = 0 : i64, scratch_operands = 0 : i64, tpu.core_type = #tpu.core_type<tc>, window_params = [{transform_indices = @transform_0, window_bounds = array<i64: 2, 1000, 32>}, {transform_indices = @transform_1, window_bounds = array<i64: 2, 1000, 16>}, {transform_indices = @transform_2, window_bounds = array<i64: 1000, 64>}, {pipeline_mode = #tpu.pipeline_mode<synchronous>, transform_indices = @transform_3, window_bounds = array<i64: 1, 64>}, {transform_indices = @transform_4, window_bounds = array<i64: 1000, 64>}]} {
    %get3A = arith.constant 0 : index
    %get3A_0 = arith.constant 0 : index
    %get3A_1 = arith.constant 0 : index
    %get3A_2 = vector.load %arg1[%get3A, %get3A_0, %get3A_1] : memref<2x1000x32xf32, #tpu.memory_space<vmem>>, vector<1x1000x32xf32>
    %get3A_3 = vector.shape_cast %get3A_2 : vector<1x1000x32xf32> to vector<1000x32xf32>
    %get3A_4 = arith.constant 1 : index
    %get3A_5 = arith.constant 0 : index
    %get3A_6 = arith.constant 0 : index
    %get3A_7 = vector.load %arg1[%get3A_4, %get3A_5, %get3A_6] : memref<2x1000x32xf32, #tpu.memory_space<vmem>>, vector<1x1000x32xf32>
    %get3A_8 = vector.shape_cast %get3A_7 : vector<1x1000x32xf32> to vector<1000x32xf32>
    %concatenate3A = tpu.concatenate %get3A_3, %get3A_8 in 1 : vector<1000x32xf32>, vector<1000x32xf32> -> vector<1000x64xf32>
    %get3A_9 = arith.constant 0 : index
    %get3A_10 = arith.constant 0 : index
    %get3A_11 = arith.constant 0 : index
    %get3A_12 = vector.load %arg2[%get3A_9, %get3A_10, %get3A_11] : memref<2x1000x16xf32, #tpu.memory_space<vmem>>, vector<1x1000x1xf32>
    %get3A_13 = vector.shape_cast %get3A_12 : vector<1x1000x1xf32> to vector<1000x1xf32>
    %get3A_14 = arith.constant 1 : index
    %get3A_15 = arith.constant 0 : index
    %get3A_16 = arith.constant 0 : index
    %get3A_17 = vector.load %arg2[%get3A_14, %get3A_15, %get3A_16] : memref<2x1000x16xf32, #tpu.memory_space<vmem>>, vector<1x1000x1xf32>
    %get3A_18 = vector.shape_cast %get3A_17 : vector<1x1000x1xf32> to vector<1000x1xf32>
    %add3A = arith.addf %get3A_13, %get3A_18 : vector<1000x1xf32>
    %max3A = arith.constant 1.000000e+00 : f32
    %max3A_19 = vector.broadcast %max3A : f32 to vector<1000x1xf32>
    %max3A_20 = arith.maximumf %add3A, %max3A_19 : vector<1000x1xf32>
    %div3A = arith.constant 1.000000e+00 : f32
    %div3A_21 = vector.broadcast %div3A : f32 to vector<1000x1xf32>
    %div3A_22 = arith.divf %div3A_21, %max3A_20 : vector<1000x1xf32>
    %mul3A = vector.broadcast %div3A_22 : vector<1000x1xf32> to vector<1000x64xf32>
    %mul3A_23 = arith.mulf %concatenate3A, %mul3A : vector<1000x64xf32>
    %get3A_24 = arith.constant 0 : index
    %get3A_25 = arith.constant 0 : index
    %get3A_26 = vector.load %arg4[%get3A_24, %get3A_25] : memref<1x64xf32, #tpu.memory_space<vmem>>, vector<1x64xf32>
    %add3A_27 = vector.broadcast %get3A_26 : vector<1x64xf32> to vector<1000x64xf32>
    %add3A_28 = arith.addf %mul3A_23, %add3A_27 : vector<1000x64xf32>
    %get3A_29 = arith.constant 0 : index
    %get3A_30 = arith.constant 0 : index
    %get3A_31 = vector.load %arg3[%get3A_29, %get3A_30] : memref<1000x64xf32, #tpu.memory_space<vmem>>, vector<1000x64xf32>
    %add3A_32 = arith.addf %add3A_28, %get3A_31 : vector<1000x64xf32>
    %reduce_max3A = arith.constant dense<0xFF800000> : vector<1000xf32>
    %reduce_max3A_33 = vector.multi_reduction <maximumf>, %add3A_32, %reduce_max3A [1] : vector<1000x64xf32> to vector<1000xf32>
    %broadcast_in_dim3A = vector.shape_cast %reduce_max3A_33 : vector<1000xf32> to vector<1000x1xf32>
    %sub3A = vector.broadcast %broadcast_in_dim3A : vector<1000x1xf32> to vector<1000x64xf32>
    %sub3A_34 = arith.subf %add3A_32, %sub3A : vector<1000x64xf32>
    %exp3A = math.exp %sub3A_34 : vector<1000x64xf32>
    %reduce_sum3A = arith.constant dense<0.000000e+00> : vector<1000xf32>
    %reduce_sum3A_35 = vector.multi_reduction <add>, %exp3A, %reduce_sum3A [1] : vector<1000x64xf32> to vector<1000xf32>
    %broadcast_in_dim3A_36 = vector.shape_cast %reduce_sum3A_35 : vector<1000xf32> to vector<1000x1xf32>
    %log3A = math.log %broadcast_in_dim3A_36 : vector<1000x1xf32>
    %add3A_37 = arith.addf %broadcast_in_dim3A, %log3A : vector<1000x1xf32>
    %sub3A_38 = vector.broadcast %add3A_37 : vector<1000x1xf32> to vector<1000x64xf32>
    %sub3A_39 = arith.subf %add3A_32, %sub3A_38 : vector<1000x64xf32>
    %swap3A = arith.constant 0 : index
    %swap3A_40 = arith.constant 0 : index
    %swap3A_41 = vector.load %arg5[%swap3A, %swap3A_40] : memref<1000x64xf32, #tpu.memory_space<vmem>>, vector<1000x64xf32>
    tpu.vector_store %arg5[%swap3A, %swap3A_40], %sub3A_39 {strides = array<i32>} : memref<1000x64xf32, #tpu.memory_space<vmem>>, vector<1000x64xf32>,
    return
  }
  func.func @transform_0(%arg0: i32) -> (i32, i32, i32) {
    %c0_i32 = arith.constant 0 : i32
    %c0_i32_0 = arith.constant 0 : i32
    %c0_i32_1 = arith.constant 0 : i32
    return %c0_i32, %arg0, %c0_i32_0 : i32, i32, i32
  }
  func.func @transform_1(%arg0: i32) -> (i32, i32, i32) {
    %c0_i32 = arith.constant 0 : i32
    %c0_i32_0 = arith.constant 0 : i32
    %c0_i32_1 = arith.constant 0 : i32
    return %c0_i32, %arg0, %c0_i32_0 : i32, i32, i32
  }
  func.func @transform_2(%arg0: i32) -> (i32, i32) {
    %c0_i32 = arith.constant 0 : i32
    %c0_i32_0 = arith.constant 0 : i32
    return %arg0, %c0_i32 : i32, i32
  }
  func.func @transform_3(%arg0: i32) -> (i32, i32) {
    %c0_i32 = arith.constant 0 : i32
    %c0_i32_0 = arith.constant 0 : i32
    %c0_i32_1 = arith.constant 0 : i32
    return %c0_i32, %c0_i32_0 : i32, i32
  }
  func.func @transform_4(%arg0: i32) -> (i32, i32) {
    %c0_i32 = arith.constant 0 : i32
    %c0_i32_0 = arith.constant 0 : i32
    return %arg0, %c0_i32 : i32, i32
  }
}

</mosaic_0001>

<sc_bundles>
// kernel: kernel.10.cloned.1.call-start
scs
__scs_entry_jumppad:
0x0: {  	(pc) =	sbr.rel $0x88, $3  }
0x1: {  	(tag) =	ssettag $0x0;
	lr =	simm.s32 $0x1  }
0x2: {  	[smem:$0x3F99] =	sst lr;
	_ =	strace $0xD0000000  }
0x3: {  	_ = 	snop  }
0x4: {  	_ = 	snop  }
0x5: {  	_ = 	snop  }
0x6: {  	_ = 	snop  }
0x7: {  	_ = 	snop  }
__scs_overlays_trampoline_lowered:
0x8: {  	[smem:$0x3FA8] =	sst s0  }
0x9: {  	[smem:$0x3FA9] =	sst s1  }
0xa: {  	[smem:$0x3FAA] =	sst s2  }
0xb: {  	[smem:$0x3FAB] =	sst s3  }
0xc: {  	[smem:$0x3FAC] =	sst s4  }
0xd: {  	[smem:$0x3FAD] =	sst s5  }
0xe: {  	[smem:$0x3FAE] =	sst s6  }
0xf: {  	[smem:$0x3FAF] =	sst s7  }
0x10: {  	[smem:$0x3FB0] =	sst s8  }
0x11: {  	[smem:$0x3FB1] =	sst s9;
	s0 =	simm.s32 @!p0 $0x0  }
0x12: {  	s1 =	sld [smem:$0x3F97];
	s0 =	simm.s32 @p0 $0x1  }
0x13: {  	[smem:$0x3FB2] =	sst s0;
	s0 =	simm.s32 @!p1 $0x0  }
0x14: {  	s2 =	sld [smem:$0x3F96];
	s0 =	simm.s32 @p1 $0x1  }
0x15: {  	[smem:$0x3FB3] =	sst s0;
	s0 =	simm.s32 @!p2 $0x0  }
0x16: {  	s3 =	sld [smem:$0x3FDB];
	s0 =	simm.s32 @p2 $0x1  }
0x17: {  	s4 =	simm.s32 $0x1BF5;
	[smem:$0x3FB5] =	sst s0  }
0x18: {  	s0 =	sld [smem:$0x3F98];
	_ =	swait.ge [sflag:s4], $0x0  }
0x19: {  	s7 =	sld [smem:$0x3F99]  }
0x1a: {  	s8 =	sadd.s32 $0xFFFFE003, lr  }
0x1b: {  	s9 =	sadd.s32 $0xFFFFFEF7, lr;
	s5 =	simm.s32 $0xFFFFFFFF;
	p2 =	slt.u32 s8, $0xFFFFF086  }
0x1c: {  	p1 =	slt.u32 s9, $0xF7A;
	s5 =	simm.s32 @!p2 $0x0  }
0x1d: {  	s5 =	simm.s32 @p1 $0x1;
	p0 =	seq.s32 s7, s2  }
0x1e: {  	s7 =	smul.u32 @!p0 $0xF7A, s2;
	p2 =	seq.s32 @!p0 s5, $0x0  }
0x1f: {  	s9 =	smul.u32 $0xF7A, s1;
	s8 =	simm.s32 @!p0 $0x1BF5;
	p2 =	por !p2, p0  }
0x20: {  	[sflag:s8] =	ssyncset.s32 @!p0 $0xFFFFF086;
	s6 =	sadd.s32 @!p0 s3, s7;
	s7 =	simm.s32 @!p0 $0x108  }
0x21: {  	s3 =	sadd.s32 s3, s9;
	s6 =	sadd.s32 @!p0 $0x88, s6;
	s7 =	simm.s32 @p2 $0x1082  }
0x22: {  	[simem:s7], [sflag:s8] =	dma.local @!p0 [hbm:s6], $0xF7A  }
0x23: {  	s9 =	sor.u32 $0xD0000000, s2;
	s6 =	simm.s32 $0x108;
	_ =	swait.ge @!p0 [sflag:s8], $0x0  }
0x24: {  	s3 =	sadd.s32 $0x88, s3;
	s6 =	simm.s32 @!p1 $0x1082;
	[sflag:s4] =	ssyncset.s32 $0xFFFFF086  }
0x25: {  	[simem:s6], [sflag:s4] =	dma.local [hbm:s3], $0xF7A  }
0x26: {  	[smem:$0x3F99] =	sst s1;
	(tag) =	ssettag s2;
	_ =	strace s9  }
0x27: {  	s1 =	sld [smem:$0x3FA9]  }
0x28: {  	s2 =	sld [smem:$0x3FAA]  }
0x29: {  	s4 =	sld [smem:$0x3FAC]  }
0x2a: {  	p0 =	seq.s32 s5, $0x0;
	s5 =	sld [smem:$0x3FAD]  }
0x2b: {  	s6 =	sld [smem:$0x3FAE]  }
0x2c: {  	s7 =	sld [smem:$0x3FAF]  }
0x2d: {  	s3 =	simm.s32 $0x108;
	s8 =	sld [smem:$0x3FB0]  }
0x2e: {  	s3 =	simm.s32 @!p0 $0x1082;
	s9 =	sld [smem:$0x3FB1]  }
0x2f: {  	lr =	sadd.s32 s0, s3;
	s0 =	sld [smem:$0x3FA8]  }
0x30: {  	s3 =	sld [smem:$0x3FAB]  }
0x31: {  	[smem:$0x3FB4] =	sst s10  }
0x32: {  	s10 =	sld [smem:$0x3FB2];
	_ =	sdelay $0x3  }
0x33: {  	p0 =	seq.s32 s10, $0x1;
	s10 =	sld [smem:$0x3FB4];
	_ =	sdelay $0x3  }
0x34: {  	[smem:$0x3FB4] =	sst s10  }
0x35: {  	s10 =	sld [smem:$0x3FB3];
	_ =	sdelay $0x3  }
0x36: {  	p1 =	seq.s32 s10, $0x1;
	s10 =	sld [smem:$0x3FB4];
	_ =	sdelay $0x3  }
0x37: {  	[smem:$0x3FB4] =	sst s10  }
0x38: {  	s10 =	sld [smem:$0x3FB5]  }
0x39: {  	_ = 	snop;
	(pc) =	sbr.ind lr, $3  }
0x3a: {  	_ = 	snop  }
0x3b: {  	_ = 	snop  }
0x3c: {  	p2 =	seq.s32 s10, $0x1;
	s10 =	sld [smem:$0x3FB4]  }
0x3d: {  	_ =	shalt  }
0x3e: {  	_ =	shalt  }
0x3f: {  	_ =	shalt  }
0x40: {  	_ =	shalt  }
0x41: {  	_ =	shalt  }
0x42: {  	_ =	shalt  }
0x43: {  	_ =	shalt  }
0x44: {  	_ =	shalt  }
0x45: {  	_ =	shalt  }
0x46: {  	_ =	shalt  }
0x47: {  	_ =	shalt  }
0x48: {  	_ =	shalt  }
0x49: {  	_ =	shalt  }
0x4a: {  	_ =	shalt  }
0x4b: {  	_ =	shalt  }
0x4c: {  	_ =	shalt  }
0x4d: {  	_ =	shalt  }
0x4e: {  	_ =	shalt  }
0x4f: {  	_ =	shalt  }
0x50: {  	_ =	shalt  }
0x51: {  	_ =	shalt  }
0x52: {  	_ =	shalt  }
0x53: {  	_ =	shalt  }
0x54: {  	_ =	shalt  }
0x55: {  	_ =	shalt  }
0x56: {  	_ =	shalt  }
0x57: {  	_ =	shalt  }
0x58: {  	_ =	shalt  }
0x59: {  	_ =	shalt  }
0x5a: {  	_ =	shalt  }
0x5b: {  	_ =	shalt  }
0x5c: {  	_ =	shalt  }
0x5d: {  	_ =	shalt  }
0x5e: {  	_ =	shalt  }
0x5f: {  	_ =	shalt  }
0x60: {  	_ =	shalt  }
0x61: {  	_ =	shalt  }
0x62: {  	_ =	shalt  }
0x63: {  	_ =	shalt  }
0x64: {  	_ =	shalt  }
0x65: {  	_ =	shalt  }
0x66: {  	_ =	shalt  }
0x67: {  	_ =	shalt  }
0x68: {  	_ =	shalt  }
0x69: {  	_ =	shalt  }
0x6a: {  	_ =	shalt  }
0x6b: {  	_ =	shalt  }
0x6c: {  	_ =	shalt  }
0x6d: {  	_ =	shalt  }
0x6e: {  	_ =	shalt  }
0x6f: {  	_ =	shalt  }
0x70: {  	_ =	shalt  }
0x71: {  	_ =	shalt  }
0x72: {  	_ =	shalt  }
0x73: {  	_ =	shalt  }
0x74: {  	_ =	shalt  }
0x75: {  	_ =	shalt  }
0x76: {  	_ =	shalt  }
0x77: {  	_ =	shalt  }
0x78: {  	_ =	shalt  }
0x79: {  	_ =	shalt  }
0x7a: {  	_ =	shalt  }
0x7b: {  	_ =	shalt  }
0x7c: {  	_ =	shalt  }
0x7d: {  	_ =	shalt  }
0x7e: {  	_ =	shalt  }
0x7f: {  	_ =	shalt  }
0x80: {  	_ =	shalt  }
0x81: {  	_ =	shalt  }
0x82: {  	_ =	shalt  }
0x83: {  	_ =	shalt  }
0x84: {  	_ =	shalt  }
0x85: {  	_ =	shalt  }
0x86: {  	_ =	shalt  }
0x87: {  	_ =	shalt  }
.Lfunc_end0:
.L_simem_size_0:
called_computation.1_lowered:
.L_overlay_start_0:
0x88: {  	s2 =	sld [smem:$0x3FD9]  }
0x89: {  	s3 =	sld [smem:$0x3FFE];
	_ =	sdelay $0x1  }
0x8a: {  	s1 =	srdreg.scid  }
0x8b: {  	s0 =	sand.u32 $0x1, s1  }
0x8c: {  	s17 =	sshll.u32 s0, $0xA;
	s2 =	sadd.s32 s3, s2  }
0x8d: {  	s2 =	sadd.s32 s2, s17  }
0x8e: {  	[smem:$0x3FC0] =	sst s2  }
0x8f: {  	_ = 	snop  }
0x90: {  	s2 =	sld [smem:$0x3FD0];
	(tm) =	ssettm $0x1  }
0x91: {  	s18 =	sld [smem:$0x3FFB];
	_ =	sdelay $0x3  }
0x92: {  	_ =	strace s18  }
0x93: {  	s3 =	sld [smem:$0x3FFC];
	_ =	sdelay $0x3  }
0x94: {  	_ =	strace s3  }
0x95: {  	s3 =	sld [smem:$0x3FFD];
	_ =	sdelay $0x3  }
0x96: {  	_ =	strace s3  }
0x97: {  	_ =	strace $0x8FFFFFFF  }
0x98: {  	s19 =	sld [smem:$0x3FDB];
	_ =	sdelay $0x1  }
0x99: {  	s4 =	simm.s32 $_scs_section_size  }
0x9a: {  	s5 =	simm.s32 $_size__tile_overlayer_lowered;
	s6 =	simm.s32 $_tile_overlayer_lowered  }
0x9b: {  	s22 =	simm.s32 $0x1BFF;
	s21 =	sshll.u32 s6, $0x1;
	s3 =	sadd.s32 s4, s19  }
0x9c: {  	s7 =	simm.s32 $0x0;
	s20 =	sshll.u32 s5, $0x1;
	s5 =	sadd.s32 s21, s3  }
0x9d: {  	[timem:s7], [sflag:s22] =	dma.local [hbm:s5], s20  }
0x9e: {  	_ =	swait.ge [sflag:s22], s20  }
0x9f: {  	s4 =	ssub.s32 $0x0, s20;
	[sflag:s22] =	ssyncset.done $0x0  }
0xa0: {  	[sflag:s22] =	ssyncadd.s32 s4;
	_ =	sdelay $0x1  }
0xa1: {  	s23 =	simm.s32 $0x1B8B  }
0xa2: {  	_ =	swait.ge [sflag:s23], $0x1  }
0xa3: {  	[sflag:s23] =	ssyncset.done $0x0  }
0xa4: {  	s25 =	simm.s32 $0x1B8E;
	s24 =	sld [smem:$0x3FFE];
	[sflag:s23] =	ssyncadd.s32 $0xFFFFFFFF  }
0xa5: {  	s26 =	simm.s32 $execute0_lowered;
	[smem:$0x3FD2] =	sst s25  }
0xa6: {  	s5 =	sshll.u32 s26, $0x1;
	_ =	strace $0x80000049;
	[dreg:$0x1] =	wrdreg $0xFFFFFFFF  }
0xa7: {  	s28 =	simm.s32 $_size_execute0_lowered;
	s3 =	sadd.s32 s3, s5;
	[dreg:$0x0] =	wrdreg $0x0  }
0xa8: {  	s5 =	sshll.u32 s28, $0x1;
	[dreg:$0x2] =	wrdreg s3  }
0xa9: {  	[dreg:$0x3] =	wrdreg s5  }
0xaa: {  	[dreg:$0x4] =	wrdreg $0xC0  }
0xab: {  	_ =	task [dreg:s7], $0x5FFFF  }
0xac: {  	[dreg:$0x1] =	wrdreg $0xFFFFFFFF  }
0xad: {  	[dreg:$0x0] =	wrdreg $0x60  }
0xae: {  	[dreg:$0x2] =	wrdreg s2  }
0xaf: {  	[dreg:$0x3] =	wrdreg s24  }
0xb0: {  	[dreg:$0x4] =	wrdreg $0x0  }
0xb1: {  	[dreg:$0x5] =	wrdreg $0x9  }
0xb2: {  	_ =	task.clear_ibuf [dreg:s7], $0x6FFFF;
	_ =	strace $0x90000049  }
0xb3: {  	s29 =	simm.s32 $0x9;
	_ =	strace $0x8000004B  }
0xb4: {  	_ =	swait.ge [sflag:s29], $0x1  }
0xb5: {  	[sflag:s29] =	ssyncadd.s32 $0xFFFFFFFF  }
0xb6: {  	_ =	strace $0x9000004B  }
0xb7: {  	_ =	sfence  }
0xb8: {  	s30 =	sld [smem:$0x0];
	_ =	sdelay $0x2  }
0xb9: {  	s31 =	sshll.u32 s1, $0xD;
	s1 =	sshrl.u32 s1, $0x2  }
0xba: {  	s3 =	sand.u32 $0x4000, s31;
	s1 =	sadd.s32 s1, s30  }
0xbb: {  	s0 =	sor.u32 s3, s0;
	s1 =	sshll.u32 s1, $0x11  }
0xbc: {  	s0 =	sor.u32 s1, s0  }
0xbd: {  	s0 =	sadd.s32 $0x8F2B, s0  }
0xbe: {  	[sflag:s0] =	ssyncadd.remote.s32 $0x1  }
0xbf: {  	_ =	sfence.sel $0xFFFF  }
0xc0: {  	[dreg:$0x0] =	wrdreg $0xFFFFFFFF;
	(pc) =	sbr.abs _section_cstart, $3  }
0xc1: {  	[dreg:$0x1] =	wrdreg $0xFFFFFFFF  }
0xc2: {  	_ =	task.clear_ibuf [dreg:s7], $0x2FFFF;
	_ =	strace $0x9FFFFFFF  }
0xc3: {  	(tm) =	ssettm $0x7FFFFFFF  }
tec
execute0_lowered:
.L_overlay_start_1:
0x0: {  	(tag) =	ssettag $0x1  }
0x1: {  	s1 =	rddreg [dreg:$0x0]  }
0x2: {  	s0 =	rddreg [dreg:$0x1]  }
0x3: {  	s2 =	rddreg [dreg:$0x2];
	s8 =	stileid.u32  }
0x4: {  	s3 =	srdreg.scid;
	s6 =	smul.u32 $0x5000, s8  }
0x5: {  	s5 =	simm.s32 $0x0;
	s31 =	simm.s32 $0x13000;
	s24 =	smul.u32 $0xA00, s8  }
0x6: {  	s3 =	sand.u32 $0x1, s3;
	[smem:$0x7FF] =	sst s5;
	s8 =	smul.u32 $0x14000, s8  }
0x7: {  	s4 =	smul.u32 $0x50000, s3;
	_ =	strace $0x8000004A;
	s7 =	ssub.s32 $0x2, s3  }
0x8: {  	s18 =	smul.u32 $0x2710, s3;
	s9 =	sadd.s32 s24, s0;
	s25 =	sshrl.u32 s7, $0x1  }
0x9: {  	s26 =	ssub.s32 s7, s25;
	s7 =	sshrl.u32 s8, $0x2;
	s8 =	sadd.s32 $0x1E00, s9  }
0xa: {  	s3 =	simm.s32 $0xA;
	s9 =	sadd.s32 $0xBE00, s9;
	[dreg:$0x4] =	wrdreg s8  }
0xb: {  	s5 =	sadd.s32 s7, s2;
	[dreg:$0x5] =	wrdreg s9;
	s11 =	smax.u32 s26, $0x1  }
0xc: {  	s10 =	sadd.s32 s6, s2;
	[dreg:$0x7] =	wrdreg s11;
	s12 =	sadd.s32 $0x400, s5  }
0xd: {  	s4 =	sadd.s32 s6, s4;
	s13 =	sadd.s32 $0x800, s5;
	[dreg:$0x8] =	wrdreg s12  }
0xe: {  	s6 =	simm.s32 $0x9;
	s14 =	sadd.s32 $0xC00, s5;
	[dreg:$0x9] =	wrdreg s13  }
0xf: {  	v0 =	vmov s18;
	s18 =	simm.s32 $0x7;
	s15 =	sadd.s32 $0x1000, s5;
	[dreg:$0xa] =	wrdreg s14  }
0x10: {  	s4 =	sshrl.u32 s4, $0x3;
	s16 =	sadd.s32 $0x1400, s5;
	[dreg:$0xb] =	wrdreg s15  }
0x11: {  	s7 =	simm.s32 $0x80;
	s17 =	sadd.s32 $0x1800, s5;
	[dreg:$0xc] =	wrdreg s16  }
0x12: {  	s8 =	simm.s32 $0xF000;
	s19 =	sadd.s32 $0x1C00, s5;
	[dreg:$0xd] =	wrdreg s17  }
0x13: {  	s9 =	simm.s32 $0x10000;
	s20 =	sadd.s32 $0x2000, s5;
	[dreg:$0xe] =	wrdreg s19  }
0x14: {  	s0 =	sadd.s32 s4, s0;
	s21 =	sadd.s32 $0x2400, s5;
	[dreg:$0xf] =	wrdreg s20  }
0x15: {  	s22 =	sadd.s32 $0x2800, s5;
	s23 =	sadd.s32 $0x2C00, s5;
	[dreg:$0x10] =	wrdreg s21  }
0x16: {  	s24 =	sadd.s32 $0x3000, s5;
	s25 =	sadd.s32 $0x3400, s5;
	[dreg:$0x11] =	wrdreg s22  }
0x17: {  	s26 =	sadd.s32 $0x3800, s5;
	s28 =	sadd.s32 $0x4400, s5;
	[dreg:$0x12] =	wrdreg s23  }
0x18: {  	s29 =	sadd.s32 $0x4800, s5;
	s30 =	sadd.s32 $0x4C00, s5;
	[dreg:$0x13] =	wrdreg s24  }
0x19: {  	s4 =	simm.s32 $0xA000;
	s11 =	simm.s32 $0x11000;
	[dreg:$0x14] =	wrdreg s25  }
0x1a: {  	s0 =	sadd.s32 $0x15E00, s0;
	[dreg:$0x15] =	wrdreg s26;
	s25 =	sadd.s32 $0x3C00, s5  }
.Ltmp0:
0x1b: {  	s26 =	sadd.s32 $0x4000, s5;
	s12 =	simm.s32 $0x2;
	(pc) =	sbr.rel .LBB2_1-.Ltmp0, $4  }
0x1c: {  	s13 =	simm.s32 $0x12000;
	s14 =	simm.s32 $0x3;
	s15 =	simm.s32 $0x5  }
0x1d: {  	s16 =	simm.s32 $0x4;
	s17 =	simm.s32 $0x6;
	s19 =	simm.s32 $0x8  }
0x1e: {  	s20 =	simm.s32 $0x0;
	[dreg:$0x6] =	wrdreg s0;
	s0 =	sshrl.u32 s10, $0x3  }
0x1f: {  	v1 =	vimm.f32 $0.0e+00;
	s10 =	simm.s32 $0x1;
	[dreg:$0x16] =	wrdreg s0;
	s0 =	simm.s32 $0x5000  }
.LBB2_6:
0x20: {  	_ =	swait.ge [sflag:s16], $0x1000  }
0x21: {  	[sflag:s16] =	ssyncset.done $0x0  }
0x22: {  	[sflag:s16] =	ssyncadd.s32 $0xFFFFF000  }
0x23: {  	[spmem:s2] =	stream.indirect.scatter.add.f32 [tilespmem:s13], [sflag:$0x8], $0x20, s23, s7, $0xb8;
	[tilespmem:$0x13400] =	vst v63  }
0x24: {  	_ =	swait.ge [sflag:s17], $0x1000  }
0x25: {  	[sflag:s17] =	ssyncset.done $0x0  }
0x26: {  	[sflag:s17] =	ssyncadd.s32 $0xFFFFF000  }
0x27: {  	_ =	swait.ge [sflag:s18], $0x1000  }
0x28: {  	[sflag:s18] =	ssyncset.done $0x0  }
0x29: {  	[sflag:s18] =	ssyncadd.s32 $0xFFFFF000  }
0x2a: {  	_ =	swait.ge [sflag:s19], $0x1000  }
0x2b: {  	[sflag:s19] =	ssyncset.done $0x0  }
0x2c: {  	[sflag:s19] =	ssyncadd.s32 $0xFFFFF000  }
0x2d: {  	s21 =	stileid.u32;
	[bflag:$0x0] =	sbarrier.arrive $0xFFFF  }
0x2e: {  	s21 =	sshll.u32 s21, $0x6;
	s22 =	rddreg [dreg:$0x6]  }
0x2f: {  	s21 =	sor.u32 $0x1C09, s21;
	s24 =	rddreg [dreg:$0x16]  }
0x30: {  	[hbm:s22], [sflag:s21] =	dma.local [spmem:s24], $0xA00  }
0x31: {  	_ =	swait.ge [sflag:s6], $0xA00  }
0x32: {  	s20 =	sadd.s32 $0x1, s20;
	s24 =	rddreg [dreg:$0x7]  }
0x33: {  	p0 =	sne.s32 s20, s24  }
.Ltmp1:
0x34: {  	_ = 	snop;
	(pc) =	sbr.rel @!p0 .LBB2_7-.Ltmp1, $3  }
0x35: {  	_ =	sdelay $0x1  }
0x36: {  	[sflag:s6] =	ssyncset.done $0x0  }
0x37: {  	[sflag:s6] =	ssyncadd.s32 $0xFFFFF600  }
.LBB2_1:
0x38: {  	[tilespmem:$0x13000] =	vst v1  }
0x39: {  	[tilespmem:$0x13010] =	vst v1  }
0x3a: {  	[tilespmem:$0x13020] =	vst v1  }
0x3b: {  	[tilespmem:$0x13030] =	vst v1  }
0x3c: {  	[tilespmem:$0x13040] =	vst v1  }
0x3d: {  	[tilespmem:$0x13050] =	vst v1  }
0x3e: {  	[tilespmem:$0x13060] =	vst v1  }
0x3f: {  	[tilespmem:$0x13070] =	vst v1  }
0x40: {  	[tilespmem:$0x13080] =	vst v1  }
0x41: {  	[tilespmem:$0x13090] =	vst v1  }
0x42: {  	[tilespmem:$0x130A0] =	vst v1  }
0x43: {  	[tilespmem:$0x130B0] =	vst v1  }
0x44: {  	[tilespmem:$0x130C0] =	vst v1  }
0x45: {  	[tilespmem:$0x130D0] =	vst v1  }
0x46: {  	[tilespmem:$0x130E0] =	vst v1  }
0x47: {  	[tilespmem:$0x130F0] =	vst v1  }
0x48: {  	[tilespmem:$0x13100] =	vst v1  }
0x49: {  	[tilespmem:$0x13110] =	vst v1  }
0x4a: {  	[tilespmem:$0x13120] =	vst v1  }
0x4b: {  	[tilespmem:$0x13130] =	vst v1  }
0x4c: {  	[tilespmem:$0x13140] =	vst v1  }
0x4d: {  	[tilespmem:$0x13150] =	vst v1  }
0x4e: {  	[tilespmem:$0x13160] =	vst v1  }
0x4f: {  	[tilespmem:$0x13170] =	vst v1  }
0x50: {  	[tilespmem:$0x13180] =	vst v1  }
0x51: {  	[tilespmem:$0x13190] =	vst v1  }
0x52: {  	[tilespmem:$0x131A0] =	vst v1  }
0x53: {  	[tilespmem:$0x131B0] =	vst v1  }
0x54: {  	[tilespmem:$0x131C0] =	vst v1  }
0x55: {  	[tilespmem:$0x131D0] =	vst v1  }
0x56: {  	[tilespmem:$0x131E0] =	vst v1  }
0x57: {  	[tilespmem:$0x131F0] =	vst v1  }
0x58: {  	[tilespmem:$0x13200] =	vst v1  }
0x59: {  	[tilespmem:$0x13210] =	vst v1  }
0x5a: {  	[tilespmem:$0x13220] =	vst v1  }
0x5b: {  	[tilespmem:$0x13230] =	vst v1  }
0x5c: {  	[tilespmem:$0x13240] =	vst v1  }
0x5d: {  	[tilespmem:$0x13250] =	vst v1  }
0x5e: {  	[tilespmem:$0x13260] =	vst v1  }
0x5f: {  	[tilespmem:$0x13270] =	vst v1  }
0x60: {  	[tilespmem:$0x13280] =	vst v1  }
0x61: {  	[tilespmem:$0x13290] =	vst v1  }
0x62: {  	[tilespmem:$0x132A0] =	vst v1  }
0x63: {  	[tilespmem:$0x132B0] =	vst v1  }
0x64: {  	[tilespmem:$0x132C0] =	vst v1  }
0x65: {  	[tilespmem:$0x132D0] =	vst v1  }
0x66: {  	[tilespmem:$0x132E0] =	vst v1  }
0x67: {  	[tilespmem:$0x132F0] =	vst v1  }
0x68: {  	[tilespmem:$0x13300] =	vst v1  }
0x69: {  	[tilespmem:$0x13310] =	vst v1  }
0x6a: {  	[tilespmem:$0x13320] =	vst v1  }
0x6b: {  	[tilespmem:$0x13330] =	vst v1  }
0x6c: {  	[tilespmem:$0x13340] =	vst v1  }
0x6d: {  	[tilespmem:$0x13350] =	vst v1  }
0x6e: {  	[tilespmem:$0x13360] =	vst v1  }
0x6f: {  	[tilespmem:$0x13370] =	vst v1  }
0x70: {  	[tilespmem:$0x13380] =	vst v1  }
0x71: {  	[tilespmem:$0x13390] =	vst v1  }
0x72: {  	[tilespmem:$0x133A0] =	vst v1  }
0x73: {  	[tilespmem:$0x133B0] =	vst v1  }
0x74: {  	[tilespmem:$0x133C0] =	vst v1  }
0x75: {  	[tilespmem:$0x133D0] =	vst v1  }
0x76: {  	[tilespmem:$0x133E0] =	vst v1  }
0x77: {  	[tilespmem:$0x133F0] =	vst v1  }
0x78: {  	[spmem:s5] =	stream.linear.scatter [tilespmem:s31], [sflag:$0x9], $0x400, $0x38;
	[tilespmem:$0x13400] =	vst v63  }
0x79: {  	s21 =	rddreg [dreg:$0x8]  }
0x7a: {  	[spmem:s21] =	stream.linear.scatter [tilespmem:s31], [sflag:$0x9], $0x400, $0x38;
	[tilespmem:$0x13400] =	vst v63  }
0x7b: {  	s22 =	rddreg [dreg:$0x9]  }
0x7c: {  	[spmem:s22] =	stream.linear.scatter [tilespmem:s31], [sflag:$0x9], $0x400, $0x38;
	[tilespmem:$0x13400] =	vst v63  }
0x7d: {  	s23 =	rddreg [dreg:$0xa]  }
0x7e: {  	[spmem:s23] =	stream.linear.scatter [tilespmem:s31], [sflag:$0x9], $0x400, $0x38;
	[tilespmem:$0x13400] =	vst v63  }
0x7f: {  	s24 =	rddreg [dreg:$0xb]  }
0x80: {  	[spmem:s24] =	stream.linear.scatter [tilespmem:s31], [sflag:$0x9], $0x400, $0x38;
	[tilespmem:$0x13400] =	vst v63  }
0x81: {  	s22 =	rddreg [dreg:$0xc]  }
0x82: {  	[spmem:s22] =	stream.linear.scatter [tilespmem:s31], [sflag:$0x9], $0x400, $0x38;
	[tilespmem:$0x13400] =	vst v63  }
0x83: {  	s23 =	rddreg [dreg:$0xd]  }
0x84: {  	[spmem:s23] =	stream.linear.scatter [tilespmem:s31], [sflag:$0x9], $0x400, $0x38;
	[tilespmem:$0x13400] =	vst v63  }
0x85: {  	s24 =	rddreg [dreg:$0xe]  }
0x86: {  	[spmem:s24] =	stream.linear.scatter [tilespmem:s31], [sflag:$0x9], $0x400, $0x38;
	[tilespmem:$0x13400] =	vst v63  }
0x87: {  	s22 =	rddreg [dreg:$0xf]  }
0x88: {  	[spmem:s22] =	stream.linear.scatter [tilespmem:s31], [sflag:$0x9], $0x400, $0x38;
	[tilespmem:$0x13400] =	vst v63  }
0x89: {  	s23 =	rddreg [dreg:$0x10]  }
0x8a: {  	[spmem:s23] =	stream.linear.scatter [tilespmem:s31], [sflag:$0x9], $0x400, $0x38;
	[tilespmem:$0x13400] =	vst v63  }
0x8b: {  	s24 =	rddreg [dreg:$0x11]  }
0x8c: {  	[spmem:s24] =	stream.linear.scatter [tilespmem:s31], [sflag:$0x9], $0x400, $0x38;
	[tilespmem:$0x13400] =	vst v63  }
0x8d: {  	s22 =	rddreg [dreg:$0x12]  }
0x8e: {  	[spmem:s22] =	stream.linear.scatter [tilespmem:s31], [sflag:$0x9], $0x400, $0x38;
	[tilespmem:$0x13400] =	vst v63  }
0x8f: {  	s23 =	rddreg [dreg:$0x13]  }
0x90: {  	[spmem:s23] =	stream.linear.scatter [tilespmem:s31], [sflag:$0x9], $0x400, $0x38;
	[tilespmem:$0x13400] =	vst v63  }
0x91: {  	s24 =	rddreg [dreg:$0x14]  }
0x92: {  	[spmem:s24] =	stream.linear.scatter [tilespmem:s31], [sflag:$0x9], $0x400, $0x38;
	[tilespmem:$0x13400] =	vst v63  }
0x93: {  	s22 =	rddreg [dreg:$0x15]  }
0x94: {  	[spmem:s22] =	stream.linear.scatter [tilespmem:s31], [sflag:$0x9], $0x400, $0x38;
	[tilespmem:$0x13400] =	vst v63  }
0x95: {  	_ = 	snop  }
0x96: {  	[spmem:s25] =	stream.linear.scatter [tilespmem:s31], [sflag:$0x9], $0x400, $0x38;
	[tilespmem:$0x13400] =	vst v63  }
0x97: {  	_ = 	snop  }
0x98: {  	[spmem:s26] =	stream.linear.scatter [tilespmem:s31], [sflag:$0x9], $0x400, $0x38;
	[tilespmem:$0x13400] =	vst v63  }
0x99: {  	_ = 	snop  }
0x9a: {  	[spmem:s28] =	stream.linear.scatter [tilespmem:s31], [sflag:$0x9], $0x400, $0x38;
	[tilespmem:$0x13400] =	vst v63  }
0x9b: {  	_ = 	snop  }
0x9c: {  	[spmem:s29] =	stream.linear.scatter [tilespmem:s31], [sflag:$0x9], $0x400, $0x38;
	[tilespmem:$0x13400] =	vst v63  }
0x9d: {  	_ = 	snop  }
0x9e: {  	[spmem:s30] =	stream.linear.scatter [tilespmem:s31], [sflag:$0x9], $0x400, $0x38;
	[tilespmem:$0x13400] =	vst v63  }
0x9f: {  	s23 =	simm.s32 $0x0;
	s22 =	rddreg [dreg:$0x4]  }
0xa0: {  	[tilespmem:s0], [sflag:$0xA] =	stream.linear.gather [hbm4b:s22+s23], $0x5000, $0x38;
	[tilespmem:$0x13400] =	vst v63  }
0xa1: {  	_ =	swait.ge [sflag:s3], $0x5000  }
0xa2: {  	[sflag:s3] =	ssyncset.done $0x0  }
0xa3: {  	s24 =	rddreg [dreg:$0x5];
	[sflag:s3] =	ssyncadd.s32 $0xFFFFB000  }
0xa4: {  	[tilespmem:s4], [sflag:$0xA] =	stream.linear.gather [hbm4b:s24+s23], $0x5000, $0x38;
	[tilespmem:$0x13400] =	vst v63  }
0xa5: {  	_ =	swait.ge [sflag:s3], $0x5000  }
0xa6: {  	[sflag:s3] =	ssyncset.done $0x0  }
0xa7: {  	[sflag:s3] =	ssyncadd.s32 $0xFFFFB000  }
0xa8: {  	_ =	swait.ge [sflag:s6], $0x400  }
0xa9: {  	[sflag:s6] =	ssyncset.done $0x0  }
0xaa: {  	[sflag:s6] =	ssyncadd.s32 $0xFFFFFC00  }
0xab: {  	_ =	swait.ge [sflag:s6], $0x400  }
0xac: {  	[sflag:s6] =	ssyncset.done $0x0  }
0xad: {  	[sflag:s6] =	ssyncadd.s32 $0xFFFFFC00  }
0xae: {  	_ =	swait.ge [sflag:s6], $0x400  }
0xaf: {  	[sflag:s6] =	ssyncset.done $0x0  }
0xb0: {  	[sflag:s6] =	ssyncadd.s32 $0xFFFFFC00  }
0xb1: {  	_ =	swait.ge [sflag:s6], $0x400  }
0xb2: {  	[sflag:s6] =	ssyncset.done $0x0  }
0xb3: {  	[sflag:s6] =	ssyncadd.s32 $0xFFFFFC00  }
0xb4: {  	_ =	swait.ge [sflag:s6], $0x400  }
0xb5: {  	[sflag:s6] =	ssyncset.done $0x0  }
0xb6: {  	[sflag:s6] =	ssyncadd.s32 $0xFFFFFC00  }
0xb7: {  	_ =	swait.ge [sflag:s6], $0x400  }
0xb8: {  	[sflag:s6] =	ssyncset.done $0x0  }
0xb9: {  	[sflag:s6] =	ssyncadd.s32 $0xFFFFFC00  }
0xba: {  	_ =	swait.ge [sflag:s6], $0x400  }
0xbb: {  	[sflag:s6] =	ssyncset.done $0x0  }
0xbc: {  	[sflag:s6] =	ssyncadd.s32 $0xFFFFFC00  }
0xbd: {  	_ =	swait.ge [sflag:s6], $0x400  }
0xbe: {  	[sflag:s6] =	ssyncset.done $0x0  }
0xbf: {  	[sflag:s6] =	ssyncadd.s32 $0xFFFFFC00  }
0xc0: {  	_ =	swait.ge [sflag:s6], $0x400  }
0xc1: {  	[sflag:s6] =	ssyncset.done $0x0  }
0xc2: {  	[sflag:s6] =	ssyncadd.s32 $0xFFFFFC00  }
0xc3: {  	_ =	swait.ge [sflag:s6], $0x400  }
0xc4: {  	[sflag:s6] =	ssyncset.done $0x0  }
0xc5: {  	[sflag:s6] =	ssyncadd.s32 $0xFFFFFC00  }
0xc6: {  	_ =	swait.ge [sflag:s6], $0x400  }
0xc7: {  	[sflag:s6] =	ssyncset.done $0x0  }
0xc8: {  	[sflag:s6] =	ssyncadd.s32 $0xFFFFFC00  }
0xc9: {  	_ =	swait.ge [sflag:s6], $0x400  }
0xca: {  	[sflag:s6] =	ssyncset.done $0x0  }
0xcb: {  	[sflag:s6] =	ssyncadd.s32 $0xFFFFFC00  }
0xcc: {  	_ =	swait.ge [sflag:s6], $0x400  }
0xcd: {  	[sflag:s6] =	ssyncset.done $0x0  }
0xce: {  	[sflag:s6] =	ssyncadd.s32 $0xFFFFFC00  }
0xcf: {  	_ =	swait.ge [sflag:s6], $0x400  }
0xd0: {  	[sflag:s6] =	ssyncset.done $0x0  }
0xd1: {  	[sflag:s6] =	ssyncadd.s32 $0xFFFFFC00  }
0xd2: {  	_ =	swait.ge [sflag:s6], $0x400  }
0xd3: {  	[sflag:s6] =	ssyncset.done $0x0  }
0xd4: {  	[sflag:s6] =	ssyncadd.s32 $0xFFFFFC00  }
0xd5: {  	_ =	swait.ge [sflag:s6], $0x400  }
0xd6: {  	[sflag:s6] =	ssyncset.done $0x0  }
0xd7: {  	[sflag:s6] =	ssyncadd.s32 $0xFFFFFC00  }
0xd8: {  	_ =	swait.ge [sflag:s6], $0x400  }
0xd9: {  	[sflag:s6] =	ssyncset.done $0x0  }
0xda: {  	[sflag:s6] =	ssyncadd.s32 $0xFFFFFC00  }
0xdb: {  	_ =	swait.ge [sflag:s6], $0x400  }
0xdc: {  	[sflag:s6] =	ssyncset.done $0x0  }
0xdd: {  	[sflag:s6] =	ssyncadd.s32 $0xFFFFFC00  }
0xde: {  	_ =	swait.ge [sflag:s6], $0x400  }
0xdf: {  	[sflag:s6] =	ssyncset.done $0x0  }
0xe0: {  	[sflag:s6] =	ssyncadd.s32 $0xFFFFFC00  }
0xe1: {  	_ =	swait.ge [sflag:s6], $0x400  }
0xe2: {  	[sflag:s6] =	ssyncset.done $0x0  }
0xe3: {  	s21 =	simm.s32 $0x0;
	[sflag:s6] =	ssyncadd.s32 $0xFFFFFC00  }
0xe4: {  	v4 =	vld [tilespmem:s21+$0x5000]  }
0xe5: {  	v6 =	vld [tilespmem:s21+$0x5010]  }
0xe6: {  	v5 =	vld [tilespmem:s21+$0x5020]  }
0xe7: {  	v3 =	vld [tilespmem:s21+$0x5030]  }
0xe8: {  	v2 =	vld [tilespmem:s21+$0x5040]  }
0xe9: {  	v7 =	vadd.s32 v0, v4;
	v4 =	vld [tilespmem:s21+$0x5050]  }
0xea: {  	s22 =	simm.s32 $0x200;
	[tilespmem:s21+$0x5000] =	vst v7;
	v7 =	vadd.s32 v0, v6;
	v6 =	vld [tilespmem:s21+$0x5060]  }
.LBB2_2:
0xeb: {  	s23 =	sshra.s32 s22, $0x2;
	p0 =	sne.s32 s22, $0x13E00;
	[tilespmem:s21+$0x5010] =	vst v7;
	v5 =	vadd.s32 v0, v5;
	v7 =	vld [tilespmem:s21+$0x5070]  }
0xec: {  	v8 =	vld [tilespmem:s23+$0x5000];
	[tilespmem:s21+$0x5020] =	vst v5;
	v3 =	vadd.s32 v0, v3  }
0xed: {  	v9 =	vld [tilespmem:s23+$0x5010];
	[tilespmem:s21+$0x5030] =	vst v3;
	v2 =	vadd.s32 v0, v2  }
.Ltmp2:
0xee: {  	v5 =	vld [tilespmem:s23+$0x5020];
	[tilespmem:s21+$0x5040] =	vst v2;
	v2 =	vadd.s32 v0, v4;
	(pc) =	sbr.rel @p0 .LBB2_2-.Ltmp2, $4  }
0xef: {  	v3 =	vld [tilespmem:s23+$0x5030];
	[tilespmem:s21+$0x5050] =	vst v2;
	v4 =	vadd.s32 v0, v6  }
0xf0: {  	v2 =	vld [tilespmem:s23+$0x5040];
	[tilespmem:s21+$0x5060] =	vst v4;
	v6 =	vadd.s32 v0, v7  }
0xf1: {  	v7 =	vadd.s32 v0, v8;
	v4 =	vld [tilespmem:s23+$0x5050];
	[tilespmem:s21+$0x5070] =	vst v6;
	s21 =	smov.u32 s23  }
0xf2: {  	s22 =	sadd.s32 $0x200, s22;
	[tilespmem:s21+$0x5000] =	vst v7;
	v7 =	vadd.s32 v0, v9;
	v6 =	vld [tilespmem:s21+$0x5060]  }
0xf3: {  	[tilespmem:s21+$0x5010] =	vst v7;
	v5 =	vadd.s32 v0, v5;
	v63 =	vld [tilespmem:s21+$0x5070]  }
0xf4: {  	[tilespmem:s21+$0x5020] =	vst v5;
	v3 =	vadd.s32 v0, v3  }
0xf5: {  	[tilespmem:s21+$0x5030] =	vst v3;
	v2 =	vadd.s32 v0, v2  }
0xf6: {  	[tilespmem:s21+$0x5040] =	vst v2;
	v2 =	vadd.s32 v0, v4  }
0xf7: {  	[tilespmem:s21+$0x5050] =	vst v2;
	v2 =	vadd.s32 v0, v6  }
0xf8: {  	[tilespmem:s21+$0x5060] =	vst v2;
	v2 =	vadd.s32 v0, v63  }
0xf9: {  	[tilespmem:s21+$0x5070] =	vst v2  }
0xfa: {  	[bflag:$0x0] =	sbarrier.arrive $0xFFFF  }
0xfb: {  	[tilespmem:s8], [sflag:$0x1] =	stream.indirect.gather [hbm4b:s1+s7], $0x20, s0, s7, $0xb8;
	[tilespmem:$0x13400] =	vst v63  }
0xfc: {  	s23 =	simm.s32 $0x5080  }
0xfd: {  	[tilespmem:s9], [sflag:$0x2] =	stream.indirect.gather [hbm4b:s1+s7], $0x20, s23, s7, $0xb8;
	[tilespmem:$0x13400] =	vst v63  }
0xfe: {  	_ =	swait.ge [sflag:s10], $0x1000  }
0xff: {  	[sflag:s10] =	ssyncset.done $0x0  }
0x100: {  	[sflag:s10] =	ssyncadd.s32 $0xFFFFF000  }
0x101: {  	[spmem:s2] =	stream.indirect.scatter.add.f32 [tilespmem:s8], [sflag:$0x5], $0x20, s4, s7, $0xb8;
	[tilespmem:$0x13400] =	vst v63  }
0x102: {  	s24 =	simm.s32 $0x5100  }
0x103: {  	[tilespmem:s11], [sflag:$0x3] =	stream.indirect.gather [hbm4b:s1+s7], $0x20, s24, s7, $0xb8;
	[tilespmem:$0x13400] =	vst v63  }
0x104: {  	_ =	swait.ge [sflag:s12], $0x1000  }
0x105: {  	[sflag:s12] =	ssyncset.done $0x0  }
0x106: {  	s22 =	simm.s32 $0xA080;
	[sflag:s12] =	ssyncadd.s32 $0xFFFFF000  }
0x107: {  	[spmem:s2] =	stream.indirect.scatter.add.f32 [tilespmem:s9], [sflag:$0x6], $0x20, s22, s7, $0xb8;
	[tilespmem:$0x13400] =	vst v63  }
0x108: {  	s23 =	simm.s32 $0x5180  }
0x109: {  	[tilespmem:s13], [sflag:$0x4] =	stream.indirect.gather [hbm4b:s1+s7], $0x20, s23, s7, $0xb8;
	[tilespmem:$0x13400] =	vst v63  }
0x10a: {  	_ =	swait.ge [sflag:s14], $0x1000  }
0x10b: {  	[sflag:s14] =	ssyncset.done $0x0  }
0x10c: {  	s24 =	simm.s32 $0xA100;
	[sflag:s14] =	ssyncadd.s32 $0xFFFFF000  }
0x10d: {  	[spmem:s2] =	stream.indirect.scatter.add.f32 [tilespmem:s11], [sflag:$0x7], $0x20, s24, s7, $0xb8;
	[tilespmem:$0x13400] =	vst v63  }
0x10e: {  	_ =	swait.ge [sflag:s15], $0x1000  }
0x10f: {  	[sflag:s15] =	ssyncset.done $0x0  }
0x110: {  	s22 =	simm.s32 $0x5200;
	[sflag:s15] =	ssyncadd.s32 $0xFFFFF000  }
0x111: {  	[tilespmem:s8], [sflag:$0x1] =	stream.indirect.gather [hbm4b:s1+s7], $0x20, s22, s7, $0xb8;
	[tilespmem:$0x13400] =	vst v63  }
0x112: {  	_ =	swait.ge [sflag:s16], $0x1000  }
0x113: {  	[sflag:s16] =	ssyncset.done $0x0  }
0x114: {  	s23 =	simm.s32 $0xA180;
	[sflag:s16] =	ssyncadd.s32 $0xFFFFF000  }
0x115: {  	[spmem:s2] =	stream.indirect.scatter.add.f32 [tilespmem:s13], [sflag:$0x8], $0x20, s23, s7, $0xb8;
	[tilespmem:$0x13400] =	vst v63  }
0x116: {  	_ =	swait.ge [sflag:s17], $0x1000  }
0x117: {  	[sflag:s17] =	ssyncset.done $0x0  }
0x118: {  	s21 =	simm.s32 $0x0;
	s24 =	simm.s32 $0x5280;
	[sflag:s17] =	ssyncadd.s32 $0xFFFFF000  }
0x119: {  	[tilespmem:s9], [sflag:$0x2] =	stream.indirect.gather [hbm4b:s1+s7], $0x20, s24, s7, $0xb8;
	[tilespmem:$0x13400] =	vst v63  }
.LBB2_4:
0x11a: {  	_ =	swait.ge [sflag:s10], $0x1000  }
0x11b: {  	s22 =	sshra.s32 s21, $0x2;
	[sflag:s10] =	ssyncset.done $0x0  }
0x11c: {  	s23 =	sadd.s32 $0xA200, s22;
	[sflag:s10] =	ssyncadd.s32 $0xFFFFF000  }
0x11d: {  	[spmem:s2] =	stream.indirect.scatter.add.f32 [tilespmem:s8], [sflag:$0x5], $0x20, s23, s7, $0xb8;
	[tilespmem:$0x13400] =	vst v63  }
0x11e: {  	_ =	swait.ge [sflag:s18], $0x1000  }
0x11f: {  	[sflag:s18] =	ssyncset.done $0x0  }
0x120: {  	s24 =	sadd.s32 $0x5300, s22;
	[sflag:s18] =	ssyncadd.s32 $0xFFFFF000  }
0x121: {  	[tilespmem:s11], [sflag:$0x3] =	stream.indirect.gather [hbm4b:s1+s7], $0x20, s24, s7, $0xb8;
	[tilespmem:$0x13400] =	vst v63  }
0x122: {  	_ =	swait.ge [sflag:s12], $0x1000  }
0x123: {  	[sflag:s12] =	ssyncset.done $0x0  }
0x124: {  	s24 =	sadd.s32 $0xA280, s22;
	[sflag:s12] =	ssyncadd.s32 $0xFFFFF000  }
0x125: {  	[spmem:s2] =	stream.indirect.scatter.add.f32 [tilespmem:s9], [sflag:$0x6], $0x20, s24, s7, $0xb8;
	[tilespmem:$0x13400] =	vst v63  }
0x126: {  	_ =	swait.ge [sflag:s19], $0x1000  }
0x127: {  	[sflag:s19] =	ssyncset.done $0x0  }
0x128: {  	s24 =	sadd.s32 $0x5380, s22;
	[sflag:s19] =	ssyncadd.s32 $0xFFFFF000  }
0x129: {  	[tilespmem:s13], [sflag:$0x4] =	stream.indirect.gather [hbm4b:s1+s7], $0x20, s24, s7, $0xb8;
	[tilespmem:$0x13400] =	vst v63  }
0x12a: {  	_ =	swait.ge [sflag:s14], $0x1000  }
0x12b: {  	p0 =	seq.s32 s21, $0x13000;
	[sflag:s14] =	ssyncset.done $0x0  }
.Ltmp3:
0x12c: {  	s24 =	sadd.s32 $0xA300, s22;
	[sflag:s14] =	ssyncadd.s32 $0xFFFFF000;
	(pc) =	sbr.rel @p0 .LBB2_6-.Ltmp3, $4  }
0x12d: {  	[spmem:s2] =	stream.indirect.scatter.add.f32 [tilespmem:s11], [sflag:$0x7], $0x20, s24, s7, $0xb8;
	[tilespmem:$0x13400] =	vst v63  }
0x12e: {  	_ =	swait.ge [sflag:s15], $0x1000  }
0x12f: {  	[sflag:s15] =	ssyncset.done $0x0  }
0x130: {  	s23 =	sadd.s32 $0xA380, s22;
	[sflag:s15] =	ssyncadd.s32 $0xFFFFF000  }
0x131: {  	s24 =	sadd.s32 $0x5400, s22  }
0x132: {  	[tilespmem:s8], [sflag:$0x1] =	stream.indirect.gather [hbm4b:s1+s7], $0x20, s24, s7, $0xb8;
	[tilespmem:$0x13400] =	vst v63  }
0x133: {  	_ =	swait.ge [sflag:s16], $0x1000  }
0x134: {  	[sflag:s16] =	ssyncset.done $0x0  }
0x135: {  	[sflag:s16] =	ssyncadd.s32 $0xFFFFF000  }
0x136: {  	[spmem:s2] =	stream.indirect.scatter.add.f32 [tilespmem:s13], [sflag:$0x8], $0x20, s23, s7, $0xb8;
	[tilespmem:$0x13400] =	vst v63  }
.Ltmp4:
0x137: {  	_ = 	snop;
	(pc) =	sbr.rel .LBB2_4-.Ltmp4, $4  }
0x138: {  	_ =	swait.ge [sflag:s17], $0x1000  }
0x139: {  	[sflag:s17] =	ssyncset.done $0x0  }
0x13a: {  	s21 =	sadd.s32 $0x800, s21;
	s24 =	sadd.s32 $0x5480, s22;
	[sflag:s17] =	ssyncadd.s32 $0xFFFFF000  }
0x13b: {  	[tilespmem:s9], [sflag:$0x2] =	stream.indirect.gather [hbm4b:s1+s7], $0x20, s24, s7, $0xb8;
	[tilespmem:$0x13400] =	vst v63  }
.LBB2_7:
0x13c: {  	_ =	sfence.sel $0x180000  }
0x13d: {  	[bflag:$0x0] =	sbarrier.arrive $0xFFFF  }
0x13e: {  	_ =	strace $0x9000004A  }
0x13f: {  	s0 =	stileid.u32;
	[bflag:$0x2] =	sbarrier.arrive $0xFFFF  }
0x140: {  	p0 =	sne.s32 s0, $0x0;
	s0 =	rddreg [dreg:$0x3]  }
0x141: {  	s0 =	sadd.s32 @!p0 $0x100000, s0  }
0x142: {  	[sflag:s0] =	ssyncadd.tile.s32 @!p0 $0x1;
	_ =	shalt  }
.Lfunc_end2:
_tile_overlayer_lowered:
.L_overlay_start_2:
0x143: {  	(tag) =	ssettag $0x2  }
0x144: {  	s0 =	rddreg [dreg:$0x0];
	s2 =	stileid.u32  }
0x145: {  	s1 =	rddreg [dreg:$0x1];
	p0 =	sne.s32 s2, $0x0  }
0x146: {  	s3 =	rddreg [dreg:$0x2];
	[bflag:$0x3] =	sbarrier.arrive $0xFFFF;
	s2 =	simm.s32 @!p0 $0x1C0A  }
0x147: {  	[timem:s3], [sflag:s2] =	dma.local @!p0 [hbm:s0], s1  }
0x148: {  	s0 =	simm.s32 @!p0 $0xA  }
0x149: {  	_ =	swait.ge @!p0 [sflag:s0], s1  }
0x14a: {  	s1 =	ssub.s32 @!p0 $0x0, s1;
	[sflag:s0] =	ssyncset.done @!p0 $0x0  }
0x14b: {  	[sflag:s0] =	ssyncadd.s32 @!p0 s1  }
0x14c: {  	[bflag:$0x3] =	sbarrier.arrive $0xFFFF  }
0x14d: {  	_ =	shalt  }

// kernel: kernel.7.cloned.1.call-start
scs
__scs_entry_jumppad:
0x0: {  	(pc) =	sbr.rel $0x88, $3  }
0x1: {  	(tag) =	ssettag $0x0;
	lr =	simm.s32 $0x1  }
0x2: {  	[smem:$0x3F99] =	sst lr;
	_ =	strace $0xD0000000  }
0x3: {  	_ = 	snop  }
0x4: {  	_ = 	snop  }
0x5: {  	_ = 	snop  }
0x6: {  	_ = 	snop  }
0x7: {  	_ = 	snop  }
__scs_overlays_trampoline_lowered:
0x8: {  	[smem:$0x3FA8] =	sst s0  }
0x9: {  	[smem:$0x3FA9] =	sst s1  }
0xa: {  	[smem:$0x3FAA] =	sst s2  }
0xb: {  	[smem:$0x3FAB] =	sst s3  }
0xc: {  	[smem:$0x3FAC] =	sst s4  }
0xd: {  	[smem:$0x3FAD] =	sst s5  }
0xe: {  	[smem:$0x3FAE] =	sst s6  }
0xf: {  	[smem:$0x3FAF] =	sst s7  }
0x10: {  	[smem:$0x3FB0] =	sst s8  }
0x11: {  	[smem:$0x3FB1] =	sst s9;
	s0 =	simm.s32 @!p0 $0x0  }
0x12: {  	s1 =	sld [smem:$0x3F97];
	s0 =	simm.s32 @p0 $0x1  }
0x13: {  	[smem:$0x3FB2] =	sst s0;
	s0 =	simm.s32 @!p1 $0x0  }
0x14: {  	s2 =	sld [smem:$0x3F96];
	s0 =	simm.s32 @p1 $0x1  }
0x15: {  	[smem:$0x3FB3] =	sst s0;
	s0 =	simm.s32 @!p2 $0x0  }
0x16: {  	s3 =	sld [smem:$0x3FDB];
	s0 =	simm.s32 @p2 $0x1  }
0x17: {  	s4 =	simm.s32 $0x1BF5;
	[smem:$0x3FB5] =	sst s0  }
0x18: {  	s0 =	sld [smem:$0x3F98];
	_ =	swait.ge [sflag:s4], $0x0  }
0x19: {  	s7 =	sld [smem:$0x3F99]  }
0x1a: {  	s8 =	sadd.s32 $0xFFFFE003, lr  }
0x1b: {  	s9 =	sadd.s32 $0xFFFFFEF7, lr;
	s5 =	simm.s32 $0xFFFFFFFF;
	p2 =	slt.u32 s8, $0xFFFFF086  }
0x1c: {  	p1 =	slt.u32 s9, $0xF7A;
	s5 =	simm.s32 @!p2 $0x0  }
0x1d: {  	s5 =	simm.s32 @p1 $0x1;
	p0 =	seq.s32 s7, s2  }
0x1e: {  	s7 =	smul.u32 @!p0 $0xF7A, s2;
	p2 =	seq.s32 @!p0 s5, $0x0  }
0x1f: {  	s9 =	smul.u32 $0xF7A, s1;
	s8 =	simm.s32 @!p0 $0x1BF5;
	p2 =	por !p2, p0  }
0x20: {  	[sflag:s8] =	ssyncset.s32 @!p0 $0xFFFFF086;
	s6 =	sadd.s32 @!p0 s3, s7;
	s7 =	simm.s32 @!p0 $0x108  }
0x21: {  	s3 =	sadd.s32 s3, s9;
	s6 =	sadd.s32 @!p0 $0x88, s6;
	s7 =	simm.s32 @p2 $0x1082  }
0x22: {  	[simem:s7], [sflag:s8] =	dma.local @!p0 [hbm:s6], $0xF7A  }
0x23: {  	s9 =	sor.u32 $0xD0000000, s2;
	s6 =	simm.s32 $0x108;
	_ =	swait.ge @!p0 [sflag:s8], $0x0  }
0x24: {  	s3 =	sadd.s32 $0x88, s3;
	s6 =	simm.s32 @!p1 $0x1082;
	[sflag:s4] =	ssyncset.s32 $0xFFFFF086  }
0x25: {  	[simem:s6], [sflag:s4] =	dma.local [hbm:s3], $0xF7A  }
0x26: {  	[smem:$0x3F99] =	sst s1;
	(tag) =	ssettag s2;
	_ =	strace s9  }
0x27: {  	s1 =	sld [smem:$0x3FA9]  }
0x28: {  	s2 =	sld [smem:$0x3FAA]  }
0x29: {  	s4 =	sld [smem:$0x3FAC]  }
0x2a: {  	p0 =	seq.s32 s5, $0x0;
	s5 =	sld [smem:$0x3FAD]  }
0x2b: {  	s6 =	sld [smem:$0x3FAE]  }
0x2c: {  	s7 =	sld [smem:$0x3FAF]  }
0x2d: {  	s3 =	simm.s32 $0x108;
	s8 =	sld [smem:$0x3FB0]  }
0x2e: {  	s3 =	simm.s32 @!p0 $0x1082;
	s9 =	sld [smem:$0x3FB1]  }
0x2f: {  	lr =	sadd.s32 s0, s3;
	s0 =	sld [smem:$0x3FA8]  }
0x30: {  	s3 =	sld [smem:$0x3FAB]  }
0x31: {  	[smem:$0x3FB4] =	sst s10  }
0x32: {  	s10 =	sld [smem:$0x3FB2];
	_ =	sdelay $0x3  }
0x33: {  	p0 =	seq.s32 s10, $0x1;
	s10 =	sld [smem:$0x3FB4];
	_ =	sdelay $0x3  }
0x34: {  	[smem:$0x3FB4] =	sst s10  }
0x35: {  	s10 =	sld [smem:$0x3FB3];
	_ =	sdelay $0x3  }
0x36: {  	p1 =	seq.s32 s10, $0x1;
	s10 =	sld [smem:$0x3FB4];
	_ =	sdelay $0x3  }
0x37: {  	[smem:$0x3FB4] =	sst s10  }
0x38: {  	s10 =	sld [smem:$0x3FB5]  }
0x39: {  	_ = 	snop;
	(pc) =	sbr.ind lr, $3  }
0x3a: {  	_ = 	snop  }
0x3b: {  	_ = 	snop  }
0x3c: {  	p2 =	seq.s32 s10, $0x1;
	s10 =	sld [smem:$0x3FB4]  }
0x3d: {  	_ =	shalt  }
0x3e: {  	_ =	shalt  }
0x3f: {  	_ =	shalt  }
0x40: {  	_ =	shalt  }
0x41: {  	_ =	shalt  }
0x42: {  	_ =	shalt  }
0x43: {  	_ =	shalt  }
0x44: {  	_ =	shalt  }
0x45: {  	_ =	shalt  }
0x46: {  	_ =	shalt  }
0x47: {  	_ =	shalt  }
0x48: {  	_ =	shalt  }
0x49: {  	_ =	shalt  }
0x4a: {  	_ =	shalt  }
0x4b: {  	_ =	shalt  }
0x4c: {  	_ =	shalt  }
0x4d: {  	_ =	shalt  }
0x4e: {  	_ =	shalt  }
0x4f: {  	_ =	shalt  }
0x50: {  	_ =	shalt  }
0x51: {  	_ =	shalt  }
0x52: {  	_ =	shalt  }
0x53: {  	_ =	shalt  }
0x54: {  	_ =	shalt  }
0x55: {  	_ =	shalt  }
0x56: {  	_ =	shalt  }
0x57: {  	_ =	shalt  }
0x58: {  	_ =	shalt  }
0x59: {  	_ =	shalt  }
0x5a: {  	_ =	shalt  }
0x5b: {  	_ =	shalt  }
0x5c: {  	_ =	shalt  }
0x5d: {  	_ =	shalt  }
0x5e: {  	_ =	shalt  }
0x5f: {  	_ =	shalt  }
0x60: {  	_ =	shalt  }
0x61: {  	_ =	shalt  }
0x62: {  	_ =	shalt  }
0x63: {  	_ =	shalt  }
0x64: {  	_ =	shalt  }
0x65: {  	_ =	shalt  }
0x66: {  	_ =	shalt  }
0x67: {  	_ =	shalt  }
0x68: {  	_ =	shalt  }
0x69: {  	_ =	shalt  }
0x6a: {  	_ =	shalt  }
0x6b: {  	_ =	shalt  }
0x6c: {  	_ =	shalt  }
0x6d: {  	_ =	shalt  }
0x6e: {  	_ =	shalt  }
0x6f: {  	_ =	shalt  }
0x70: {  	_ =	shalt  }
0x71: {  	_ =	shalt  }
0x72: {  	_ =	shalt  }
0x73: {  	_ =	shalt  }
0x74: {  	_ =	shalt  }
0x75: {  	_ =	shalt  }
0x76: {  	_ =	shalt  }
0x77: {  	_ =	shalt  }
0x78: {  	_ =	shalt  }
0x79: {  	_ =	shalt  }
0x7a: {  	_ =	shalt  }
0x7b: {  	_ =	shalt  }
0x7c: {  	_ =	shalt  }
0x7d: {  	_ =	shalt  }
0x7e: {  	_ =	shalt  }
0x7f: {  	_ =	shalt  }
0x80: {  	_ =	shalt  }
0x81: {  	_ =	shalt  }
0x82: {  	_ =	shalt  }
0x83: {  	_ =	shalt  }
0x84: {  	_ =	shalt  }
0x85: {  	_ =	shalt  }
0x86: {  	_ =	shalt  }
0x87: {  	_ =	shalt  }
.Lfunc_end0:
.L_simem_size_0:
called_computation_lowered:
.L_overlay_start_0:
0x88: {  	s2 =	sld [smem:$0x3FD9]  }
0x89: {  	s3 =	sld [smem:$0x3FFE];
	_ =	sdelay $0x1  }
0x8a: {  	s1 =	srdreg.scid  }
0x8b: {  	s0 =	sand.u32 $0x1, s1  }
0x8c: {  	s17 =	sshll.u32 s0, $0xA;
	s2 =	sadd.s32 s3, s2  }
0x8d: {  	s2 =	sadd.s32 s2, s17  }
0x8e: {  	[smem:$0x3FC0] =	sst s2  }
0x8f: {  	_ = 	snop  }
0x90: {  	s2 =	sld [smem:$0x3FC9]  }
0x91: {  	s18 =	sld [smem:$0x3FD0];
	(tm) =	ssettm $0x1  }
0x92: {  	s4 =	sld [smem:$0x3FFB];
	_ =	sdelay $0x3  }
0x93: {  	_ =	strace s4  }
0x94: {  	s4 =	sld [smem:$0x3FFC];
	_ =	sdelay $0x3  }
0x95: {  	_ =	strace s4  }
0x96: {  	s4 =	sld [smem:$0x3FFD];
	_ =	sdelay $0x3  }
0x97: {  	_ =	strace s4  }
0x98: {  	_ =	strace $0x8FFFFFFF  }
0x99: {  	s19 =	sld [smem:$0x3FDB];
	_ =	sdelay $0x1  }
0x9a: {  	s5 =	simm.s32 $_scs_section_size  }
0x9b: {  	s6 =	simm.s32 $_size__tile_overlayer_lowered;
	s7 =	simm.s32 $_tile_overlayer_lowered  }
0x9c: {  	s22 =	simm.s32 $0x1BFF;
	s21 =	sshll.u32 s7, $0x1;
	s4 =	sadd.s32 s5, s19  }
0x9d: {  	s8 =	simm.s32 $0x0;
	s20 =	sshll.u32 s6, $0x1;
	s6 =	sadd.s32 s21, s4  }
0x9e: {  	[timem:s8], [sflag:s22] =	dma.local [hbm:s6], s20  }
0x9f: {  	_ =	swait.ge [sflag:s22], s20  }
0xa0: {  	s5 =	ssub.s32 $0x0, s20;
	[sflag:s22] =	ssyncset.done $0x0  }
0xa1: {  	[sflag:s22] =	ssyncadd.s32 s5;
	_ =	sdelay $0x1  }
0xa2: {  	s23 =	simm.s32 $0x1B8B  }
0xa3: {  	_ =	swait.ge [sflag:s23], $0x1  }
0xa4: {  	[sflag:s23] =	ssyncset.done $0x0  }
0xa5: {  	s25 =	simm.s32 $0x1B8E;
	s24 =	sld [smem:$0x3FFE];
	[sflag:s23] =	ssyncadd.s32 $0xFFFFFFFF  }
0xa6: {  	s26 =	simm.s32 $execute0_lowered;
	[smem:$0x3FD2] =	sst s25  }
0xa7: {  	s6 =	sshll.u32 s26, $0x1;
	_ =	strace $0x80000046;
	[dreg:$0x1] =	wrdreg $0xFFFFFFFF  }
0xa8: {  	s28 =	simm.s32 $_size_execute0_lowered;
	s4 =	sadd.s32 s4, s6;
	[dreg:$0x0] =	wrdreg $0x0  }
0xa9: {  	s6 =	sshll.u32 s28, $0x1;
	[dreg:$0x2] =	wrdreg s4  }
0xaa: {  	[dreg:$0x3] =	wrdreg s6  }
0xab: {  	[dreg:$0x4] =	wrdreg $0xC0  }
0xac: {  	_ =	task [dreg:s8], $0x5FFFF  }
0xad: {  	[dreg:$0x1] =	wrdreg $0xFFFFFFFF  }
0xae: {  	[dreg:$0x0] =	wrdreg $0x60  }
0xaf: {  	[dreg:$0x2] =	wrdreg s2  }
0xb0: {  	[dreg:$0x3] =	wrdreg s24  }
0xb1: {  	[dreg:$0x4] =	wrdreg s18  }
0xb2: {  	[dreg:$0x5] =	wrdreg $0x0  }
0xb3: {  	[dreg:$0x6] =	wrdreg $0x1C8000  }
0xb4: {  	[dreg:$0x7] =	wrdreg $0x9  }
0xb5: {  	_ =	task.clear_ibuf [dreg:s8], $0x8FFFF;
	_ =	strace $0x90000046  }
0xb6: {  	s29 =	simm.s32 $0x9;
	_ =	strace $0x80000048  }
0xb7: {  	_ =	swait.ge [sflag:s29], $0x1  }
0xb8: {  	[sflag:s29] =	ssyncadd.s32 $0xFFFFFFFF  }
0xb9: {  	_ =	strace $0x90000048  }
0xba: {  	_ =	sfence  }
0xbb: {  	s30 =	sld [smem:$0x0];
	_ =	sdelay $0x2  }
0xbc: {  	s31 =	sshll.u32 s1, $0xD;
	s1 =	sshrl.u32 s1, $0x2  }
0xbd: {  	s3 =	sand.u32 $0x4000, s31;
	s1 =	sadd.s32 s1, s30  }
0xbe: {  	s0 =	sor.u32 s3, s0;
	s1 =	sshll.u32 s1, $0x11  }
0xbf: {  	s0 =	sor.u32 s1, s0  }
0xc0: {  	s0 =	sadd.s32 $0x8F2B, s0  }
0xc1: {  	[sflag:s0] =	ssyncadd.remote.s32 $0x1  }
0xc2: {  	_ =	sfence.sel $0xFFFF  }
0xc3: {  	[dreg:$0x0] =	wrdreg $0xFFFFFFFF;
	(pc) =	sbr.abs _section_cstart, $3  }
0xc4: {  	[dreg:$0x1] =	wrdreg $0xFFFFFFFF  }
0xc5: {  	_ =	task.clear_ibuf [dreg:s8], $0x2FFFF;
	_ =	strace $0x9FFFFFFF  }
0xc6: {  	(tm) =	ssettm $0x7FFFFFFF  }
0xc7: {  	_ =	shalt  }
tec
execute0_lowered:
.L_overlay_start_1:
0x0: {  	(tag) =	ssettag $0x1  }
0x1: {  	s1 =	rddreg [dreg:$0x0]  }
0x2: {  	s0 =	rddreg [dreg:$0x1]  }
0x3: {  	s2 =	rddreg [dreg:$0x2];
	s12 =	stileid.u32  }
0x4: {  	s4 =	srdreg.scid;
	s6 =	smul.u32 $0xA00, s12  }
0x5: {  	s3 =	rddreg [dreg:$0x3];
	s8 =	smul.u32 $0xA000, s12  }
0x6: {  	s5 =	simm.s32 $0x0;
	s28 =	simm.s32 $0x1F800;
	s11 =	smul.u32 $0x2800, s12  }
0x7: {  	s17 =	sand.u32 $0x1, s4;
	s4 =	rddreg [dreg:$0x4];
	s14 =	smul.u32 $0x28000, s12  }
0x8: {  	s30 =	simm.s32 $0xB;
	[smem:$0x7FF] =	sst s5;
	s7 =	smul.u32 $0xA0000, s17  }
0x9: {  	_ =	strace $0x80000047;
	s29 =	ssub.s32 $0x2, s17;
	s10 =	smul.u32 $0x28000, s17  }
0xa: {  	p0 =	seq.s32 s17, $0x1;
	p1 =	sne.s32 s17, $0x0;
	p2 =	seq.s32 s17, $0x0  }
0xb: {  	s9 =	sadd.s32 s6, s0;
	s31 =	sshrl.u32 s29, $0x1;
	s15 =	sshrl.u32 s14, $0x2  }
0xc: {  	s26 =	sadd.s32 s8, s7;
	s7 =	ssub.s32 s29, s31;
	s13 =	sadd.s32 $0x1E00, s9  }
0xd: {  	s9 =	sadd.s32 $0xBE00, s9;
	s6 =	sshrl.u32 s26, $0x3;
	[dreg:$0x6] =	wrdreg s13  }
0xe: {  	[dreg:$0x7] =	wrdreg s9;
	s13 =	sadd.s32 s11, s10;
	s7 =	smax.u32 s7, $0x1  }
0xf: {  	s0 =	sadd.s32 s6, s0;
	[dreg:$0xa] =	wrdreg s7;
	s7 =	sadd.s32 s15, s3  }
0x10: {  	s9 =	sshrl.u32 s13, $0x3;
	s0 =	sadd.s32 $0x15E00, s0;
	[dreg:$0xb] =	wrdreg s7  }
0x11: {  	s6 =	smul.u32 $0x280, s12;
	s2 =	sadd.s32 s2, s9;
	[dreg:$0x8] =	wrdreg s0  }
0x12: {  	v0 =	vmov s17;
	s17 =	simm.s32 $0x5;
	s0 =	sadd.s32 s8, s3;
	[dreg:$0x9] =	wrdreg s2  }
0x13: {  	s2 =	sadd.s32 s11, s4;
	s8 =	sshrl.u32 s8, $0x2;
	s18 =	sor.u32 $0x20, s6  }
0x14: {  	s20 =	sor.u32 $0x40, s6;
	s23 =	sor.u32 $0x60, s6;
	s26 =	sadd.s32 $0x80, s6  }
0x15: {  	s31 =	sadd.s32 $0xA0, s6;
	s10 =	sadd.s32 $0xC0, s6;
	s13 =	sadd.s32 $0xE0, s6  }
0x16: {  	s15 =	sadd.s32 $0x100, s6;
	s16 =	sadd.s32 s8, s4;
	s19 =	sshll.u32 s18, $0x6  }
0x17: {  	s7 =	sshll.u32 s18, $0x4;
	s21 =	sshll.u32 s20, $0x6;
	s22 =	sshll.u32 s20, $0x4  }
0x18: {  	s24 =	sshll.u32 s23, $0x6;
	s29 =	sshll.u32 s26, $0x6;
	s9 =	sshll.u32 s31, $0x4  }
0x19: {  	s11 =	sshll.u32 s10, $0x6;
	s14 =	sshll.u32 s13, $0x6;
	s18 =	sshll.u32 s15, $0x4  }
0x1a: {  	s0 =	sshrl.u32 s0, $0x3;
	[dreg:$0xc] =	wrdreg s16;
	s8 =	sadd.s32 s19, s3  }
0x1b: {  	s7 =	sadd.s32 s7, s4;
	s16 =	sshll.u32 s15, $0x6;
	[smem:$0x7FC] =	sst s0  }
0x1c: {  	s19 =	sadd.s32 $0x120, s6;
	s0 =	simm.s32 $0x80;
	[dreg:$0xd] =	wrdreg s8  }
0x1d: {  	[dreg:$0xe] =	wrdreg s7;
	s7 =	sadd.s32 s21, s3;
	s8 =	sshll.u32 s23, $0x4  }
0x1e: {  	s20 =	sshll.u32 s19, $0x6;
	[dreg:$0xf] =	wrdreg s7;
	s7 =	sadd.s32 s22, s4  }
0x1f: {  	s25 =	sadd.s32 s8, s4;
	s8 =	sadd.s32 s29, s3;
	[dreg:$0x10] =	wrdreg s7  }
0x20: {  	s22 =	sadd.s32 $0x140, s6;
	s29 =	sadd.s32 $0x180, s6;
	[dreg:$0x12] =	wrdreg s25  }
0x21: {  	s7 =	sadd.s32 s24, s3;
	[dreg:$0x13] =	wrdreg s8;
	s8 =	sshll.u32 s31, $0x6  }
0x22: {  	s23 =	sshll.u32 s22, $0x6;
	[dreg:$0x11] =	wrdreg s7;
	s7 =	sshll.u32 s26, $0x4  }
0x23: {  	s24 =	sadd.s32 $0x160, s6;
	s31 =	sshll.u32 s29, $0x6;
	s7 =	sadd.s32 s7, s4  }
0x24: {  	s25 =	sshll.u32 s24, $0x6;
	[dreg:$0x14] =	wrdreg s7;
	s7 =	sadd.s32 s8, s3  }
0x25: {  	s8 =	sshll.u32 s10, $0x4;
	[dreg:$0x15] =	wrdreg s7;
	s7 =	sadd.s32 s9, s4  }
0x26: {  	s26 =	sshll.u32 s24, $0x4;
	s12 =	sadd.s32 s8, s4;
	[dreg:$0x16] =	wrdreg s7  }
0x27: {  	s8 =	sadd.s32 s14, s3;
	s9 =	sadd.s32 $0x1A0, s6;
	[dreg:$0x18] =	wrdreg s12  }
0x28: {  	s14 =	sadd.s32 $0x1E0, s6;
	s7 =	sadd.s32 s11, s3;
	[dreg:$0x19] =	wrdreg s8  }
0x29: {  	s8 =	sshll.u32 s19, $0x4;
	s10 =	sshll.u32 s9, $0x6;
	s11 =	sadd.s32 $0x1C0, s6  }
0x2a: {  	s15 =	sshll.u32 s14, $0x6;
	[dreg:$0x17] =	wrdreg s7;
	s7 =	sshll.u32 s13, $0x4  }
0x2b: {  	s21 =	sadd.s32 s8, s4;
	s8 =	sadd.s32 s23, s3;
	s12 =	sshll.u32 s11, $0x6  }
0x2c: {  	s13 =	sshll.u32 s11, $0x4;
	s23 =	sadd.s32 $0x240, s6;
	[dreg:$0x1e] =	wrdreg s21  }
0x2d: {  	s11 =	simm.s32 $0x18000;
	s7 =	sadd.s32 s7, s4;
	[dreg:$0x1f] =	wrdreg s8  }
0x2e: {  	s8 =	sshll.u32 s29, $0x4;
	[dreg:$0x1a] =	wrdreg s7;
	s7 =	sadd.s32 s16, s3  }
0x2f: {  	s24 =	sshll.u32 s23, $0x6;
	s8 =	sadd.s32 s8, s4;
	[dreg:$0x1b] =	wrdreg s7  }
0x30: {  	s7 =	sadd.s32 s18, s4;
	[smem:$0x7ED] =	sst s8;
	s8 =	sadd.s32 s10, s3  }
0x31: {  	s18 =	sadd.s32 $0x200, s6;
	s10 =	simm.s32 $0x3;
	[dreg:$0x1c] =	wrdreg s7  }
0x32: {  	s7 =	sadd.s32 s20, s3;
	[smem:$0x7EE] =	sst s8;
	s8 =	sshll.u32 s14, $0x4  }
0x33: {  	s19 =	sshll.u32 s18, $0x6;
	s20 =	sadd.s32 $0x220, s6;
	s6 =	sadd.s32 $0x260, s6  }
0x34: {  	s14 =	simm.s32 $0x2;
	[dreg:$0x1d] =	wrdreg s7;
	s16 =	sadd.s32 s8, s4  }
0x35: {  	s7 =	sshll.u32 s22, $0x4;
	s8 =	sadd.s32 s19, s3;
	[smem:$0x7F3] =	sst s16  }
0x36: {  	s21 =	sshll.u32 s20, $0x6;
	s7 =	sadd.s32 s7, s4;
	[smem:$0x7F4] =	sst s8  }
0x37: {  	s22 =	sshll.u32 s20, $0x4;
	[smem:$0x7E9] =	sst s7;
	s7 =	sadd.s32 s25, s3  }
0x38: {  	s19 =	simm.s32 $0xA;
	[smem:$0x7EA] =	sst s7;
	s7 =	sadd.s32 s26, s4  }
0x39: {  	s26 =	sshll.u32 s6, $0x6;
	[smem:$0x7EB] =	sst s7;
	s7 =	sadd.s32 s31, s3  }
0x3a: {  	s6 =	sshll.u32 s6, $0x4;
	s29 =	sadd.s32 s26, s3;
	[smem:$0x7EC] =	sst s7  }
0x3b: {  	s8 =	simm.s32 $0x1;
	s6 =	sadd.s32 s6, s4;
	[smem:$0x7FA] =	sst s29  }
0x3c: {  	s31 =	sshrl.u32 s2, $0x3;
	s7 =	sshll.u32 s9, $0x4;
	[smem:$0x7FB] =	sst s6  }
0x3d: {  	s16 =	simm.s32 $0x8;
	[smem:$0x7FD] =	sst s31;
	s7 =	sadd.s32 s7, s4  }
0x3e: {  	s25 =	sshll.u32 s23, $0x4;
	[smem:$0x7EF] =	sst s7;
	s7 =	sadd.s32 s12, s3  }
0x3f: {  	s23 =	simm.s32 $0xA000;
	[smem:$0x7F0] =	sst s7;
	s7 =	sadd.s32 s13, s4  }
0x40: {  	s26 =	simm.s32 $0x1C000;
	[smem:$0x7F1] =	sst s7;
	s7 =	sadd.s32 s15, s3  }
0x41: {  	s2 =	simm.s32 $0x9;
	[smem:$0x7F2] =	sst s7;
	s7 =	sshll.u32 s18, $0x4  }
0x42: {  	s6 =	simm.s32 $0x14000;
	s9 =	simm.s32 $0x1A000;
	s7 =	sadd.s32 s7, s4  }
0x43: {  	s12 =	simm.s32 $0x6;
	[smem:$0x7F5] =	sst s7;
	s7 =	sadd.s32 s21, s3  }
0x44: {  	s13 =	simm.s32 $0x7;
	[smem:$0x7F6] =	sst s7;
	s7 =	sadd.s32 s22, s4  }
0x45: {  	s15 =	simm.s32 $0x1F000;
	[smem:$0x7F7] =	sst s7;
	s7 =	sadd.s32 s24, s3  }
0x46: {  	s18 =	simm.s32 $0x4;
	[smem:$0x7F8] =	sst s7;
	s7 =	sadd.s32 s25, s4  }
0x47: {  	v1 =	vimm.f32 $0.0e+00;
	v2 =	vimm.f32 $1.000000000e+00;
	s24 =	simm.s32 $0xF000;
	[smem:$0x7F9] =	sst s7;
	s7 =	simm.s32 $0x16000  }
.LBB2_1:
0x48: {  	s20 =	simm.s32 $0x1C020;
	s21 =	simm.s32 $0x0  }
.LBB2_2:
0x49: {  	p3 =	sne.s32 s21, $0x7C0  }
.Ltmp0:
0x4a: {  	[tilespmem:s20+$0xFFFFFFE0] =	vst v1;
	(pc) =	sbr.rel @p3 .LBB2_2-.Ltmp0, $4  }
0x4b: {  	[tilespmem:s20+$0xFFFFFFF0] =	vst v1  }
0x4c: {  	[tilespmem:s20+$0x0] =	vst v1  }
0x4d: {  	[tilespmem:s20+$0x10] =	vst v1;
	s22 =	sshra.s32 s21, $0x2  }
0x4e: {  	s20 =	sadd.s32 $0x40, s20;
	s21 =	sadd.s32 $0x40, s21;
	[tilespmem:s22+$0x1F800] =	vst v1  }
0x4f: {  	s20 =	simm.s32 $0x40;
	s21 =	simm.s32 $0x0  }
.LBB2_4:
0x50: {  	p3 =	sne.s32 s20, $0x1FC0;
	[tilespmem:s21+$0x1F000] =	vst v2;
	s21 =	smov.u32 s20;
	s20 =	sadd.s32 $0x40, s20  }
.Ltmp1:
0x51: {  	(pc) =	sbr.rel @p3 .LBB2_4-.Ltmp1, $2  }
0x52: {  	_ =	sdelay $0x2  }
0x53: {  	s21 =	sshra.s32 s21, $0x2  }
0x54: {  	s20 =	rddreg [dreg:$0xb]  }
0x55: {  	[tilespmem:s21+$0x1F000] =	vst v2;
	s29 =	rddreg [dreg:$0xc]  }
0x56: {  	[spmem:s20] =	stream.linear.scatter [tilespmem:s26], [sflag:$0x9], $0x800, $0x38;
	[tilespmem:$0x1FA00] =	vst v63  }
0x57: {  	s31 =	rddreg [dreg:$0xd]  }
0x58: {  	[spmem:s29] =	stream.linear.scatter [tilespmem:s28], [sflag:$0x9], $0x200, $0x38;
	[tilespmem:$0x1FA00] =	vst v63  }
0x59: {  	s21 =	rddreg [dreg:$0xe]  }
0x5a: {  	[spmem:s31] =	stream.linear.scatter [tilespmem:s26], [sflag:$0x9], $0x800, $0x38;
	[tilespmem:$0x1FA00] =	vst v63  }
0x5b: {  	s22 =	rddreg [dreg:$0xf]  }
0x5c: {  	[spmem:s21] =	stream.linear.scatter [tilespmem:s28], [sflag:$0x9], $0x200, $0x38;
	[tilespmem:$0x1FA00] =	vst v63  }
0x5d: {  	s25 =	rddreg [dreg:$0x10]  }
0x5e: {  	[spmem:s22] =	stream.linear.scatter [tilespmem:s26], [sflag:$0x9], $0x800, $0x38;
	[tilespmem:$0x1FA00] =	vst v63  }
0x5f: {  	s29 =	rddreg [dreg:$0x11]  }
0x60: {  	[spmem:s25] =	stream.linear.scatter [tilespmem:s28], [sflag:$0x9], $0x200, $0x38;
	[tilespmem:$0x1FA00] =	vst v63  }
0x61: {  	s31 =	rddreg [dreg:$0x12]  }
0x62: {  	[spmem:s29] =	stream.linear.scatter [tilespmem:s26], [sflag:$0x9], $0x800, $0x38;
	[tilespmem:$0x1FA00] =	vst v63  }
0x63: {  	s21 =	rddreg [dreg:$0x13]  }
0x64: {  	[spmem:s31] =	stream.linear.scatter [tilespmem:s28], [sflag:$0x9], $0x200, $0x38;
	[tilespmem:$0x1FA00] =	vst v63  }
0x65: {  	s22 =	rddreg [dreg:$0x14]  }
0x66: {  	[spmem:s21] =	stream.linear.scatter [tilespmem:s26], [sflag:$0x9], $0x800, $0x38;
	[tilespmem:$0x1FA00] =	vst v63  }
0x67: {  	s25 =	rddreg [dreg:$0x15]  }
0x68: {  	[spmem:s22] =	stream.linear.scatter [tilespmem:s28], [sflag:$0x9], $0x200, $0x38;
	[tilespmem:$0x1FA00] =	vst v63  }
0x69: {  	s29 =	rddreg [dreg:$0x16]  }
0x6a: {  	[spmem:s25] =	stream.linear.scatter [tilespmem:s26], [sflag:$0x9], $0x800, $0x38;
	[tilespmem:$0x1FA00] =	vst v63  }
0x6b: {  	s31 =	rddreg [dreg:$0x17]  }
0x6c: {  	[spmem:s29] =	stream.linear.scatter [tilespmem:s28], [sflag:$0x9], $0x200, $0x38;
	[tilespmem:$0x1FA00] =	vst v63  }
0x6d: {  	s21 =	rddreg [dreg:$0x18]  }
0x6e: {  	[spmem:s31] =	stream.linear.scatter [tilespmem:s26], [sflag:$0x9], $0x800, $0x38;
	[tilespmem:$0x1FA00] =	vst v63  }
0x6f: {  	s22 =	rddreg [dreg:$0x19]  }
0x70: {  	[spmem:s21] =	stream.linear.scatter [tilespmem:s28], [sflag:$0x9], $0x200, $0x38;
	[tilespmem:$0x1FA00] =	vst v63  }
0x71: {  	s25 =	rddreg [dreg:$0x1a]  }
0x72: {  	[spmem:s22] =	stream.linear.scatter [tilespmem:s26], [sflag:$0x9], $0x800, $0x38;
	[tilespmem:$0x1FA00] =	vst v63  }
0x73: {  	s29 =	rddreg [dreg:$0x1b]  }
0x74: {  	[spmem:s25] =	stream.linear.scatter [tilespmem:s28], [sflag:$0x9], $0x200, $0x38;
	[tilespmem:$0x1FA00] =	vst v63  }
0x75: {  	s31 =	rddreg [dreg:$0x1c]  }
0x76: {  	[spmem:s29] =	stream.linear.scatter [tilespmem:s26], [sflag:$0x9], $0x800, $0x38;
	[tilespmem:$0x1FA00] =	vst v63  }
0x77: {  	s21 =	rddreg [dreg:$0x1d]  }
0x78: {  	[spmem:s31] =	stream.linear.scatter [tilespmem:s28], [sflag:$0x9], $0x200, $0x38;
	[tilespmem:$0x1FA00] =	vst v63  }
0x79: {  	s22 =	rddreg [dreg:$0x1e]  }
0x7a: {  	[spmem:s21] =	stream.linear.scatter [tilespmem:s26], [sflag:$0x9], $0x800, $0x38;
	[tilespmem:$0x1FA00] =	vst v63  }
0x7b: {  	s25 =	rddreg [dreg:$0x1f]  }
0x7c: {  	[spmem:s22] =	stream.linear.scatter [tilespmem:s28], [sflag:$0x9], $0x200, $0x38;
	[tilespmem:$0x1FA00] =	vst v63  }
0x7d: {  	s29 =	sld [smem:$0x7E9]  }
0x7e: {  	[spmem:s25] =	stream.linear.scatter [tilespmem:s26], [sflag:$0x9], $0x800, $0x38;
	[tilespmem:$0x1FA00] =	vst v63  }
0x7f: {  	s31 =	sld [smem:$0x7EA]  }
0x80: {  	[spmem:s29] =	stream.linear.scatter [tilespmem:s28], [sflag:$0x9], $0x200, $0x38;
	[tilespmem:$0x1FA00] =	vst v63  }
0x81: {  	s21 =	sld [smem:$0x7EB]  }
0x82: {  	[spmem:s31] =	stream.linear.scatter [tilespmem:s26], [sflag:$0x9], $0x800, $0x38;
	[tilespmem:$0x1FA00] =	vst v63  }
0x83: {  	s22 =	sld [smem:$0x7EC]  }
0x84: {  	[spmem:s21] =	stream.linear.scatter [tilespmem:s28], [sflag:$0x9], $0x200, $0x38;
	[tilespmem:$0x1FA00] =	vst v63  }
0x85: {  	s25 =	sld [smem:$0x7ED]  }
0x86: {  	[spmem:s22] =	stream.linear.scatter [tilespmem:s26], [sflag:$0x9], $0x800, $0x38;
	[tilespmem:$0x1FA00] =	vst v63  }
0x87: {  	s29 =	sld [smem:$0x7EE]  }
0x88: {  	[spmem:s25] =	stream.linear.scatter [tilespmem:s28], [sflag:$0x9], $0x200, $0x38;
	[tilespmem:$0x1FA00] =	vst v63  }
0x89: {  	s31 =	sld [smem:$0x7EF]  }
0x8a: {  	[spmem:s29] =	stream.linear.scatter [tilespmem:s26], [sflag:$0x9], $0x800, $0x38;
	[tilespmem:$0x1FA00] =	vst v63  }
0x8b: {  	s21 =	sld [smem:$0x7F0]  }
0x8c: {  	[spmem:s31] =	stream.linear.scatter [tilespmem:s28], [sflag:$0x9], $0x200, $0x38;
	[tilespmem:$0x1FA00] =	vst v63  }
0x8d: {  	s22 =	sld [smem:$0x7F1]  }
0x8e: {  	[spmem:s21] =	stream.linear.scatter [tilespmem:s26], [sflag:$0x9], $0x800, $0x38;
	[tilespmem:$0x1FA00] =	vst v63  }
0x8f: {  	s25 =	sld [smem:$0x7F2]  }
0x90: {  	[spmem:s22] =	stream.linear.scatter [tilespmem:s28], [sflag:$0x9], $0x200, $0x38;
	[tilespmem:$0x1FA00] =	vst v63  }
0x91: {  	s29 =	sld [smem:$0x7F3]  }
0x92: {  	[spmem:s25] =	stream.linear.scatter [tilespmem:s26], [sflag:$0x9], $0x800, $0x38;
	[tilespmem:$0x1FA00] =	vst v63  }
0x93: {  	s31 =	sld [smem:$0x7F4]  }
0x94: {  	[spmem:s29] =	stream.linear.scatter [tilespmem:s28], [sflag:$0x9], $0x200, $0x38;
	[tilespmem:$0x1FA00] =	vst v63  }
0x95: {  	s21 =	sld [smem:$0x7F5]  }
0x96: {  	[spmem:s31] =	stream.linear.scatter [tilespmem:s26], [sflag:$0x9], $0x800, $0x38;
	[tilespmem:$0x1FA00] =	vst v63  }
0x97: {  	s22 =	sld [smem:$0x7F6]  }
0x98: {  	[spmem:s21] =	stream.linear.scatter [tilespmem:s28], [sflag:$0x9], $0x200, $0x38;
	[tilespmem:$0x1FA00] =	vst v63  }
0x99: {  	s25 =	sld [smem:$0x7F7]  }
0x9a: {  	[spmem:s22] =	stream.linear.scatter [tilespmem:s26], [sflag:$0x9], $0x800, $0x38;
	[tilespmem:$0x1FA00] =	vst v63  }
0x9b: {  	s29 =	sld [smem:$0x7F8]  }
0x9c: {  	[spmem:s25] =	stream.linear.scatter [tilespmem:s28], [sflag:$0x9], $0x200, $0x38;
	[tilespmem:$0x1FA00] =	vst v63  }
0x9d: {  	s31 =	sld [smem:$0x7F9]  }
0x9e: {  	[spmem:s29] =	stream.linear.scatter [tilespmem:s26], [sflag:$0x9], $0x800, $0x38;
	[tilespmem:$0x1FA00] =	vst v63  }
0x9f: {  	s21 =	sld [smem:$0x7FA]  }
0xa0: {  	[spmem:s31] =	stream.linear.scatter [tilespmem:s28], [sflag:$0x9], $0x200, $0x38;
	[tilespmem:$0x1FA00] =	vst v63  }
0xa1: {  	s22 =	sld [smem:$0x7FB]  }
0xa2: {  	[spmem:s21] =	stream.linear.scatter [tilespmem:s26], [sflag:$0x9], $0x800, $0x38;
	[tilespmem:$0x1FA00] =	vst v63  }
0xa3: {  	_ = 	snop  }
0xa4: {  	[spmem:s22] =	stream.linear.scatter [tilespmem:s28], [sflag:$0x9], $0x200, $0x38;
	[tilespmem:$0x1FA00] =	vst v63  }
0xa5: {  	s25 =	simm.s32 $0x0;
	s29 =	rddreg [dreg:$0x6]  }
0xa6: {  	[tilespmem:s23], [sflag:$0xB] =	stream.linear.gather [hbm4b:s29+s25], $0x5000, $0x38;
	[tilespmem:$0x1FA00] =	vst v63  }
0xa7: {  	_ =	swait.ge [sflag:s30], $0x5000  }
0xa8: {  	[sflag:s30] =	ssyncset.done $0x0  }
0xa9: {  	s31 =	rddreg [dreg:$0x7];
	[sflag:s30] =	ssyncadd.s32 $0xFFFFB000  }
0xaa: {  	[tilespmem:s24], [sflag:$0xB] =	stream.linear.gather [hbm4b:s31+s25], $0x5000, $0x38;
	[tilespmem:$0x1FA00] =	vst v63  }
0xab: {  	_ =	swait.ge [sflag:s30], $0x5000  }
0xac: {  	[sflag:s30] =	ssyncset.done $0x0  }
0xad: {  	[sflag:s30] =	ssyncadd.s32 $0xFFFFB000  }
0xae: {  	_ =	swait.ge [sflag:s2], $0x800  }
0xaf: {  	[sflag:s2] =	ssyncset.done $0x0  }
0xb0: {  	[sflag:s2] =	ssyncadd.s32 $0xFFFFF800  }
0xb1: {  	_ =	swait.ge [sflag:s2], $0x200  }
0xb2: {  	[sflag:s2] =	ssyncset.done $0x0  }
0xb3: {  	[sflag:s2] =	ssyncadd.s32 $0xFFFFFE00  }
0xb4: {  	_ =	swait.ge [sflag:s2], $0x800  }
0xb5: {  	[sflag:s2] =	ssyncset.done $0x0  }
0xb6: {  	[sflag:s2] =	ssyncadd.s32 $0xFFFFF800  }
0xb7: {  	_ =	swait.ge [sflag:s2], $0x200  }
0xb8: {  	[sflag:s2] =	ssyncset.done $0x0  }
0xb9: {  	[sflag:s2] =	ssyncadd.s32 $0xFFFFFE00  }
0xba: {  	_ =	swait.ge [sflag:s2], $0x800  }
0xbb: {  	[sflag:s2] =	ssyncset.done $0x0  }
0xbc: {  	[sflag:s2] =	ssyncadd.s32 $0xFFFFF800  }
0xbd: {  	_ =	swait.ge [sflag:s2], $0x200  }
0xbe: {  	[sflag:s2] =	ssyncset.done $0x0  }
0xbf: {  	[sflag:s2] =	ssyncadd.s32 $0xFFFFFE00  }
0xc0: {  	_ =	swait.ge [sflag:s2], $0x800  }
0xc1: {  	[sflag:s2] =	ssyncset.done $0x0  }
0xc2: {  	[sflag:s2] =	ssyncadd.s32 $0xFFFFF800  }
0xc3: {  	_ =	swait.ge [sflag:s2], $0x200  }
0xc4: {  	[sflag:s2] =	ssyncset.done $0x0  }
0xc5: {  	[sflag:s2] =	ssyncadd.s32 $0xFFFFFE00  }
0xc6: {  	_ =	swait.ge [sflag:s2], $0x800  }
0xc7: {  	[sflag:s2] =	ssyncset.done $0x0  }
0xc8: {  	[sflag:s2] =	ssyncadd.s32 $0xFFFFF800  }
0xc9: {  	_ =	swait.ge [sflag:s2], $0x200  }
0xca: {  	[sflag:s2] =	ssyncset.done $0x0  }
0xcb: {  	[sflag:s2] =	ssyncadd.s32 $0xFFFFFE00  }
0xcc: {  	_ =	swait.ge [sflag:s2], $0x800  }
0xcd: {  	[sflag:s2] =	ssyncset.done $0x0  }
0xce: {  	[sflag:s2] =	ssyncadd.s32 $0xFFFFF800  }
0xcf: {  	_ =	swait.ge [sflag:s2], $0x200  }
0xd0: {  	[sflag:s2] =	ssyncset.done $0x0  }
0xd1: {  	[sflag:s2] =	ssyncadd.s32 $0xFFFFFE00  }
0xd2: {  	_ =	swait.ge [sflag:s2], $0x800  }
0xd3: {  	[sflag:s2] =	ssyncset.done $0x0  }
0xd4: {  	[sflag:s2] =	ssyncadd.s32 $0xFFFFF800  }
0xd5: {  	_ =	swait.ge [sflag:s2], $0x200  }
0xd6: {  	[sflag:s2] =	ssyncset.done $0x0  }
0xd7: {  	[sflag:s2] =	ssyncadd.s32 $0xFFFFFE00  }
0xd8: {  	_ =	swait.ge [sflag:s2], $0x800  }
0xd9: {  	[sflag:s2] =	ssyncset.done $0x0  }
0xda: {  	[sflag:s2] =	ssyncadd.s32 $0xFFFFF800  }
0xdb: {  	_ =	swait.ge [sflag:s2], $0x200  }
0xdc: {  	[sflag:s2] =	ssyncset.done $0x0  }
0xdd: {  	[sflag:s2] =	ssyncadd.s32 $0xFFFFFE00  }
0xde: {  	_ =	swait.ge [sflag:s2], $0x800  }
0xdf: {  	[sflag:s2] =	ssyncset.done $0x0  }
0xe0: {  	[sflag:s2] =	ssyncadd.s32 $0xFFFFF800  }
0xe1: {  	_ =	swait.ge [sflag:s2], $0x200  }
0xe2: {  	[sflag:s2] =	ssyncset.done $0x0  }
0xe3: {  	[sflag:s2] =	ssyncadd.s32 $0xFFFFFE00  }
0xe4: {  	_ =	swait.ge [sflag:s2], $0x800  }
0xe5: {  	[sflag:s2] =	ssyncset.done $0x0  }
0xe6: {  	[sflag:s2] =	ssyncadd.s32 $0xFFFFF800  }
0xe7: {  	_ =	swait.ge [sflag:s2], $0x200  }
0xe8: {  	[sflag:s2] =	ssyncset.done $0x0  }
0xe9: {  	[sflag:s2] =	ssyncadd.s32 $0xFFFFFE00  }
0xea: {  	_ =	swait.ge [sflag:s2], $0x800  }
0xeb: {  	[sflag:s2] =	ssyncset.done $0x0  }
0xec: {  	[sflag:s2] =	ssyncadd.s32 $0xFFFFF800  }
0xed: {  	_ =	swait.ge [sflag:s2], $0x200  }
0xee: {  	[sflag:s2] =	ssyncset.done $0x0  }
0xef: {  	[sflag:s2] =	ssyncadd.s32 $0xFFFFFE00  }
0xf0: {  	_ =	swait.ge [sflag:s2], $0x800  }
0xf1: {  	[sflag:s2] =	ssyncset.done $0x0  }
0xf2: {  	[sflag:s2] =	ssyncadd.s32 $0xFFFFF800  }
0xf3: {  	_ =	swait.ge [sflag:s2], $0x200  }
0xf4: {  	[sflag:s2] =	ssyncset.done $0x0  }
0xf5: {  	[sflag:s2] =	ssyncadd.s32 $0xFFFFFE00  }
0xf6: {  	_ =	swait.ge [sflag:s2], $0x800  }
0xf7: {  	[sflag:s2] =	ssyncset.done $0x0  }
0xf8: {  	[sflag:s2] =	ssyncadd.s32 $0xFFFFF800  }
0xf9: {  	_ =	swait.ge [sflag:s2], $0x200  }
0xfa: {  	[sflag:s2] =	ssyncset.done $0x0  }
0xfb: {  	[sflag:s2] =	ssyncadd.s32 $0xFFFFFE00  }
0xfc: {  	_ =	swait.ge [sflag:s2], $0x800  }
0xfd: {  	[sflag:s2] =	ssyncset.done $0x0  }
0xfe: {  	[sflag:s2] =	ssyncadd.s32 $0xFFFFF800  }
0xff: {  	_ =	swait.ge [sflag:s2], $0x200  }
0x100: {  	[sflag:s2] =	ssyncset.done $0x0  }
0x101: {  	[sflag:s2] =	ssyncadd.s32 $0xFFFFFE00  }
0x102: {  	_ =	swait.ge [sflag:s2], $0x800  }
0x103: {  	[sflag:s2] =	ssyncset.done $0x0  }
0x104: {  	[sflag:s2] =	ssyncadd.s32 $0xFFFFF800  }
0x105: {  	_ =	swait.ge [sflag:s2], $0x200  }
0x106: {  	[sflag:s2] =	ssyncset.done $0x0  }
0x107: {  	[sflag:s2] =	ssyncadd.s32 $0xFFFFFE00  }
0x108: {  	_ =	swait.ge [sflag:s2], $0x800  }
0x109: {  	[sflag:s2] =	ssyncset.done $0x0  }
0x10a: {  	[sflag:s2] =	ssyncadd.s32 $0xFFFFF800  }
0x10b: {  	_ =	swait.ge [sflag:s2], $0x200  }
0x10c: {  	[sflag:s2] =	ssyncset.done $0x0  }
0x10d: {  	[sflag:s2] =	ssyncadd.s32 $0xFFFFFE00  }
0x10e: {  	_ =	swait.ge [sflag:s2], $0x800  }
0x10f: {  	[sflag:s2] =	ssyncset.done $0x0  }
0x110: {  	[sflag:s2] =	ssyncadd.s32 $0xFFFFF800  }
0x111: {  	_ =	swait.ge [sflag:s2], $0x200  }
0x112: {  	[sflag:s2] =	ssyncset.done $0x0  }
0x113: {  	[sflag:s2] =	ssyncadd.s32 $0xFFFFFE00  }
0x114: {  	_ =	swait.ge [sflag:s2], $0x800  }
0x115: {  	[sflag:s2] =	ssyncset.done $0x0  }
0x116: {  	[sflag:s2] =	ssyncadd.s32 $0xFFFFF800  }
0x117: {  	_ =	swait.ge [sflag:s2], $0x200  }
0x118: {  	[sflag:s2] =	ssyncset.done $0x0  }
0x119: {  	[sflag:s2] =	ssyncadd.s32 $0xFFFFFE00  }
0x11a: {  	_ =	swait.ge [sflag:s2], $0x800  }
0x11b: {  	[sflag:s2] =	ssyncset.done $0x0  }
0x11c: {  	[sflag:s2] =	ssyncadd.s32 $0xFFFFF800  }
0x11d: {  	_ =	swait.ge [sflag:s2], $0x200  }
0x11e: {  	[sflag:s2] =	ssyncset.done $0x0  }
0x11f: {  	[sflag:s2] =	ssyncadd.s32 $0xFFFFFE00  }
0x120: {  	_ =	swait.ge [sflag:s2], $0x800  }
0x121: {  	[sflag:s2] =	ssyncset.done $0x0  }
0x122: {  	[sflag:s2] =	ssyncadd.s32 $0xFFFFF800  }
0x123: {  	_ =	swait.ge [sflag:s2], $0x200  }
0x124: {  	[sflag:s2] =	ssyncset.done $0x0  }
0x125: {  	s20 =	simm.s32 $0x0;
	[sflag:s2] =	ssyncadd.s32 $0xFFFFFE00  }
0x126: {  	v4 =	vld [tilespmem:s20+$0xA000]  }
0x127: {  	v5 =	vld [tilespmem:s20+$0xA010]  }
0x128: {  	v7 =	vld [tilespmem:s20+$0xA020]  }
0x129: {  	v6 =	vld [tilespmem:s20+$0xA030]  }
0x12a: {  	v3 =	vld [tilespmem:s20+$0xA040]  }
0x12b: {  	v8 =	vshll.u32 v4, $0x1;
	v4 =	vld [tilespmem:s20+$0xA050]  }
0x12c: {  	s21 =	simm.s32 $0x200;
	v9 =	vshll.u32 v5, $0x1;
	v5 =	vld [tilespmem:s20+$0xA060];
	v8 =	vor.u32 v0, v8  }
.LBB2_6:
0x12d: {  	s22 =	sshra.s32 s21, $0x2;
	p3 =	sne.s32 s21, $0x13E00;
	[tilespmem:s20+$0xA000] =	vst v8;
	v8 =	vor.u32 v0, v9;
	v7 =	vshll.u32 v7, $0x1;
	v9 =	vld [tilespmem:s20+$0xA070]  }
0x12e: {  	v10 =	vld [tilespmem:s22+$0xA000];
	[tilespmem:s20+$0xA010] =	vst v8;
	v7 =	vor.u32 v0, v7;
	v6 =	vshll.u32 v6, $0x1  }
0x12f: {  	v11 =	vld [tilespmem:s22+$0xA010];
	[tilespmem:s20+$0xA020] =	vst v7;
	v6 =	vor.u32 v0, v6;
	v3 =	vshll.u32 v3, $0x1  }
.Ltmp2:
0x130: {  	v7 =	vld [tilespmem:s22+$0xA020];
	[tilespmem:s20+$0xA030] =	vst v6;
	v3 =	vor.u32 v0, v3;
	v4 =	vshll.u32 v4, $0x1;
	(pc) =	sbr.rel @p3 .LBB2_6-.Ltmp2, $4  }
0x131: {  	v6 =	vld [tilespmem:s22+$0xA030];
	[tilespmem:s20+$0xA040] =	vst v3;
	v4 =	vor.u32 v0, v4;
	v5 =	vshll.u32 v5, $0x1  }
0x132: {  	v3 =	vld [tilespmem:s22+$0xA040];
	[tilespmem:s20+$0xA050] =	vst v4;
	v5 =	vor.u32 v0, v5;
	v8 =	vshll.u32 v9, $0x1  }
0x133: {  	v9 =	vshll.u32 v10, $0x1;
	v4 =	vld [tilespmem:s22+$0xA050];
	[tilespmem:s20+$0xA060] =	vst v5;
	v10 =	vor.u32 v0, v8  }
0x134: {  	s21 =	sadd.s32 $0x200, s21;
	v8 =	vor.u32 v0, v9;
	v9 =	vshll.u32 v11, $0x1;
	v5 =	vld [tilespmem:s22+$0xA060];
	[tilespmem:s20+$0xA070] =	vst v10;
	s20 =	smov.u32 s22  }
0x135: {  	[tilespmem:s20+$0xA000] =	vst v8;
	v60 =	vor.u32 v0, v9;
	v7 =	vshll.u32 v7, $0x1;
	v61 =	vld [tilespmem:s20+$0xA070]  }
0x136: {  	[tilespmem:s20+$0xA010] =	vst v60;
	v7 =	vor.u32 v0, v7;
	v6 =	vshll.u32 v6, $0x1  }
0x137: {  	[tilespmem:s20+$0xA020] =	vst v7;
	v6 =	vor.u32 v0, v6;
	v3 =	vshll.u32 v3, $0x1  }
0x138: {  	[tilespmem:s20+$0xA030] =	vst v6;
	v3 =	vor.u32 v0, v3;
	v4 =	vshll.u32 v4, $0x1  }
0x139: {  	[tilespmem:s20+$0xA040] =	vst v3;
	v3 =	vor.u32 v0, v4;
	v62 =	vshll.u32 v5, $0x1  }
0x13a: {  	[tilespmem:s20+$0xA050] =	vst v3;
	v3 =	vor.u32 v0, v62;
	v63 =	vshll.u32 v61, $0x1  }
0x13b: {  	[tilespmem:s20+$0xA060] =	vst v3;
	v3 =	vor.u32 v0, v63  }
0x13c: {  	[tilespmem:s20+$0xA070] =	vst v3  }
0x13d: {  	[bflag:$0x0] =	sbarrier.arrive $0xFFFF  }
0x13e: {  	[tilespmem:s6], [sflag:$0x1] =	stream.indirect.gather [hbm4b:s1+s0], $0x40, s23, s0, $0xb8;
	[tilespmem:$0x1FA00] =	vst v63  }
0x13f: {  	s23 =	simm.s32 $0xA080  }
0x140: {  	[tilespmem:s7], [sflag:$0x2] =	stream.indirect.gather [hbm4b:s1+s0], $0x40, s23, s0, $0xb8;
	[tilespmem:$0x1FA00] =	vst v63  }
0x141: {  	_ =	swait.ge [sflag:s8], $0x2000  }
0x142: {  	[sflag:s8] =	ssyncset.done $0x0  }
0x143: {  	[sflag:s8] =	ssyncadd.s32 $0xFFFFE000  }
0x144: {  	[spmem:s3] =	stream.indirect.scatter.add.f32 [tilespmem:s6], [sflag:$0x5], $0x40, s24, s0, $0xb8;
	[tilespmem:$0x1FA00] =	vst v63  }
0x145: {  	s21 =	simm.s32 @p1 $0xA100;
	s22 =	simm.s32 @p1 $0x18000;
	s20 =	simm.s32 @p1 $0x80  }
0x146: {  	[tilespmem:s22], [sflag:$0x3] =	stream.indirect.gather @p1 [hbm4b:s1+s20], $0x40, s21, s20, $0xb8;
	[tilespmem:$0x1FA00] =	vst v63  }
0x147: {  	s21 =	simm.s32 @p1 $0x2  }
0x148: {  	_ =	swait.ge @p1 [sflag:s21], $0x2000  }
0x149: {  	[sflag:s21] =	ssyncset.done @p1 $0x0  }
0x14a: {  	s22 =	simm.s32 @p1 $0x16000;
	[sflag:s21] =	ssyncadd.s32 @p1 $0xFFFFE000;
	s21 =	simm.s32 @p1 $0xF080  }
0x14b: {  	[spmem:s3] =	stream.indirect.scatter.add.f32 @p1 [tilespmem:s22], [sflag:$0x6], $0x40, s21, s20, $0xb8;
	[tilespmem:$0x1FA00] =	vst v63  }
0x14c: {  	s29 =	simm.s32 @!p1 $0x1F000;
	s21 =	simm.s32 @!p1 $0x80;
	s22 =	simm.s32 @!p1 $0xF000  }
0x14d: {  	[spmem:s4] =	stream.indirect.scatter.add.f32 @!p1 [tilespmem:s29], [sflag:$0xA], $0x10, s22, s21, $0xb8;
	[tilespmem:$0x1FA00] =	vst v63  }
0x14e: {  	s23 =	simm.s32 @!p1 $0x18000;
	s22 =	simm.s32 @!p1 $0xA100  }
0x14f: {  	[tilespmem:s23], [sflag:$0x3] =	stream.indirect.gather @!p1 [hbm4b:s1+s21], $0x40, s22, s21, $0xb8;
	[tilespmem:$0x1FA00] =	vst v63  }
0x150: {  	s22 =	simm.s32 @!p1 $0x2  }
0x151: {  	_ =	swait.ge @!p1 [sflag:s22], $0x2000  }
0x152: {  	[sflag:s22] =	ssyncset.done @!p1 $0x0  }
0x153: {  	s23 =	simm.s32 @!p1 $0x16000;
	[sflag:s22] =	ssyncadd.s32 @!p1 $0xFFFFE000;
	s22 =	simm.s32 @!p1 $0xF080  }
0x154: {  	[spmem:s3] =	stream.indirect.scatter.add.f32 @!p1 [tilespmem:s23], [sflag:$0x6], $0x40, s22, s21, $0xb8;
	[tilespmem:$0x1FA00] =	vst v63  }
0x155: {  	_ = 	snop  }
0x156: {  	[spmem:s4] =	stream.indirect.scatter.add.f32 @!p1 [tilespmem:s29], [sflag:$0xA], $0x10, s22, s21, $0xb8;
	[tilespmem:$0x1FA00] =	vst v63  }
0x157: {  	s24 =	simm.s32 $0xA180  }
0x158: {  	[tilespmem:s9], [sflag:$0x4] =	stream.indirect.gather [hbm4b:s1+s0], $0x40, s24, s0, $0xb8;
	[tilespmem:$0x1FA00] =	vst v63  }
0x159: {  	_ =	swait.ge [sflag:s10], $0x2000  }
0x15a: {  	[sflag:s10] =	ssyncset.done $0x0  }
0x15b: {  	s25 =	simm.s32 $0xF100;
	s22 =	simm.s32 @p1 $0x5;
	[sflag:s10] =	ssyncadd.s32 $0xFFFFE000  }
0x15c: {  	[spmem:s3] =	stream.indirect.scatter.add.f32 [tilespmem:s11], [sflag:$0x7], $0x40, s25, s0, $0xb8;
	[tilespmem:$0x1FA00] =	vst v63  }
0x15d: {  	_ =	swait.ge @p1 [sflag:s22], $0x2000  }
0x15e: {  	[sflag:s22] =	ssyncset.done @p1 $0x0  }
0x15f: {  	s23 =	simm.s32 @p1 $0x14000;
	[sflag:s22] =	ssyncadd.s32 @p1 $0xFFFFE000;
	s22 =	simm.s32 @p1 $0xA200  }
0x160: {  	[tilespmem:s23], [sflag:$0x1] =	stream.indirect.gather @p1 [hbm4b:s1+s20], $0x40, s22, s20, $0xb8;
	[tilespmem:$0x1FA00] =	vst v63  }
0x161: {  	s22 =	simm.s32 @p1 $0x4  }
0x162: {  	_ =	swait.ge @p1 [sflag:s22], $0x2000  }
0x163: {  	[sflag:s22] =	ssyncset.done @p1 $0x0  }
0x164: {  	s23 =	simm.s32 @p1 $0x1A000;
	[sflag:s22] =	ssyncadd.s32 @p1 $0xFFFFE000;
	s22 =	simm.s32 @p1 $0xF180  }
0x165: {  	[spmem:s3] =	stream.indirect.scatter.add.f32 @p1 [tilespmem:s23], [sflag:$0x8], $0x40, s22, s20, $0xb8;
	[tilespmem:$0x1FA00] =	vst v63  }
0x166: {  	s20 =	simm.s32 @!p1 $0xF100  }
0x167: {  	[spmem:s4] =	stream.indirect.scatter.add.f32 @!p1 [tilespmem:s29], [sflag:$0xA], $0x10, s20, s21, $0xb8;
	[tilespmem:$0x1FA00] =	vst v63  }
0x168: {  	s20 =	simm.s32 @!p1 $0x5  }
0x169: {  	_ =	swait.ge @!p1 [sflag:s20], $0x2000  }
0x16a: {  	[sflag:s20] =	ssyncset.done @!p1 $0x0  }
0x16b: {  	s22 =	simm.s32 @!p1 $0x14000;
	[sflag:s20] =	ssyncadd.s32 @!p1 $0xFFFFE000;
	s20 =	simm.s32 @!p1 $0xA200  }
0x16c: {  	[tilespmem:s22], [sflag:$0x1] =	stream.indirect.gather @!p1 [hbm4b:s1+s21], $0x40, s20, s21, $0xb8;
	[tilespmem:$0x1FA00] =	vst v63  }
0x16d: {  	s20 =	simm.s32 @!p1 $0x4  }
0x16e: {  	_ =	swait.ge @!p1 [sflag:s20], $0x2000  }
0x16f: {  	[sflag:s20] =	ssyncset.done @!p1 $0x0  }
0x170: {  	s22 =	simm.s32 @!p1 $0x1A000;
	[sflag:s20] =	ssyncadd.s32 @!p1 $0xFFFFE000;
	s20 =	simm.s32 @!p1 $0xF180  }
0x171: {  	[spmem:s3] =	stream.indirect.scatter.add.f32 @!p1 [tilespmem:s22], [sflag:$0x8], $0x40, s20, s21, $0xb8;
	[tilespmem:$0x1FA00] =	vst v63  }
0x172: {  	_ = 	snop  }
0x173: {  	[spmem:s4] =	stream.indirect.scatter.add.f32 @!p1 [tilespmem:s29], [sflag:$0xA], $0x10, s20, s21, $0xb8;
	[tilespmem:$0x1FA00] =	vst v63  }
0x174: {  	_ =	swait.ge [sflag:s12], $0x2000  }
0x175: {  	s31 =	simm.s32 $0xA280;
	[sflag:s12] =	ssyncset.done $0x0  }
0x176: {  	s20 =	simm.s32 $0x1;
	s21 =	simm.s32 $0x0;
	[sflag:s12] =	ssyncadd.s32 $0xFFFFE000  }
0x177: {  	[tilespmem:s7], [sflag:$0x2] =	stream.indirect.gather [hbm4b:s1+s0], $0x40, s31, s0, $0xb8;
	[tilespmem:$0x1FA00] =	vst v63  }
.LBB2_8:
0x178: {  	_ =	swait.ge [sflag:s8], $0x2000;
	s22 =	sshra.s32 s21, $0x2  }
0x179: {  	p3 =	sgt.u32 s20, $0x13;
	s29 =	simm.s32 $0x1;
	s31 =	simm.s32 $0x1  }
0x17a: {  	[sflag:s8] =	ssyncset.done $0x0;
	s29 =	simm.s32 @!p3 $0x0;
	s31 =	simm.s32 @!p2 $0x0  }
0x17b: {  	s23 =	sadd.s32 $0xF200, s22;
	[sflag:s8] =	ssyncadd.s32 $0xFFFFE000;
	p4 =	seq.s32 s31, s29  }
0x17c: {  	[spmem:s3] =	stream.indirect.scatter.add.f32 [tilespmem:s6], [sflag:$0x5], $0x40, s23, s0, $0xb8;
	[tilespmem:$0x1FA00] =	vst v63  }
0x17d: {  	s29 =	simm.s32 @!p4 $0x80;
	s31 =	simm.s32 @!p4 $0x1F000  }
0x17e: {  	[spmem:s4] =	stream.indirect.scatter.add.f32 @!p4 [tilespmem:s31], [sflag:$0xA], $0x10, s23, s29, $0xb8;
	[tilespmem:$0x1FA00] =	vst v63  }
0x17f: {  	_ =	swait.ge [sflag:s13], $0x2000  }
0x180: {  	[sflag:s13] =	ssyncset.done $0x0  }
0x181: {  	s29 =	sadd.s32 $0xA300, s22;
	[sflag:s13] =	ssyncadd.s32 $0xFFFFE000  }
0x182: {  	[tilespmem:s11], [sflag:$0x3] =	stream.indirect.gather [hbm4b:s1+s0], $0x40, s29, s0, $0xb8;
	[tilespmem:$0x1FA00] =	vst v63  }
0x183: {  	p6 =	slt.u32 s20, $0x14;
	p5 =	por !p3, !p0;
	_ =	swait.ge [sflag:s14], $0x2000  }
0x184: {  	p5 =	por !p5, !p5;
	p4 =	por !p2, !p6;
	[sflag:s14] =	ssyncset.done $0x0  }
0x185: {  	p4 =	por !p4, !p4;
	s29 =	sadd.s32 $0xF280, s22;
	[sflag:s14] =	ssyncadd.s32 $0xFFFFE000  }
0x186: {  	[spmem:s3] =	stream.indirect.scatter.add.f32 [tilespmem:s7], [sflag:$0x6], $0x40, s29, s0, $0xb8;
	[tilespmem:$0x1FA00] =	vst v63  }
0x187: {  	p4 =	por p4, p5  }
0x188: {  	[spmem:s4] =	stream.indirect.scatter.add.f32 @p4 [tilespmem:s15], [sflag:$0xA], $0x10, s29, s0, $0xb8;
	[tilespmem:$0x1FA00] =	vst v63  }
0x189: {  	_ =	swait.ge [sflag:s16], $0x2000  }
0x18a: {  	[sflag:s16] =	ssyncset.done $0x0  }
0x18b: {  	s31 =	sadd.s32 $0xA380, s22;
	[sflag:s16] =	ssyncadd.s32 $0xFFFFE000  }
0x18c: {  	[tilespmem:s9], [sflag:$0x4] =	stream.indirect.gather [hbm4b:s1+s0], $0x40, s31, s0, $0xb8;
	[tilespmem:$0x1FA00] =	vst v63  }
0x18d: {  	_ =	swait.ge [sflag:s10], $0x2000  }
0x18e: {  	p4 =	por !p3, !p3;
	[sflag:s10] =	ssyncset.done $0x0  }
0x18f: {  	s23 =	sadd.s32 $0xF300, s22;
	p4 =	por @!p2 p3, p3;
	[sflag:s10] =	ssyncadd.s32 $0xFFFFE000  }
0x190: {  	[spmem:s3] =	stream.indirect.scatter.add.f32 [tilespmem:s11], [sflag:$0x7], $0x40, s23, s0, $0xb8;
	[tilespmem:$0x1FA00] =	vst v63  }
0x191: {  	s29 =	simm.s32 @p4 $0x80;
	s31 =	simm.s32 @p4 $0x1F000  }
0x192: {  	[spmem:s4] =	stream.indirect.scatter.add.f32 @p4 [tilespmem:s31], [sflag:$0xA], $0x10, s23, s29, $0xb8;
	[tilespmem:$0x1FA00] =	vst v63  }
0x193: {  	p3 =	seq.s32 s21, $0x13000;
	_ =	swait.ge [sflag:s17], $0x2000  }
0x194: {  	s24 =	simm.s32 @!p3 $0x80;
	s23 =	sshra.s32 @!p3 s21, $0x2;
	[sflag:s17] =	ssyncset.done $0x0  }
0x195: {  	s25 =	simm.s32 @!p3 $0x14000;
	s23 =	sadd.s32 @!p3 $0xA400, s23;
	[sflag:s17] =	ssyncadd.s32 $0xFFFFE000  }
0x196: {  	[tilespmem:s25], [sflag:$0x1] =	stream.indirect.gather @!p3 [hbm4b:s1+s24], $0x40, s23, s24, $0xb8;
	[tilespmem:$0x1FA00] =	vst v63  }
0x197: {  	_ =	swait.ge [sflag:s18], $0x2000  }
0x198: {  	[sflag:s18] =	ssyncset.done $0x0  }
0x199: {  	s23 =	sadd.s32 $0xF380, s22;
	[sflag:s18] =	ssyncadd.s32 $0xFFFFE000  }
0x19a: {  	[spmem:s3] =	stream.indirect.scatter.add.f32 [tilespmem:s9], [sflag:$0x8], $0x40, s23, s0, $0xb8;
	[tilespmem:$0x1FA00] =	vst v63  }
.Ltmp3:
0x19b: {  	_ = 	snop;
	(pc) =	sbr.rel @p3 .LBB2_10-.Ltmp3, $4  }
0x19c: {  	[spmem:s4] =	stream.indirect.scatter.add.f32 @p4 [tilespmem:s31], [sflag:$0xA], $0x10, s23, s29, $0xb8;
	[tilespmem:$0x1FA00] =	vst v63  }
0x19d: {  	_ =	swait.ge [sflag:s12], $0x2000  }
0x19e: {  	[sflag:s12] =	ssyncset.done $0x0  }
0x19f: {  	[sflag:s12] =	ssyncadd.s32 $0xFFFFE000  }
.Ltmp4:
0x1a0: {  	(pc) =	sbr.rel .LBB2_8-.Ltmp4, $3  }
0x1a1: {  	_ =	sdelay $0x1  }
0x1a2: {  	s22 =	sadd.s32 $0xA480, s22;
	s20 =	sadd.s32 $0x1, s20;
	s21 =	sadd.s32 $0x800, s21  }
0x1a3: {  	[tilespmem:s7], [sflag:$0x2] =	stream.indirect.gather [hbm4b:s1+s0], $0x40, s22, s0, $0xb8;
	[tilespmem:$0x1FA00] =	vst v63  }
.LBB2_10:
0x1a4: {  	_ =	swait.ge [sflag:s13], $0x2000  }
0x1a5: {  	[sflag:s13] =	ssyncset.done $0x0  }
0x1a6: {  	[sflag:s13] =	ssyncadd.s32 $0xFFFFE000  }
0x1a7: {  	_ =	swait.ge [sflag:s16], $0x2000  }
0x1a8: {  	[sflag:s16] =	ssyncset.done $0x0  }
0x1a9: {  	[sflag:s16] =	ssyncadd.s32 $0xFFFFE000  }
0x1aa: {  	_ =	swait.ge [sflag:s19], $0x800  }
0x1ab: {  	s20 =	simm.s32 $0x4F;
	[sflag:s19] =	ssyncset.done $0x0  }
.LBB2_11:
0x1ac: {  	p3 =	sne.s32 s20, $0x1;
	s20 =	sadd.s32 $0xFFFFFFFF, s20;
	[sflag:s19] =	ssyncadd.s32 $0xFFFFF800  }
.Ltmp5:
0x1ad: {  	(pc) =	sbr.rel @p3 .LBB2_11-.Ltmp5, $3  }
0x1ae: {  	_ =	sdelay $0x1  }
0x1af: {  	_ =	swait.ge [sflag:s19], $0x800  }
0x1b0: {  	[sflag:s19] =	ssyncset.done $0x0  }
0x1b1: {  	[sflag:s19] =	ssyncadd.s32 $0xFFFFF800  }
0x1b2: {  	[bflag:$0x0] =	sbarrier.arrive $0xFFFF  }
0x1b3: {  	s20 =	stileid.u32;
	s22 =	sld [smem:$0x7FC]  }
0x1b4: {  	s20 =	sshll.u32 s20, $0x6  }
0x1b5: {  	s20 =	sor.u32 $0x1C09, s20;
	s21 =	rddreg [dreg:$0x8]  }
0x1b6: {  	[hbm:s21], [sflag:s20] =	dma.local [spmem:s22], $0x1400  }
0x1b7: {  	s22 =	sld [smem:$0x7FD];
	_ =	sdelay $0x1  }
0x1b8: {  	s21 =	rddreg [dreg:$0x9]  }
0x1b9: {  	[hbm:s21], [sflag:s20] =	dma.local [spmem:s22], $0x500  }
0x1ba: {  	_ =	swait.ge [sflag:s2], $0x500  }
0x1bb: {  	[sflag:s2] =	ssyncset.done $0x0  }
0x1bc: {  	[sflag:s2] =	ssyncadd.s32 $0xFFFFFB00  }
0x1bd: {  	_ =	swait.ge [sflag:s2], $0x1400  }
0x1be: {  	s5 =	sadd.s32 $0x1, s5;
	s31 =	rddreg [dreg:$0xa]  }
0x1bf: {  	p3 =	sne.s32 s5, s31  }
.Ltmp6:
0x1c0: {  	_ = 	snop;
	(pc) =	sbr.rel @p3 .LBB2_1-.Ltmp6, $3  }
0x1c1: {  	_ =	sdelay $0x1  }
0x1c2: {  	[sflag:s2] =	ssyncset.done $0x0  }
0x1c3: {  	s23 =	simm.s32 $0xA000;
	s24 =	simm.s32 $0xF000;
	[sflag:s2] =	ssyncadd.s32 $0xFFFFEC00  }
0x1c4: {  	_ =	sfence.sel $0x180000  }
0x1c5: {  	[bflag:$0x0] =	sbarrier.arrive $0xFFFF  }
0x1c6: {  	_ =	strace $0x90000047  }
0x1c7: {  	s0 =	stileid.u32;
	[bflag:$0x2] =	sbarrier.arrive $0xFFFF  }
0x1c8: {  	p0 =	sne.s32 s0, $0x0;
	s0 =	rddreg [dreg:$0x5]  }
0x1c9: {  	s0 =	sadd.s32 @!p0 $0x100000, s0  }
0x1ca: {  	[sflag:s0] =	ssyncadd.tile.s32 @!p0 $0x1;
	_ =	shalt  }
.Lfunc_end2:
_tile_overlayer_lowered:
.L_overlay_start_2:
0x1cb: {  	(tag) =	ssettag $0x2  }
0x1cc: {  	s0 =	rddreg [dreg:$0x0];
	s2 =	stileid.u32  }
0x1cd: {  	s1 =	rddreg [dreg:$0x1];
	p0 =	sne.s32 s2, $0x0  }
0x1ce: {  	s3 =	rddreg [dreg:$0x2];
	[bflag:$0x3] =	sbarrier.arrive $0xFFFF;
	s2 =	simm.s32 @!p0 $0x1C0B  }
0x1cf: {  	[timem:s3], [sflag:s2] =	dma.local @!p0 [hbm:s0], s1  }
0x1d0: {  	s0 =	simm.s32 @!p0 $0xB  }
0x1d1: {  	_ =	swait.ge @!p0 [sflag:s0], s1  }
0x1d2: {  	s1 =	ssub.s32 @!p0 $0x0, s1;
	[sflag:s0] =	ssyncset.done @!p0 $0x0  }
0x1d3: {  	[sflag:s0] =	ssyncadd.s32 @!p0 s1  }
0x1d4: {  	[bflag:$0x3] =	sbarrier.arrive $0xFFFF  }
0x1d5: {  	_ =	shalt  }

</sc_bundles>
